<compile_context>
chip_gen: v7x
topology: tpu7x:2x2x1
jax: 0.10.2.dev20260603
libtpu: 0.0.44.dev20260713+nightly
codegen_flags: <defaults>
</compile_context>

<pallas_src>
import jax
import jax.numpy as jnp
from jax import lax
from jax.experimental import pallas as pl
from jax.experimental.pallas import tpu as pltpu
from jax.experimental.pallas import tpu_sc as plsc

_DMODEL = 64
_LANES = 16
_NSUB = _DMODEL // _LANES
_NC = 2
_NS = 16
_NW = _NC * _NS
_GROUP = 128
_KG = 2
_CHUNK = _KG * _GROUP
_NBUF = 4
_SCALE = 8.0


def _sc_embedding_body(idx_hbm, table_hbm, out_hbm, idx_v,
                       rows0, rows1, rows2, rows3,
                       sg0, sg1, sg2, sg3, so0, so1, so2, so3):
    n_grp = idx_hbm.shape[0]
    per_w_grp = n_grp // _NW
    n_chunks = per_w_grp // _KG
    wid = lax.axis_index("s") * _NC + lax.axis_index("c")
    g0 = wid * per_w_grp

    rows = (rows0, rows1, rows2, rows3)
    sg = (sg0, sg1, sg2, sg3)
    so = (so0, so1, so2, so3)

    def issue_gathers(chunk, b):
        for j in range(_KG):
            pltpu.async_copy(
                table_hbm.at[idx_v.at[chunk * _KG + j]],
                rows[b].at[pl.ds(j * _GROUP, _GROUP)],
                sg[b],
            )

    def drain_gathers(b):
        for j in range(_KG):
            pltpu.make_async_copy(
                table_hbm.at[idx_v.at[j]],
                rows[b].at[pl.ds(j * _GROUP, _GROUP)],
                sg[b],
            ).wait()

    def scale(b):
        buf = rows[b]

        @plsc.parallel_loop(0, _CHUNK, unroll=8)
        def _scale(r):
            for s in range(_NSUB):
                sl = pl.ds(s * _LANES, _LANES)
                buf[r, sl] = buf[r, sl] * jnp.float32(_SCALE)

    def issue_writeback(chunk, b):
        pltpu.async_copy(
            rows[b], out_hbm.at[pl.ds((g0 + chunk * _KG) * _GROUP, _CHUNK)],
            so[b])

    def wait_writeback(b):
        pltpu.make_async_copy(
            rows[b], out_hbm.at[pl.ds(0, _CHUNK)], so[b]).wait()

    pltpu.sync_copy(idx_hbm.at[pl.ds(g0, per_w_grp)], idx_v)

    for c in range(_NBUF - 1):
        issue_gathers(c, c)

    drain_gathers(0)
    scale(0)
    issue_writeback(0, 0)
    issue_gathers(_NBUF - 1, _NBUF - 1)

    @pl.loop(1, n_chunks - (_NBUF - 1), step=_NBUF)
    def _steady(c):
        for u in range(_NBUF):
            cur = c + u
            b = (1 + u) % _NBUF
            drain_gathers(b)
            scale(b)
            issue_writeback(cur, b)
            nb = (b + _NBUF - 1) % _NBUF
            wait_writeback(nb)
            issue_gathers(cur + _NBUF - 1, nb)

    for u in range(_NBUF - 1):
        cur = n_chunks - (_NBUF - 1) + u
        b = cur % _NBUF
        drain_gathers(b)
        scale(b)
        issue_writeback(cur, b)
    for b in range(_NBUF):
        wait_writeback(b)


@jax.jit
def kernel(token_ids, embedding_table):
    b0, b1 = token_ids.shape
    batch = b0 * b1
    n_grp = batch // _GROUP
    idx2d = token_ids.reshape(n_grp, _GROUP).astype(jnp.int32)

    mesh = plsc.VectorSubcoreMesh(
        core_axis_name="c", subcore_axis_name="s",
        num_cores=_NC, num_subcores=_NS,
    )
    out = pl.kernel(
        _sc_embedding_body,
        out_type=jax.ShapeDtypeStruct((batch, _DMODEL), jnp.float32),
        mesh=mesh,
        compiler_params=pltpu.CompilerParams(use_tc_tiling_on_sc=False),
        scratch_types=[
            pltpu.VMEM((n_grp // _NW, _GROUP), jnp.int32),
            pltpu.VMEM((_CHUNK, _DMODEL), jnp.float32),
            pltpu.VMEM((_CHUNK, _DMODEL), jnp.float32),
            pltpu.VMEM((_CHUNK, _DMODEL), jnp.float32),
            pltpu.VMEM((_CHUNK, _DMODEL), jnp.float32),
            pltpu.SemaphoreType.DMA,
            pltpu.SemaphoreType.DMA,
            pltpu.SemaphoreType.DMA,
            pltpu.SemaphoreType.DMA,
            pltpu.SemaphoreType.DMA,
            pltpu.SemaphoreType.DMA,
            pltpu.SemaphoreType.DMA,
            pltpu.SemaphoreType.DMA,
        ],
    )(idx2d, embedding_table)
    return out.reshape(b0, b1, _DMODEL)

# --- scband reference (transcript-rebuilt; emitter-appended) ---
"""Pipeline reference for scband-embedding-88983132438746 (READ-ONLY COPY).

The authoritative reference and input builder live on the scoring server;
editing this copy changes nothing except your own understanding.
"""

import jax, jax.numpy as jnp
import numpy as np
import math

VOCAB = 1000000
DMODEL = 64

def setup_inputs(seed: int = 0) -> dict:
    key = jax.random.key(seed)
    k1, k2 = jax.random.split(key)
    token_ids = jax.random.randint(k1, (4096, 200), 0, VOCAB, dtype=jnp.int64 if jax.config.jax_enable_x64 else jnp.int32)
    embedding_table = jax.random.normal(k2, (VOCAB, DMODEL), dtype=jnp.float32)
    return {"token_ids": token_ids, "embedding_table": embedding_table}

def reference(token_ids, embedding_table):
    # Faithful translation: nn.Embedding lookup followed by sqrt(dmodel) scaling
    embedding_vector = jnp.take(embedding_table, token_ids, axis=0)
    return embedding_vector * math.sqrt(DMODEL)

if __name__ == "__main__":
    import jax
    _d = setup_inputs()
    print(jax.jit(kernel)(*tuple(_d.values())))

</pallas_src>

<mosaic_0001>
#map = affine_map<(d0, d1) -> (0, 0)>
module attributes {stable_mosaic.version = 14 : i64} {
  func.func @_sc_embedding_body(%arg0: i32, %arg1: i32, %arg2: memref<6400x128xi32, #tpu.memory_space<hbm>>, %arg3: memref<1000000x64xf32, #tpu.memory_space<hbm>>, %arg4: memref<819200x64xf32, #tpu.memory_space<hbm>>, %arg5: memref<200x128xi32, #tpu.memory_space<vmem>>, %arg6: memref<256x64xf32, #tpu.memory_space<vmem>>, %arg7: memref<256x64xf32, #tpu.memory_space<vmem>>, %arg8: memref<256x64xf32, #tpu.memory_space<vmem>>, %arg9: memref<256x64xf32, #tpu.memory_space<vmem>>, %arg10: memref<!tpu.dma_semaphore, #tpu.memory_space<semaphore_mem>>, %arg11: memref<!tpu.dma_semaphore, #tpu.memory_space<semaphore_mem>>, %arg12: memref<!tpu.dma_semaphore, #tpu.memory_space<semaphore_mem>>, %arg13: memref<!tpu.dma_semaphore, #tpu.memory_space<semaphore_mem>>, %arg14: memref<!tpu.dma_semaphore, #tpu.memory_space<semaphore_mem>>, %arg15: memref<!tpu.dma_semaphore, #tpu.memory_space<semaphore_mem>>, %arg16: memref<!tpu.dma_semaphore, #tpu.memory_space<semaphore_mem>>, %arg17: memref<!tpu.dma_semaphore, #tpu.memory_space<semaphore_mem>>) attributes {dimension_semantics = [#tpu.dimension_semantics<core_parallel>, #tpu.dimension_semantics<subcore_parallel>], iteration_bounds = array<i64: 2, 16>, scalar_prefetch = 0 : i64, scratch_operands = 13 : i64, tpu.core_type = #tpu.core_type<sc_vector_subcore>, window_params = [{transform_indices = #map}, {transform_indices = #map}, {transform_indices = #map}]} {
    %mul3A = arith.constant 2 : i32
    %mul3A_0 = arith.muli %arg1, %mul3A : i32
    %add3A = arith.addi %mul3A_0, %arg0 : i32
    %mul3A_1 = arith.constant 200 : i32
    %mul3A_2 = arith.muli %add3A, %mul3A_1 : i32
    "tpu.region"() ({
      %run_scoped3A = tpu.sem_alloc : memref<!tpu.dma_semaphore, #tpu.memory_space<semaphore_mem>>
      %dma_start3A_232 = arith.constant 0 : i32
      %dma_start3A_233 = tpu.memref_slice %arg2[%mul3A_2, %dma_start3A_232] : memref<6400x128xi32, #tpu.memory_space<hbm>> -> memref<200x128xi32, #tpu.memory_space<hbm>>
      %dma_start3A_234 = arith.constant 0 : i32
      %dma_start3A_235 = tpu.memref_slice %arg2[%mul3A_2, %dma_start3A_234] : memref<6400x128xi32, #tpu.memory_space<hbm>> -> memref<200x128xi32, #tpu.memory_space<hbm>>
      tpu.enqueue_dma source(%dma_start3A_235 : memref<200x128xi32, #tpu.memory_space<hbm>>) target(%arg5 : memref<200x128xi32, #tpu.memory_space<vmem>>) target_semaphore(%run_scoped3A : memref<!tpu.dma_semaphore, #tpu.memory_space<semaphore_mem>>)
      %dma_wait3A_236 = arith.constant 0 : i32
      %dma_wait3A_237 = tpu.memref_slice %arg2[%mul3A_2, %dma_wait3A_236] : memref<6400x128xi32, #tpu.memory_space<hbm>> -> memref<200x128xi32, #tpu.memory_space<hbm>>
      %dma_wait3A_238 = arith.constant 0 : i32
      %dma_wait3A_239 = tpu.memref_slice %arg2[%mul3A_2, %dma_wait3A_238] : memref<6400x128xi32, #tpu.memory_space<hbm>> -> memref<200x128xi32, #tpu.memory_space<hbm>>
      tpu.wait_dma2 semaphore(%run_scoped3A : memref<!tpu.dma_semaphore, #tpu.memory_space<semaphore_mem>>) src(%dma_wait3A_239 : memref<200x128xi32, #tpu.memory_space<hbm>>) dst(%arg5 : memref<200x128xi32, #tpu.memory_space<vmem>>)
      tpu.yield
    }) : () -> ()
    %dma_start3A = arith.constant 0 : i32
    %dma_start3A_3 = arith.constant 0 : i32
    %dma_start3A_4 = arith.constant 0 : i32
    %dma_start3A_5 = tpu.memref_slice %arg6[%dma_start3A_3, %dma_start3A_4] : memref<256x64xf32, #tpu.memory_space<vmem>> -> memref<128x64xf32, #tpu.memory_space<vmem>>
    %dma_start3A_6 = arith.constant 0 : i32
    %dma_start3A_7 = tpu.memref_slice %arg5[%dma_start3A, %dma_start3A_6] : memref<200x128xi32, #tpu.memory_space<vmem>> -> memref<1x128xi32, #tpu.memory_space<vmem>>
    %dma_start3A_8 = tpu.memref_squeeze %dma_start3A_7 : memref<1x128xi32, #tpu.memory_space<vmem>> -> memref<128xi32, #tpu.memory_space<vmem>>
    %dma_start3A_9 = arith.constant 0 : i32
    %dma_start3A_10 = arith.constant 0 : i32
    %dma_start3A_11 = tpu.memref_slice %arg3[%dma_start3A_9, %dma_start3A_10] : memref<1000000x64xf32, #tpu.memory_space<hbm>> -> memref<1000000x64xf32, #tpu.memory_space<hbm>>
    tpu.enqueue_indirect_dma source(%dma_start3A_11 : memref<1000000x64xf32, #tpu.memory_space<hbm>>) target(%dma_start3A_5 : memref<128x64xf32, #tpu.memory_space<vmem>>) offsets(%dma_start3A_8 : memref<128xi32, #tpu.memory_space<vmem>>) semaphore(%arg10 : memref<!tpu.dma_semaphore, #tpu.memory_space<semaphore_mem>>)
    %dma_start3A_12 = arith.constant 1 : i32
    %dma_start3A_13 = arith.constant 128 : i32
    %dma_start3A_14 = arith.constant 0 : i32
    %dma_start3A_15 = tpu.memref_slice %arg6[%dma_start3A_13, %dma_start3A_14] : memref<256x64xf32, #tpu.memory_space<vmem>> -> memref<128x64xf32, #tpu.memory_space<vmem>>
    %dma_start3A_16 = arith.constant 0 : i32
    %dma_start3A_17 = tpu.memref_slice %arg5[%dma_start3A_12, %dma_start3A_16] : memref<200x128xi32, #tpu.memory_space<vmem>> -> memref<1x128xi32, #tpu.memory_space<vmem>>
    %dma_start3A_18 = tpu.memref_squeeze %dma_start3A_17 : memref<1x128xi32, #tpu.memory_space<vmem>> -> memref<128xi32, #tpu.memory_space<vmem>>
    %dma_start3A_19 = arith.constant 0 : i32
    %dma_start3A_20 = arith.constant 0 : i32
    %dma_start3A_21 = tpu.memref_slice %arg3[%dma_start3A_19, %dma_start3A_20] : memref<1000000x64xf32, #tpu.memory_space<hbm>> -> memref<1000000x64xf32, #tpu.memory_space<hbm>>
    tpu.enqueue_indirect_dma source(%dma_start3A_21 : memref<1000000x64xf32, #tpu.memory_space<hbm>>) target(%dma_start3A_15 : memref<128x64xf32, #tpu.memory_space<vmem>>) offsets(%dma_start3A_18 : memref<128xi32, #tpu.memory_space<vmem>>) semaphore(%arg10 : memref<!tpu.dma_semaphore, #tpu.memory_space<semaphore_mem>>)
    %dma_start3A_22 = arith.constant 2 : i32
    %dma_start3A_23 = arith.constant 0 : i32
    %dma_start3A_24 = arith.constant 0 : i32
    %dma_start3A_25 = tpu.memref_slice %arg7[%dma_start3A_23, %dma_start3A_24] : memref<256x64xf32, #tpu.memory_space<vmem>> -> memref<128x64xf32, #tpu.memory_space<vmem>>
    %dma_start3A_26 = arith.constant 0 : i32
    %dma_start3A_27 = tpu.memref_slice %arg5[%dma_start3A_22, %dma_start3A_26] : memref<200x128xi32, #tpu.memory_space<vmem>> -> memref<1x128xi32, #tpu.memory_space<vmem>>
    %dma_start3A_28 = tpu.memref_squeeze %dma_start3A_27 : memref<1x128xi32, #tpu.memory_space<vmem>> -> memref<128xi32, #tpu.memory_space<vmem>>
    %dma_start3A_29 = arith.constant 0 : i32
    %dma_start3A_30 = arith.constant 0 : i32
    %dma_start3A_31 = tpu.memref_slice %arg3[%dma_start3A_29, %dma_start3A_30] : memref<1000000x64xf32, #tpu.memory_space<hbm>> -> memref<1000000x64xf32, #tpu.memory_space<hbm>>
    tpu.enqueue_indirect_dma source(%dma_start3A_31 : memref<1000000x64xf32, #tpu.memory_space<hbm>>) target(%dma_start3A_25 : memref<128x64xf32, #tpu.memory_space<vmem>>) offsets(%dma_start3A_28 : memref<128xi32, #tpu.memory_space<vmem>>) semaphore(%arg11 : memref<!tpu.dma_semaphore, #tpu.memory_space<semaphore_mem>>)
    %dma_start3A_32 = arith.constant 3 : i32
    %dma_start3A_33 = arith.constant 128 : i32
    %dma_start3A_34 = arith.constant 0 : i32
    %dma_start3A_35 = tpu.memref_slice %arg7[%dma_start3A_33, %dma_start3A_34] : memref<256x64xf32, #tpu.memory_space<vmem>> -> memref<128x64xf32, #tpu.memory_space<vmem>>
    %dma_start3A_36 = arith.constant 0 : i32
    %dma_start3A_37 = tpu.memref_slice %arg5[%dma_start3A_32, %dma_start3A_36] : memref<200x128xi32, #tpu.memory_space<vmem>> -> memref<1x128xi32, #tpu.memory_space<vmem>>
    %dma_start3A_38 = tpu.memref_squeeze %dma_start3A_37 : memref<1x128xi32, #tpu.memory_space<vmem>> -> memref<128xi32, #tpu.memory_space<vmem>>
    %dma_start3A_39 = arith.constant 0 : i32
    %dma_start3A_40 = arith.constant 0 : i32
    %dma_start3A_41 = tpu.memref_slice %arg3[%dma_start3A_39, %dma_start3A_40] : memref<1000000x64xf32, #tpu.memory_space<hbm>> -> memref<1000000x64xf32, #tpu.memory_space<hbm>>
    tpu.enqueue_indirect_dma source(%dma_start3A_41 : memref<1000000x64xf32, #tpu.memory_space<hbm>>) target(%dma_start3A_35 : memref<128x64xf32, #tpu.memory_space<vmem>>) offsets(%dma_start3A_38 : memref<128xi32, #tpu.memory_space<vmem>>) semaphore(%arg11 : memref<!tpu.dma_semaphore, #tpu.memory_space<semaphore_mem>>)
    %dma_start3A_42 = arith.constant 4 : i32
    %dma_start3A_43 = arith.constant 0 : i32
    %dma_start3A_44 = arith.constant 0 : i32
    %dma_start3A_45 = tpu.memref_slice %arg8[%dma_start3A_43, %dma_start3A_44] : memref<256x64xf32, #tpu.memory_space<vmem>> -> memref<128x64xf32, #tpu.memory_space<vmem>>
    %dma_start3A_46 = arith.constant 0 : i32
    %dma_start3A_47 = tpu.memref_slice %arg5[%dma_start3A_42, %dma_start3A_46] : memref<200x128xi32, #tpu.memory_space<vmem>> -> memref<1x128xi32, #tpu.memory_space<vmem>>
    %dma_start3A_48 = tpu.memref_squeeze %dma_start3A_47 : memref<1x128xi32, #tpu.memory_space<vmem>> -> memref<128xi32, #tpu.memory_space<vmem>>
    %dma_start3A_49 = arith.constant 0 : i32
    %dma_start3A_50 = arith.constant 0 : i32
    %dma_start3A_51 = tpu.memref_slice %arg3[%dma_start3A_49, %dma_start3A_50] : memref<1000000x64xf32, #tpu.memory_space<hbm>> -> memref<1000000x64xf32, #tpu.memory_space<hbm>>
    tpu.enqueue_indirect_dma source(%dma_start3A_51 : memref<1000000x64xf32, #tpu.memory_space<hbm>>) target(%dma_start3A_45 : memref<128x64xf32, #tpu.memory_space<vmem>>) offsets(%dma_start3A_48 : memref<128xi32, #tpu.memory_space<vmem>>) semaphore(%arg12 : memref<!tpu.dma_semaphore, #tpu.memory_space<semaphore_mem>>)
    %dma_start3A_52 = arith.constant 5 : i32
    %dma_start3A_53 = arith.constant 128 : i32
    %dma_start3A_54 = arith.constant 0 : i32
    %dma_start3A_55 = tpu.memref_slice %arg8[%dma_start3A_53, %dma_start3A_54] : memref<256x64xf32, #tpu.memory_space<vmem>> -> memref<128x64xf32, #tpu.memory_space<vmem>>
    %dma_start3A_56 = arith.constant 0 : i32
    %dma_start3A_57 = tpu.memref_slice %arg5[%dma_start3A_52, %dma_start3A_56] : memref<200x128xi32, #tpu.memory_space<vmem>> -> memref<1x128xi32, #tpu.memory_space<vmem>>
    %dma_start3A_58 = tpu.memref_squeeze %dma_start3A_57 : memref<1x128xi32, #tpu.memory_space<vmem>> -> memref<128xi32, #tpu.memory_space<vmem>>
    %dma_start3A_59 = arith.constant 0 : i32
    %dma_start3A_60 = arith.constant 0 : i32
    %dma_start3A_61 = tpu.memref_slice %arg3[%dma_start3A_59, %dma_start3A_60] : memref<1000000x64xf32, #tpu.memory_space<hbm>> -> memref<1000000x64xf32, #tpu.memory_space<hbm>>
    tpu.enqueue_indirect_dma source(%dma_start3A_61 : memref<1000000x64xf32, #tpu.memory_space<hbm>>) target(%dma_start3A_55 : memref<128x64xf32, #tpu.memory_space<vmem>>) offsets(%dma_start3A_58 : memref<128xi32, #tpu.memory_space<vmem>>) semaphore(%arg12 : memref<!tpu.dma_semaphore, #tpu.memory_space<semaphore_mem>>)
    %dma_wait3A = arith.constant 0 : i32
    %dma_wait3A_62 = arith.constant 0 : i32
    %dma_wait3A_63 = arith.constant 0 : i32
    %dma_wait3A_64 = tpu.memref_slice %arg6[%dma_wait3A_62, %dma_wait3A_63] : memref<256x64xf32, #tpu.memory_space<vmem>> -> memref<128x64xf32, #tpu.memory_space<vmem>>
    %dma_wait3A_65 = arith.constant 0 : i32
    %dma_wait3A_66 = tpu.memref_slice %arg5[%dma_wait3A, %dma_wait3A_65] : memref<200x128xi32, #tpu.memory_space<vmem>> -> memref<1x128xi32, #tpu.memory_space<vmem>>
    %dma_wait3A_67 = tpu.memref_squeeze %dma_wait3A_66 : memref<1x128xi32, #tpu.memory_space<vmem>> -> memref<128xi32, #tpu.memory_space<vmem>>
    %dma_wait3A_68 = arith.constant 0 : i32
    %dma_wait3A_69 = arith.constant 0 : i32
    %dma_wait3A_70 = tpu.memref_slice %arg3[%dma_wait3A_68, %dma_wait3A_69] : memref<1000000x64xf32, #tpu.memory_space<hbm>> -> memref<1000000x64xf32, #tpu.memory_space<hbm>>
    tpu.wait_indirect_dma semaphore(%arg10 : memref<!tpu.dma_semaphore, #tpu.memory_space<semaphore_mem>>) src(%dma_wait3A_70 : memref<1000000x64xf32, #tpu.memory_space<hbm>>) dst(%dma_wait3A_64 : memref<128x64xf32, #tpu.memory_space<vmem>>)
    %dma_wait3A_71 = arith.constant 1 : i32
    %dma_wait3A_72 = arith.constant 128 : i32
    %dma_wait3A_73 = arith.constant 0 : i32
    %dma_wait3A_74 = tpu.memref_slice %arg6[%dma_wait3A_72, %dma_wait3A_73] : memref<256x64xf32, #tpu.memory_space<vmem>> -> memref<128x64xf32, #tpu.memory_space<vmem>>
    %dma_wait3A_75 = arith.constant 0 : i32
    %dma_wait3A_76 = tpu.memref_slice %arg5[%dma_wait3A_71, %dma_wait3A_75] : memref<200x128xi32, #tpu.memory_space<vmem>> -> memref<1x128xi32, #tpu.memory_space<vmem>>
    %dma_wait3A_77 = tpu.memref_squeeze %dma_wait3A_76 : memref<1x128xi32, #tpu.memory_space<vmem>> -> memref<128xi32, #tpu.memory_space<vmem>>
    %dma_wait3A_78 = arith.constant 0 : i32
    %dma_wait3A_79 = arith.constant 0 : i32
    %dma_wait3A_80 = tpu.memref_slice %arg3[%dma_wait3A_78, %dma_wait3A_79] : memref<1000000x64xf32, #tpu.memory_space<hbm>> -> memref<1000000x64xf32, #tpu.memory_space<hbm>>
    tpu.wait_indirect_dma semaphore(%arg10 : memref<!tpu.dma_semaphore, #tpu.memory_space<semaphore_mem>>) src(%dma_wait3A_80 : memref<1000000x64xf32, #tpu.memory_space<hbm>>) dst(%dma_wait3A_74 : memref<128x64xf32, #tpu.memory_space<vmem>>)
    %parallel_loop3A = arith.constant 0 : i32
    %parallel_loop3A_81 = arith.constant 256 : i32
    %parallel_loop3A_82 = arith.constant 1 : i32
    scf.for %parallel_loop3A_232 = %parallel_loop3A to %parallel_loop3A_81 step %parallel_loop3A_82  : i32 {
      %parallel_loop3A_233 = arith.index_cast %parallel_loop3A_232 : i32 to index
      %parallel_loop3A_234 = arith.constant 0 : index
      %parallel_loop3A_235 = tpu.vector_load %arg6[%parallel_loop3A_233, %parallel_loop3A_234] {strides = array<i32>} : memref<256x64xf32, #tpu.memory_space<vmem>>, vector<1x16xf32>,
      %parallel_loop3A_236 = vector.shape_cast %parallel_loop3A_235 : vector<1x16xf32> to vector<16xf32>
      %parallel_loop3A_237 = arith.constant 8.000000e+00 : f32
      %parallel_loop3A_238 = vector.broadcast %parallel_loop3A_237 : f32 to vector<16xf32>
      %parallel_loop3A_239 = arith.mulf %parallel_loop3A_236, %parallel_loop3A_238 : vector<16xf32>
      %parallel_loop3A_240 = arith.index_cast %parallel_loop3A_232 : i32 to index
      %parallel_loop3A_241 = arith.constant 0 : index
      %parallel_loop3A_242 = tpu.vector_load %arg6[%parallel_loop3A_240, %parallel_loop3A_241] {strides = array<i32>} : memref<256x64xf32, #tpu.memory_space<vmem>>, vector<1x16xf32>,
      %parallel_loop3A_243 = vector.shape_cast %parallel_loop3A_242 : vector<1x16xf32> to vector<16xf32>
      %parallel_loop3A_244 = vector.shape_cast %parallel_loop3A_239 : vector<16xf32> to vector<1x16xf32>
      tpu.vector_store %arg6[%parallel_loop3A_240, %parallel_loop3A_241], %parallel_loop3A_244 {strides = array<i32>} : memref<256x64xf32, #tpu.memory_space<vmem>>, vector<1x16xf32>,
      %parallel_loop3A_245 = arith.index_cast %parallel_loop3A_232 : i32 to index
      %parallel_loop3A_246 = arith.constant 16 : index
      %parallel_loop3A_247 = tpu.vector_load %arg6[%parallel_loop3A_245, %parallel_loop3A_246] {strides = array<i32>} : memref<256x64xf32, #tpu.memory_space<vmem>>, vector<1x16xf32>,
      %parallel_loop3A_248 = vector.shape_cast %parallel_loop3A_247 : vector<1x16xf32> to vector<16xf32>
      %parallel_loop3A_249 = arith.constant 8.000000e+00 : f32
      %parallel_loop3A_250 = vector.broadcast %parallel_loop3A_249 : f32 to vector<16xf32>
      %parallel_loop3A_251 = arith.mulf %parallel_loop3A_248, %parallel_loop3A_250 : vector<16xf32>
      %parallel_loop3A_252 = arith.index_cast %parallel_loop3A_232 : i32 to index
      %parallel_loop3A_253 = arith.constant 16 : index
      %parallel_loop3A_254 = tpu.vector_load %arg6[%parallel_loop3A_252, %parallel_loop3A_253] {strides = array<i32>} : memref<256x64xf32, #tpu.memory_space<vmem>>, vector<1x16xf32>,
      %parallel_loop3A_255 = vector.shape_cast %parallel_loop3A_254 : vector<1x16xf32> to vector<16xf32>
      %parallel_loop3A_256 = vector.shape_cast %parallel_loop3A_251 : vector<16xf32> to vector<1x16xf32>
      tpu.vector_store %arg6[%parallel_loop3A_252, %parallel_loop3A_253], %parallel_loop3A_256 {strides = array<i32>} : memref<256x64xf32, #tpu.memory_space<vmem>>, vector<1x16xf32>,
      %parallel_loop3A_257 = arith.index_cast %parallel_loop3A_232 : i32 to index
      %parallel_loop3A_258 = arith.constant 32 : index
      %parallel_loop3A_259 = tpu.vector_load %arg6[%parallel_loop3A_257, %parallel_loop3A_258] {strides = array<i32>} : memref<256x64xf32, #tpu.memory_space<vmem>>, vector<1x16xf32>,
      %parallel_loop3A_260 = vector.shape_cast %parallel_loop3A_259 : vector<1x16xf32> to vector<16xf32>
      %parallel_loop3A_261 = arith.constant 8.000000e+00 : f32
      %parallel_loop3A_262 = vector.broadcast %parallel_loop3A_261 : f32 to vector<16xf32>
      %parallel_loop3A_263 = arith.mulf %parallel_loop3A_260, %parallel_loop3A_262 : vector<16xf32>
      %parallel_loop3A_264 = arith.index_cast %parallel_loop3A_232 : i32 to index
      %parallel_loop3A_265 = arith.constant 32 : index
      %parallel_loop3A_266 = tpu.vector_load %arg6[%parallel_loop3A_264, %parallel_loop3A_265] {strides = array<i32>} : memref<256x64xf32, #tpu.memory_space<vmem>>, vector<1x16xf32>,
      %parallel_loop3A_267 = vector.shape_cast %parallel_loop3A_266 : vector<1x16xf32> to vector<16xf32>
      %parallel_loop3A_268 = vector.shape_cast %parallel_loop3A_263 : vector<16xf32> to vector<1x16xf32>
      tpu.vector_store %arg6[%parallel_loop3A_264, %parallel_loop3A_265], %parallel_loop3A_268 {strides = array<i32>} : memref<256x64xf32, #tpu.memory_space<vmem>>, vector<1x16xf32>,
      %parallel_loop3A_269 = arith.index_cast %parallel_loop3A_232 : i32 to index
      %parallel_loop3A_270 = arith.constant 48 : index
      %parallel_loop3A_271 = tpu.vector_load %arg6[%parallel_loop3A_269, %parallel_loop3A_270] {strides = array<i32>} : memref<256x64xf32, #tpu.memory_space<vmem>>, vector<1x16xf32>,
      %parallel_loop3A_272 = vector.shape_cast %parallel_loop3A_271 : vector<1x16xf32> to vector<16xf32>
      %parallel_loop3A_273 = arith.constant 8.000000e+00 : f32
      %parallel_loop3A_274 = vector.broadcast %parallel_loop3A_273 : f32 to vector<16xf32>
      %parallel_loop3A_275 = arith.mulf %parallel_loop3A_272, %parallel_loop3A_274 : vector<16xf32>
      %parallel_loop3A_276 = arith.index_cast %parallel_loop3A_232 : i32 to index
      %parallel_loop3A_277 = arith.constant 48 : index
      %parallel_loop3A_278 = tpu.vector_load %arg6[%parallel_loop3A_276, %parallel_loop3A_277] {strides = array<i32>} : memref<256x64xf32, #tpu.memory_space<vmem>>, vector<1x16xf32>,
      %parallel_loop3A_279 = vector.shape_cast %parallel_loop3A_278 : vector<1x16xf32> to vector<16xf32>
      %parallel_loop3A_280 = vector.shape_cast %parallel_loop3A_275 : vector<16xf32> to vector<1x16xf32>
      tpu.vector_store %arg6[%parallel_loop3A_276, %parallel_loop3A_277], %parallel_loop3A_280 {strides = array<i32>} : memref<256x64xf32, #tpu.memory_space<vmem>>, vector<1x16xf32>,
    } {sc.loop_unroll_factor = 8 : i64, sc.parallel_access}
    %add3A_83 = arith.constant 0 : i32
    %add3A_84 = arith.addi %mul3A_2, %add3A_83 : i32
    %mul3A_85 = arith.constant 128 : i32
    %mul3A_86 = arith.muli %add3A_84, %mul3A_85 : i32
    %dma_start3A_87 = arith.constant 0 : i32
    %dma_start3A_88 = tpu.memref_slice %arg4[%mul3A_86, %dma_start3A_87] : memref<819200x64xf32, #tpu.memory_space<hbm>> -> memref<256x64xf32, #tpu.memory_space<hbm>>
    %dma_start3A_89 = arith.constant 0 : i32
    %dma_start3A_90 = tpu.memref_slice %arg4[%mul3A_86, %dma_start3A_89] : memref<819200x64xf32, #tpu.memory_space<hbm>> -> memref<256x64xf32, #tpu.memory_space<hbm>>
    tpu.enqueue_dma source(%arg6 : memref<256x64xf32, #tpu.memory_space<vmem>>) target(%dma_start3A_90 : memref<256x64xf32, #tpu.memory_space<hbm>>) target_semaphore(%arg14 : memref<!tpu.dma_semaphore, #tpu.memory_space<semaphore_mem>>)
    %dma_start3A_91 = arith.constant 6 : i32
    %dma_start3A_92 = arith.constant 0 : i32
    %dma_start3A_93 = arith.constant 0 : i32
    %dma_start3A_94 = tpu.memref_slice %arg9[%dma_start3A_92, %dma_start3A_93] : memref<256x64xf32, #tpu.memory_space<vmem>> -> memref<128x64xf32, #tpu.memory_space<vmem>>
    %dma_start3A_95 = arith.constant 0 : i32
    %dma_start3A_96 = tpu.memref_slice %arg5[%dma_start3A_91, %dma_start3A_95] : memref<200x128xi32, #tpu.memory_space<vmem>> -> memref<1x128xi32, #tpu.memory_space<vmem>>
    %dma_start3A_97 = tpu.memref_squeeze %dma_start3A_96 : memref<1x128xi32, #tpu.memory_space<vmem>> -> memref<128xi32, #tpu.memory_space<vmem>>
    %dma_start3A_98 = arith.constant 0 : i32
    %dma_start3A_99 = arith.constant 0 : i32
    %dma_start3A_100 = tpu.memref_slice %arg3[%dma_start3A_98, %dma_start3A_99] : memref<1000000x64xf32, #tpu.memory_space<hbm>> -> memref<1000000x64xf32, #tpu.memory_space<hbm>>
    tpu.enqueue_indirect_dma source(%dma_start3A_100 : memref<1000000x64xf32, #tpu.memory_space<hbm>>) target(%dma_start3A_94 : memref<128x64xf32, #tpu.memory_space<vmem>>) offsets(%dma_start3A_97 : memref<128xi32, #tpu.memory_space<vmem>>) semaphore(%arg13 : memref<!tpu.dma_semaphore, #tpu.memory_space<semaphore_mem>>)
    %dma_start3A_101 = arith.constant 7 : i32
    %dma_start3A_102 = arith.constant 128 : i32
    %dma_start3A_103 = arith.constant 0 : i32
    %dma_start3A_104 = tpu.memref_slice %arg9[%dma_start3A_102, %dma_start3A_103] : memref<256x64xf32, #tpu.memory_space<vmem>> -> memref<128x64xf32, #tpu.memory_space<vmem>>
    %dma_start3A_105 = arith.constant 0 : i32
    %dma_start3A_106 = tpu.memref_slice %arg5[%dma_start3A_101, %dma_start3A_105] : memref<200x128xi32, #tpu.memory_space<vmem>> -> memref<1x128xi32, #tpu.memory_space<vmem>>
    %dma_start3A_107 = tpu.memref_squeeze %dma_start3A_106 : memref<1x128xi32, #tpu.memory_space<vmem>> -> memref<128xi32, #tpu.memory_space<vmem>>
    %dma_start3A_108 = arith.constant 0 : i32
    %dma_start3A_109 = arith.constant 0 : i32
    %dma_start3A_110 = tpu.memref_slice %arg3[%dma_start3A_108, %dma_start3A_109] : memref<1000000x64xf32, #tpu.memory_space<hbm>> -> memref<1000000x64xf32, #tpu.memory_space<hbm>>
    tpu.enqueue_indirect_dma source(%dma_start3A_110 : memref<1000000x64xf32, #tpu.memory_space<hbm>>) target(%dma_start3A_104 : memref<128x64xf32, #tpu.memory_space<vmem>>) offsets(%dma_start3A_107 : memref<128xi32, #tpu.memory_space<vmem>>) semaphore(%arg13 : memref<!tpu.dma_semaphore, #tpu.memory_space<semaphore_mem>>)
    %scan3A = arith.constant 0 : i32
    %scan3A_111 = arith.constant 24 : i32
    %scan3A_112 = arith.addi %scan3A, %scan3A_111 : i32
    %scan3A_113 = arith.constant 1 : i32
    scf.for %scan3A_232 = %scan3A to %scan3A_112 step %scan3A_113  : i32 {
      %mul3A_233 = arith.constant 4 : i32
      %mul3A_234 = arith.muli %scan3A_232, %mul3A_233 : i32
      %add3A_235 = arith.constant 1 : i32
      %add3A_236 = arith.addi %add3A_235, %mul3A_234 : i32
      %add3A_237 = arith.constant 0 : i32
      %add3A_238 = arith.addi %add3A_236, %add3A_237 : i32
      %dma_wait3A_239 = arith.constant 0 : i32
      %dma_wait3A_240 = arith.constant 0 : i32
      %dma_wait3A_241 = arith.constant 0 : i32
      %dma_wait3A_242 = tpu.memref_slice %arg7[%dma_wait3A_240, %dma_wait3A_241] : memref<256x64xf32, #tpu.memory_space<vmem>> -> memref<128x64xf32, #tpu.memory_space<vmem>>
      %dma_wait3A_243 = arith.constant 0 : i32
      %dma_wait3A_244 = tpu.memref_slice %arg5[%dma_wait3A_239, %dma_wait3A_243] : memref<200x128xi32, #tpu.memory_space<vmem>> -> memref<1x128xi32, #tpu.memory_space<vmem>>
      %dma_wait3A_245 = tpu.memref_squeeze %dma_wait3A_244 : memref<1x128xi32, #tpu.memory_space<vmem>> -> memref<128xi32, #tpu.memory_space<vmem>>
      %dma_wait3A_246 = arith.constant 0 : i32
      %dma_wait3A_247 = arith.constant 0 : i32
      %dma_wait3A_248 = tpu.memref_slice %arg3[%dma_wait3A_246, %dma_wait3A_247] : memref<1000000x64xf32, #tpu.memory_space<hbm>> -> memref<1000000x64xf32, #tpu.memory_space<hbm>>
      tpu.wait_indirect_dma semaphore(%arg11 : memref<!tpu.dma_semaphore, #tpu.memory_space<semaphore_mem>>) src(%dma_wait3A_248 : memref<1000000x64xf32, #tpu.memory_space<hbm>>) dst(%dma_wait3A_242 : memref<128x64xf32, #tpu.memory_space<vmem>>)
      %dma_wait3A_249 = arith.constant 1 : i32
      %dma_wait3A_250 = arith.constant 128 : i32
      %dma_wait3A_251 = arith.constant 0 : i32
      %dma_wait3A_252 = tpu.memref_slice %arg7[%dma_wait3A_250, %dma_wait3A_251] : memref<256x64xf32, #tpu.memory_space<vmem>> -> memref<128x64xf32, #tpu.memory_space<vmem>>
      %dma_wait3A_253 = arith.constant 0 : i32
      %dma_wait3A_254 = tpu.memref_slice %arg5[%dma_wait3A_249, %dma_wait3A_253] : memref<200x128xi32, #tpu.memory_space<vmem>> -> memref<1x128xi32, #tpu.memory_space<vmem>>
      %dma_wait3A_255 = tpu.memref_squeeze %dma_wait3A_254 : memref<1x128xi32, #tpu.memory_space<vmem>> -> memref<128xi32, #tpu.memory_space<vmem>>
      %dma_wait3A_256 = arith.constant 0 : i32
      %dma_wait3A_257 = arith.constant 0 : i32
      %dma_wait3A_258 = tpu.memref_slice %arg3[%dma_wait3A_256, %dma_wait3A_257] : memref<1000000x64xf32, #tpu.memory_space<hbm>> -> memref<1000000x64xf32, #tpu.memory_space<hbm>>
      tpu.wait_indirect_dma semaphore(%arg11 : memref<!tpu.dma_semaphore, #tpu.memory_space<semaphore_mem>>) src(%dma_wait3A_258 : memref<1000000x64xf32, #tpu.memory_space<hbm>>) dst(%dma_wait3A_252 : memref<128x64xf32, #tpu.memory_space<vmem>>)
      %parallel_loop3A_259 = arith.constant 0 : i32
      %parallel_loop3A_260 = arith.constant 256 : i32
      %parallel_loop3A_261 = arith.constant 1 : i32
      scf.for %parallel_loop3A_516 = %parallel_loop3A_259 to %parallel_loop3A_260 step %parallel_loop3A_261  : i32 {
        %parallel_loop3A_517 = arith.index_cast %parallel_loop3A_516 : i32 to index
        %parallel_loop3A_518 = arith.constant 0 : index
        %parallel_loop3A_519 = tpu.vector_load %arg7[%parallel_loop3A_517, %parallel_loop3A_518] {strides = array<i32>} : memref<256x64xf32, #tpu.memory_space<vmem>>, vector<1x16xf32>,
        %parallel_loop3A_520 = vector.shape_cast %parallel_loop3A_519 : vector<1x16xf32> to vector<16xf32>
        %parallel_loop3A_521 = arith.constant 8.000000e+00 : f32
        %parallel_loop3A_522 = vector.broadcast %parallel_loop3A_521 : f32 to vector<16xf32>
        %parallel_loop3A_523 = arith.mulf %parallel_loop3A_520, %parallel_loop3A_522 : vector<16xf32>
        %parallel_loop3A_524 = arith.index_cast %parallel_loop3A_516 : i32 to index
        %parallel_loop3A_525 = arith.constant 0 : index
        %parallel_loop3A_526 = tpu.vector_load %arg7[%parallel_loop3A_524, %parallel_loop3A_525] {strides = array<i32>} : memref<256x64xf32, #tpu.memory_space<vmem>>, vector<1x16xf32>,
        %parallel_loop3A_527 = vector.shape_cast %parallel_loop3A_526 : vector<1x16xf32> to vector<16xf32>
        %parallel_loop3A_528 = vector.shape_cast %parallel_loop3A_523 : vector<16xf32> to vector<1x16xf32>
        tpu.vector_store %arg7[%parallel_loop3A_524, %parallel_loop3A_525], %parallel_loop3A_528 {strides = array<i32>} : memref<256x64xf32, #tpu.memory_space<vmem>>, vector<1x16xf32>,
        %parallel_loop3A_529 = arith.index_cast %parallel_loop3A_516 : i32 to index
        %parallel_loop3A_530 = arith.constant 16 : index
        %parallel_loop3A_531 = tpu.vector_load %arg7[%parallel_loop3A_529, %parallel_loop3A_530] {strides = array<i32>} : memref<256x64xf32, #tpu.memory_space<vmem>>, vector<1x16xf32>,
        %parallel_loop3A_532 = vector.shape_cast %parallel_loop3A_531 : vector<1x16xf32> to vector<16xf32>
        %parallel_loop3A_533 = arith.constant 8.000000e+00 : f32
        %parallel_loop3A_534 = vector.broadcast %parallel_loop3A_533 : f32 to vector<16xf32>
        %parallel_loop3A_535 = arith.mulf %parallel_loop3A_532, %parallel_loop3A_534 : vector<16xf32>
        %parallel_loop3A_536 = arith.index_cast %parallel_loop3A_516 : i32 to index
        %parallel_loop3A_537 = arith.constant 16 : index
        %parallel_loop3A_538 = tpu.vector_load %arg7[%parallel_loop3A_536, %parallel_loop3A_537] {strides = array<i32>} : memref<256x64xf32, #tpu.memory_space<vmem>>, vector<1x16xf32>,
        %parallel_loop3A_539 = vector.shape_cast %parallel_loop3A_538 : vector<1x16xf32> to vector<16xf32>
        %parallel_loop3A_540 = vector.shape_cast %parallel_loop3A_535 : vector<16xf32> to vector<1x16xf32>
        tpu.vector_store %arg7[%parallel_loop3A_536, %parallel_loop3A_537], %parallel_loop3A_540 {strides = array<i32>} : memref<256x64xf32, #tpu.memory_space<vmem>>, vector<1x16xf32>,
        %parallel_loop3A_541 = arith.index_cast %parallel_loop3A_516 : i32 to index
        %parallel_loop3A_542 = arith.constant 32 : index
        %parallel_loop3A_543 = tpu.vector_load %arg7[%parallel_loop3A_541, %parallel_loop3A_542] {strides = array<i32>} : memref<256x64xf32, #tpu.memory_space<vmem>>, vector<1x16xf32>,
        %parallel_loop3A_544 = vector.shape_cast %parallel_loop3A_543 : vector<1x16xf32> to vector<16xf32>
        %parallel_loop3A_545 = arith.constant 8.000000e+00 : f32
        %parallel_loop3A_546 = vector.broadcast %parallel_loop3A_545 : f32 to vector<16xf32>
        %parallel_loop3A_547 = arith.mulf %parallel_loop3A_544, %parallel_loop3A_546 : vector<16xf32>
        %parallel_loop3A_548 = arith.index_cast %parallel_loop3A_516 : i32 to index
        %parallel_loop3A_549 = arith.constant 32 : index
        %parallel_loop3A_550 = tpu.vector_load %arg7[%parallel_loop3A_548, %parallel_loop3A_549] {strides = array<i32>} : memref<256x64xf32, #tpu.memory_space<vmem>>, vector<1x16xf32>,
        %parallel_loop3A_551 = vector.shape_cast %parallel_loop3A_550 : vector<1x16xf32> to vector<16xf32>
        %parallel_loop3A_552 = vector.shape_cast %parallel_loop3A_547 : vector<16xf32> to vector<1x16xf32>
        tpu.vector_store %arg7[%parallel_loop3A_548, %parallel_loop3A_549], %parallel_loop3A_552 {strides = array<i32>} : memref<256x64xf32, #tpu.memory_space<vmem>>, vector<1x16xf32>,
        %parallel_loop3A_553 = arith.index_cast %parallel_loop3A_516 : i32 to index
        %parallel_loop3A_554 = arith.constant 48 : index
        %parallel_loop3A_555 = tpu.vector_load %arg7[%parallel_loop3A_553, %parallel_loop3A_554] {strides = array<i32>} : memref<256x64xf32, #tpu.memory_space<vmem>>, vector<1x16xf32>,
        %parallel_loop3A_556 = vector.shape_cast %parallel_loop3A_555 : vector<1x16xf32> to vector<16xf32>
        %parallel_loop3A_557 = arith.constant 8.000000e+00 : f32
        %parallel_loop3A_558 = vector.broadcast %parallel_loop3A_557 : f32 to vector<16xf32>
        %parallel_loop3A_559 = arith.mulf %parallel_loop3A_556, %parallel_loop3A_558 : vector<16xf32>
        %parallel_loop3A_560 = arith.index_cast %parallel_loop3A_516 : i32 to index
        %parallel_loop3A_561 = arith.constant 48 : index
        %parallel_loop3A_562 = tpu.vector_load %arg7[%parallel_loop3A_560, %parallel_loop3A_561] {strides = array<i32>} : memref<256x64xf32, #tpu.memory_space<vmem>>, vector<1x16xf32>,
        %parallel_loop3A_563 = vector.shape_cast %parallel_loop3A_562 : vector<1x16xf32> to vector<16xf32>
        %parallel_loop3A_564 = vector.shape_cast %parallel_loop3A_559 : vector<16xf32> to vector<1x16xf32>
        tpu.vector_store %arg7[%parallel_loop3A_560, %parallel_loop3A_561], %parallel_loop3A_564 {strides = array<i32>} : memref<256x64xf32, #tpu.memory_space<vmem>>, vector<1x16xf32>,
      } {sc.loop_unroll_factor = 8 : i64, sc.parallel_access}
      %mul3A_262 = arith.constant 2 : i32
      %mul3A_263 = arith.muli %add3A_238, %mul3A_262 : i32
      %add3A_264 = arith.addi %mul3A_2, %mul3A_263 : i32
      %mul3A_265 = arith.constant 128 : i32
      %mul3A_266 = arith.muli %add3A_264, %mul3A_265 : i32
      %dma_start3A_267 = arith.constant 0 : i32
      %dma_start3A_268 = tpu.memref_slice %arg4[%mul3A_266, %dma_start3A_267] : memref<819200x64xf32, #tpu.memory_space<hbm>> -> memref<256x64xf32, #tpu.memory_space<hbm>>
      %dma_start3A_269 = arith.constant 0 : i32
      %dma_start3A_270 = tpu.memref_slice %arg4[%mul3A_266, %dma_start3A_269] : memref<819200x64xf32, #tpu.memory_space<hbm>> -> memref<256x64xf32, #tpu.memory_space<hbm>>
      tpu.enqueue_dma source(%arg7 : memref<256x64xf32, #tpu.memory_space<vmem>>) target(%dma_start3A_270 : memref<256x64xf32, #tpu.memory_space<hbm>>) target_semaphore(%arg15 : memref<!tpu.dma_semaphore, #tpu.memory_space<semaphore_mem>>)
      %dma_wait3A_271 = arith.constant 0 : i32
      %dma_wait3A_272 = arith.constant 0 : i32
      %dma_wait3A_273 = tpu.memref_slice %arg4[%dma_wait3A_271, %dma_wait3A_272] : memref<819200x64xf32, #tpu.memory_space<hbm>> -> memref<256x64xf32, #tpu.memory_space<hbm>>
      %dma_wait3A_274 = arith.constant 0 : i32
      %dma_wait3A_275 = arith.constant 0 : i32
      %dma_wait3A_276 = tpu.memref_slice %arg4[%dma_wait3A_274, %dma_wait3A_275] : memref<819200x64xf32, #tpu.memory_space<hbm>> -> memref<256x64xf32, #tpu.memory_space<hbm>>
      tpu.wait_dma2 semaphore(%arg14 : memref<!tpu.dma_semaphore, #tpu.memory_space<semaphore_mem>>) src(%arg6 : memref<256x64xf32, #tpu.memory_space<vmem>>) dst(%dma_wait3A_276 : memref<256x64xf32, #tpu.memory_space<hbm>>)
      %add3A_277 = arith.constant 4 : i32
      %add3A_278 = arith.addi %add3A_238, %add3A_277 : i32
      %sub3A = arith.constant 1 : i32
      %sub3A_279 = arith.subi %add3A_278, %sub3A : i32
      %mul3A_280 = arith.constant 2 : i32
      %mul3A_281 = arith.muli %sub3A_279, %mul3A_280 : i32
      %add3A_282 = arith.constant 0 : i32
      %add3A_283 = arith.addi %mul3A_281, %add3A_282 : i32
      %dma_start3A_284 = arith.constant 0 : i32
      %dma_start3A_285 = arith.constant 0 : i32
      %dma_start3A_286 = tpu.memref_slice %arg6[%dma_start3A_284, %dma_start3A_285] : memref<256x64xf32, #tpu.memory_space<vmem>> -> memref<128x64xf32, #tpu.memory_space<vmem>>
      %dma_start3A_287 = arith.constant 0 : i32
      %dma_start3A_288 = tpu.memref_slice %arg5[%add3A_283, %dma_start3A_287] : memref<200x128xi32, #tpu.memory_space<vmem>> -> memref<1x128xi32, #tpu.memory_space<vmem>>
      %dma_start3A_289 = tpu.memref_squeeze %dma_start3A_288 : memref<1x128xi32, #tpu.memory_space<vmem>> -> memref<128xi32, #tpu.memory_space<vmem>>
      %dma_start3A_290 = arith.constant 0 : i32
      %dma_start3A_291 = arith.constant 0 : i32
      %dma_start3A_292 = tpu.memref_slice %arg3[%dma_start3A_290, %dma_start3A_291] : memref<1000000x64xf32, #tpu.memory_space<hbm>> -> memref<1000000x64xf32, #tpu.memory_space<hbm>>
      tpu.enqueue_indirect_dma source(%dma_start3A_292 : memref<1000000x64xf32, #tpu.memory_space<hbm>>) target(%dma_start3A_286 : memref<128x64xf32, #tpu.memory_space<vmem>>) offsets(%dma_start3A_289 : memref<128xi32, #tpu.memory_space<vmem>>) semaphore(%arg10 : memref<!tpu.dma_semaphore, #tpu.memory_space<semaphore_mem>>)
      %mul3A_293 = arith.constant 2 : i32
      %mul3A_294 = arith.muli %sub3A_279, %mul3A_293 : i32
      %add3A_295 = arith.constant 1 : i32
      %add3A_296 = arith.addi %mul3A_294, %add3A_295 : i32
      %dma_start3A_297 = arith.constant 128 : i32
      %dma_start3A_298 = arith.constant 0 : i32
      %dma_start3A_299 = tpu.memref_slice %arg6[%dma_start3A_297, %dma_start3A_298] : memref<256x64xf32, #tpu.memory_space<vmem>> -> memref<128x64xf32, #tpu.memory_space<vmem>>
      %dma_start3A_300 = arith.constant 0 : i32
      %dma_start3A_301 = tpu.memref_slice %arg5[%add3A_296, %dma_start3A_300] : memref<200x128xi32, #tpu.memory_space<vmem>> -> memref<1x128xi32, #tpu.memory_space<vmem>>
      %dma_start3A_302 = tpu.memref_squeeze %dma_start3A_301 : memref<1x128xi32, #tpu.memory_space<vmem>> -> memref<128xi32, #tpu.memory_space<vmem>>
      %dma_start3A_303 = arith.constant 0 : i32
      %dma_start3A_304 = arith.constant 0 : i32
      %dma_start3A_305 = tpu.memref_slice %arg3[%dma_start3A_303, %dma_start3A_304] : memref<1000000x64xf32, #tpu.memory_space<hbm>> -> memref<1000000x64xf32, #tpu.memory_space<hbm>>
      tpu.enqueue_indirect_dma source(%dma_start3A_305 : memref<1000000x64xf32, #tpu.memory_space<hbm>>) target(%dma_start3A_299 : memref<128x64xf32, #tpu.memory_space<vmem>>) offsets(%dma_start3A_302 : memref<128xi32, #tpu.memory_space<vmem>>) semaphore(%arg10 : memref<!tpu.dma_semaphore, #tpu.memory_space<semaphore_mem>>)
      %add3A_306 = arith.constant 1 : i32
      %add3A_307 = arith.addi %add3A_236, %add3A_306 : i32
      %dma_wait3A_308 = arith.constant 0 : i32
      %dma_wait3A_309 = arith.constant 0 : i32
      %dma_wait3A_310 = arith.constant 0 : i32
      %dma_wait3A_311 = tpu.memref_slice %arg8[%dma_wait3A_309, %dma_wait3A_310] : memref<256x64xf32, #tpu.memory_space<vmem>> -> memref<128x64xf32, #tpu.memory_space<vmem>>
      %dma_wait3A_312 = arith.constant 0 : i32
      %dma_wait3A_313 = tpu.memref_slice %arg5[%dma_wait3A_308, %dma_wait3A_312] : memref<200x128xi32, #tpu.memory_space<vmem>> -> memref<1x128xi32, #tpu.memory_space<vmem>>
      %dma_wait3A_314 = tpu.memref_squeeze %dma_wait3A_313 : memref<1x128xi32, #tpu.memory_space<vmem>> -> memref<128xi32, #tpu.memory_space<vmem>>
      %dma_wait3A_315 = arith.constant 0 : i32
      %dma_wait3A_316 = arith.constant 0 : i32
      %dma_wait3A_317 = tpu.memref_slice %arg3[%dma_wait3A_315, %dma_wait3A_316] : memref<1000000x64xf32, #tpu.memory_space<hbm>> -> memref<1000000x64xf32, #tpu.memory_space<hbm>>
      tpu.wait_indirect_dma semaphore(%arg12 : memref<!tpu.dma_semaphore, #tpu.memory_space<semaphore_mem>>) src(%dma_wait3A_317 : memref<1000000x64xf32, #tpu.memory_space<hbm>>) dst(%dma_wait3A_311 : memref<128x64xf32, #tpu.memory_space<vmem>>)
      %dma_wait3A_318 = arith.constant 1 : i32
      %dma_wait3A_319 = arith.constant 128 : i32
      %dma_wait3A_320 = arith.constant 0 : i32
      %dma_wait3A_321 = tpu.memref_slice %arg8[%dma_wait3A_319, %dma_wait3A_320] : memref<256x64xf32, #tpu.memory_space<vmem>> -> memref<128x64xf32, #tpu.memory_space<vmem>>
      %dma_wait3A_322 = arith.constant 0 : i32
      %dma_wait3A_323 = tpu.memref_slice %arg5[%dma_wait3A_318, %dma_wait3A_322] : memref<200x128xi32, #tpu.memory_space<vmem>> -> memref<1x128xi32, #tpu.memory_space<vmem>>
      %dma_wait3A_324 = tpu.memref_squeeze %dma_wait3A_323 : memref<1x128xi32, #tpu.memory_space<vmem>> -> memref<128xi32, #tpu.memory_space<vmem>>
      %dma_wait3A_325 = arith.constant 0 : i32
      %dma_wait3A_326 = arith.constant 0 : i32
      %dma_wait3A_327 = tpu.memref_slice %arg3[%dma_wait3A_325, %dma_wait3A_326] : memref<1000000x64xf32, #tpu.memory_space<hbm>> -> memref<1000000x64xf32, #tpu.memory_space<hbm>>
      tpu.wait_indirect_dma semaphore(%arg12 : memref<!tpu.dma_semaphore, #tpu.memory_space<semaphore_mem>>) src(%dma_wait3A_327 : memref<1000000x64xf32, #tpu.memory_space<hbm>>) dst(%dma_wait3A_321 : memref<128x64xf32, #tpu.memory_space<vmem>>)
      %parallel_loop3A_328 = arith.constant 0 : i32
      %parallel_loop3A_329 = arith.constant 256 : i32
      %parallel_loop3A_330 = arith.constant 1 : i32
      scf.for %parallel_loop3A_516 = %parallel_loop3A_328 to %parallel_loop3A_329 step %parallel_loop3A_330  : i32 {
        %parallel_loop3A_517 = arith.index_cast %parallel_loop3A_516 : i32 to index
        %parallel_loop3A_518 = arith.constant 0 : index
        %parallel_loop3A_519 = tpu.vector_load %arg8[%parallel_loop3A_517, %parallel_loop3A_518] {strides = array<i32>} : memref<256x64xf32, #tpu.memory_space<vmem>>, vector<1x16xf32>,
        %parallel_loop3A_520 = vector.shape_cast %parallel_loop3A_519 : vector<1x16xf32> to vector<16xf32>
        %parallel_loop3A_521 = arith.constant 8.000000e+00 : f32
        %parallel_loop3A_522 = vector.broadcast %parallel_loop3A_521 : f32 to vector<16xf32>
        %parallel_loop3A_523 = arith.mulf %parallel_loop3A_520, %parallel_loop3A_522 : vector<16xf32>
        %parallel_loop3A_524 = arith.index_cast %parallel_loop3A_516 : i32 to index
        %parallel_loop3A_525 = arith.constant 0 : index
        %parallel_loop3A_526 = tpu.vector_load %arg8[%parallel_loop3A_524, %parallel_loop3A_525] {strides = array<i32>} : memref<256x64xf32, #tpu.memory_space<vmem>>, vector<1x16xf32>,
        %parallel_loop3A_527 = vector.shape_cast %parallel_loop3A_526 : vector<1x16xf32> to vector<16xf32>
        %parallel_loop3A_528 = vector.shape_cast %parallel_loop3A_523 : vector<16xf32> to vector<1x16xf32>
        tpu.vector_store %arg8[%parallel_loop3A_524, %parallel_loop3A_525], %parallel_loop3A_528 {strides = array<i32>} : memref<256x64xf32, #tpu.memory_space<vmem>>, vector<1x16xf32>,
        %parallel_loop3A_529 = arith.index_cast %parallel_loop3A_516 : i32 to index
        %parallel_loop3A_530 = arith.constant 16 : index
        %parallel_loop3A_531 = tpu.vector_load %arg8[%parallel_loop3A_529, %parallel_loop3A_530] {strides = array<i32>} : memref<256x64xf32, #tpu.memory_space<vmem>>, vector<1x16xf32>,
        %parallel_loop3A_532 = vector.shape_cast %parallel_loop3A_531 : vector<1x16xf32> to vector<16xf32>
        %parallel_loop3A_533 = arith.constant 8.000000e+00 : f32
        %parallel_loop3A_534 = vector.broadcast %parallel_loop3A_533 : f32 to vector<16xf32>
        %parallel_loop3A_535 = arith.mulf %parallel_loop3A_532, %parallel_loop3A_534 : vector<16xf32>
        %parallel_loop3A_536 = arith.index_cast %parallel_loop3A_516 : i32 to index
        %parallel_loop3A_537 = arith.constant 16 : index
        %parallel_loop3A_538 = tpu.vector_load %arg8[%parallel_loop3A_536, %parallel_loop3A_537] {strides = array<i32>} : memref<256x64xf32, #tpu.memory_space<vmem>>, vector<1x16xf32>,
        %parallel_loop3A_539 = vector.shape_cast %parallel_loop3A_538 : vector<1x16xf32> to vector<16xf32>
        %parallel_loop3A_540 = vector.shape_cast %parallel_loop3A_535 : vector<16xf32> to vector<1x16xf32>
        tpu.vector_store %arg8[%parallel_loop3A_536, %parallel_loop3A_537], %parallel_loop3A_540 {strides = array<i32>} : memref<256x64xf32, #tpu.memory_space<vmem>>, vector<1x16xf32>,
        %parallel_loop3A_541 = arith.index_cast %parallel_loop3A_516 : i32 to index
        %parallel_loop3A_542 = arith.constant 32 : index
        %parallel_loop3A_543 = tpu.vector_load %arg8[%parallel_loop3A_541, %parallel_loop3A_542] {strides = array<i32>} : memref<256x64xf32, #tpu.memory_space<vmem>>, vector<1x16xf32>,
        %parallel_loop3A_544 = vector.shape_cast %parallel_loop3A_543 : vector<1x16xf32> to vector<16xf32>
        %parallel_loop3A_545 = arith.constant 8.000000e+00 : f32
        %parallel_loop3A_546 = vector.broadcast %parallel_loop3A_545 : f32 to vector<16xf32>
        %parallel_loop3A_547 = arith.mulf %parallel_loop3A_544, %parallel_loop3A_546 : vector<16xf32>
        %parallel_loop3A_548 = arith.index_cast %parallel_loop3A_516 : i32 to index
        %parallel_loop3A_549 = arith.constant 32 : index
        %parallel_loop3A_550 = tpu.vector_load %arg8[%parallel_loop3A_548, %parallel_loop3A_549] {strides = array<i32>} : memref<256x64xf32, #tpu.memory_space<vmem>>, vector<1x16xf32>,
        %parallel_loop3A_551 = vector.shape_cast %parallel_loop3A_550 : vector<1x16xf32> to vector<16xf32>
        %parallel_loop3A_552 = vector.shape_cast %parallel_loop3A_547 : vector<16xf32> to vector<1x16xf32>
        tpu.vector_store %arg8[%parallel_loop3A_548, %parallel_loop3A_549], %parallel_loop3A_552 {strides = array<i32>} : memref<256x64xf32, #tpu.memory_space<vmem>>, vector<1x16xf32>,
        %parallel_loop3A_553 = arith.index_cast %parallel_loop3A_516 : i32 to index
        %parallel_loop3A_554 = arith.constant 48 : index
        %parallel_loop3A_555 = tpu.vector_load %arg8[%parallel_loop3A_553, %parallel_loop3A_554] {strides = array<i32>} : memref<256x64xf32, #tpu.memory_space<vmem>>, vector<1x16xf32>,
        %parallel_loop3A_556 = vector.shape_cast %parallel_loop3A_555 : vector<1x16xf32> to vector<16xf32>
        %parallel_loop3A_557 = arith.constant 8.000000e+00 : f32
        %parallel_loop3A_558 = vector.broadcast %parallel_loop3A_557 : f32 to vector<16xf32>
        %parallel_loop3A_559 = arith.mulf %parallel_loop3A_556, %parallel_loop3A_558 : vector<16xf32>
        %parallel_loop3A_560 = arith.index_cast %parallel_loop3A_516 : i32 to index
        %parallel_loop3A_561 = arith.constant 48 : index
        %parallel_loop3A_562 = tpu.vector_load %arg8[%parallel_loop3A_560, %parallel_loop3A_561] {strides = array<i32>} : memref<256x64xf32, #tpu.memory_space<vmem>>, vector<1x16xf32>,
        %parallel_loop3A_563 = vector.shape_cast %parallel_loop3A_562 : vector<1x16xf32> to vector<16xf32>
        %parallel_loop3A_564 = vector.shape_cast %parallel_loop3A_559 : vector<16xf32> to vector<1x16xf32>
        tpu.vector_store %arg8[%parallel_loop3A_560, %parallel_loop3A_561], %parallel_loop3A_564 {strides = array<i32>} : memref<256x64xf32, #tpu.memory_space<vmem>>, vector<1x16xf32>,
      } {sc.loop_unroll_factor = 8 : i64, sc.parallel_access}
      %mul3A_331 = arith.constant 2 : i32
      %mul3A_332 = arith.muli %add3A_307, %mul3A_331 : i32
      %add3A_333 = arith.addi %mul3A_2, %mul3A_332 : i32
      %mul3A_334 = arith.constant 128 : i32
      %mul3A_335 = arith.muli %add3A_333, %mul3A_334 : i32
      %dma_start3A_336 = arith.constant 0 : i32
      %dma_start3A_337 = tpu.memref_slice %arg4[%mul3A_335, %dma_start3A_336] : memref<819200x64xf32, #tpu.memory_space<hbm>> -> memref<256x64xf32, #tpu.memory_space<hbm>>
      %dma_start3A_338 = arith.constant 0 : i32
      %dma_start3A_339 = tpu.memref_slice %arg4[%mul3A_335, %dma_start3A_338] : memref<819200x64xf32, #tpu.memory_space<hbm>> -> memref<256x64xf32, #tpu.memory_space<hbm>>
      tpu.enqueue_dma source(%arg8 : memref<256x64xf32, #tpu.memory_space<vmem>>) target(%dma_start3A_339 : memref<256x64xf32, #tpu.memory_space<hbm>>) target_semaphore(%arg16 : memref<!tpu.dma_semaphore, #tpu.memory_space<semaphore_mem>>)
      %dma_wait3A_340 = arith.constant 0 : i32
      %dma_wait3A_341 = arith.constant 0 : i32
      %dma_wait3A_342 = tpu.memref_slice %arg4[%dma_wait3A_340, %dma_wait3A_341] : memref<819200x64xf32, #tpu.memory_space<hbm>> -> memref<256x64xf32, #tpu.memory_space<hbm>>
      %dma_wait3A_343 = arith.constant 0 : i32
      %dma_wait3A_344 = arith.constant 0 : i32
      %dma_wait3A_345 = tpu.memref_slice %arg4[%dma_wait3A_343, %dma_wait3A_344] : memref<819200x64xf32, #tpu.memory_space<hbm>> -> memref<256x64xf32, #tpu.memory_space<hbm>>
      tpu.wait_dma2 semaphore(%arg15 : memref<!tpu.dma_semaphore, #tpu.memory_space<semaphore_mem>>) src(%arg7 : memref<256x64xf32, #tpu.memory_space<vmem>>) dst(%dma_wait3A_345 : memref<256x64xf32, #tpu.memory_space<hbm>>)
      %add3A_346 = arith.constant 4 : i32
      %add3A_347 = arith.addi %add3A_307, %add3A_346 : i32
      %sub3A_348 = arith.constant 1 : i32
      %sub3A_349 = arith.subi %add3A_347, %sub3A_348 : i32
      %mul3A_350 = arith.constant 2 : i32
      %mul3A_351 = arith.muli %sub3A_349, %mul3A_350 : i32
      %add3A_352 = arith.constant 0 : i32
      %add3A_353 = arith.addi %mul3A_351, %add3A_352 : i32
      %dma_start3A_354 = arith.constant 0 : i32
      %dma_start3A_355 = arith.constant 0 : i32
      %dma_start3A_356 = tpu.memref_slice %arg7[%dma_start3A_354, %dma_start3A_355] : memref<256x64xf32, #tpu.memory_space<vmem>> -> memref<128x64xf32, #tpu.memory_space<vmem>>
      %dma_start3A_357 = arith.constant 0 : i32
      %dma_start3A_358 = tpu.memref_slice %arg5[%add3A_353, %dma_start3A_357] : memref<200x128xi32, #tpu.memory_space<vmem>> -> memref<1x128xi32, #tpu.memory_space<vmem>>
      %dma_start3A_359 = tpu.memref_squeeze %dma_start3A_358 : memref<1x128xi32, #tpu.memory_space<vmem>> -> memref<128xi32, #tpu.memory_space<vmem>>
      %dma_start3A_360 = arith.constant 0 : i32
      %dma_start3A_361 = arith.constant 0 : i32
      %dma_start3A_362 = tpu.memref_slice %arg3[%dma_start3A_360, %dma_start3A_361] : memref<1000000x64xf32, #tpu.memory_space<hbm>> -> memref<1000000x64xf32, #tpu.memory_space<hbm>>
      tpu.enqueue_indirect_dma source(%dma_start3A_362 : memref<1000000x64xf32, #tpu.memory_space<hbm>>) target(%dma_start3A_356 : memref<128x64xf32, #tpu.memory_space<vmem>>) offsets(%dma_start3A_359 : memref<128xi32, #tpu.memory_space<vmem>>) semaphore(%arg11 : memref<!tpu.dma_semaphore, #tpu.memory_space<semaphore_mem>>)
      %mul3A_363 = arith.constant 2 : i32
      %mul3A_364 = arith.muli %sub3A_349, %mul3A_363 : i32
      %add3A_365 = arith.constant 1 : i32
      %add3A_366 = arith.addi %mul3A_364, %add3A_365 : i32
      %dma_start3A_367 = arith.constant 128 : i32
      %dma_start3A_368 = arith.constant 0 : i32
      %dma_start3A_369 = tpu.memref_slice %arg7[%dma_start3A_367, %dma_start3A_368] : memref<256x64xf32, #tpu.memory_space<vmem>> -> memref<128x64xf32, #tpu.memory_space<vmem>>
      %dma_start3A_370 = arith.constant 0 : i32
      %dma_start3A_371 = tpu.memref_slice %arg5[%add3A_366, %dma_start3A_370] : memref<200x128xi32, #tpu.memory_space<vmem>> -> memref<1x128xi32, #tpu.memory_space<vmem>>
      %dma_start3A_372 = tpu.memref_squeeze %dma_start3A_371 : memref<1x128xi32, #tpu.memory_space<vmem>> -> memref<128xi32, #tpu.memory_space<vmem>>
      %dma_start3A_373 = arith.constant 0 : i32
      %dma_start3A_374 = arith.constant 0 : i32
      %dma_start3A_375 = tpu.memref_slice %arg3[%dma_start3A_373, %dma_start3A_374] : memref<1000000x64xf32, #tpu.memory_space<hbm>> -> memref<1000000x64xf32, #tpu.memory_space<hbm>>
      tpu.enqueue_indirect_dma source(%dma_start3A_375 : memref<1000000x64xf32, #tpu.memory_space<hbm>>) target(%dma_start3A_369 : memref<128x64xf32, #tpu.memory_space<vmem>>) offsets(%dma_start3A_372 : memref<128xi32, #tpu.memory_space<vmem>>) semaphore(%arg11 : memref<!tpu.dma_semaphore, #tpu.memory_space<semaphore_mem>>)
      %add3A_376 = arith.constant 2 : i32
      %add3A_377 = arith.addi %add3A_236, %add3A_376 : i32
      %dma_wait3A_378 = arith.constant 0 : i32
      %dma_wait3A_379 = arith.constant 0 : i32
      %dma_wait3A_380 = arith.constant 0 : i32
      %dma_wait3A_381 = tpu.memref_slice %arg9[%dma_wait3A_379, %dma_wait3A_380] : memref<256x64xf32, #tpu.memory_space<vmem>> -> memref<128x64xf32, #tpu.memory_space<vmem>>
      %dma_wait3A_382 = arith.constant 0 : i32
      %dma_wait3A_383 = tpu.memref_slice %arg5[%dma_wait3A_378, %dma_wait3A_382] : memref<200x128xi32, #tpu.memory_space<vmem>> -> memref<1x128xi32, #tpu.memory_space<vmem>>
      %dma_wait3A_384 = tpu.memref_squeeze %dma_wait3A_383 : memref<1x128xi32, #tpu.memory_space<vmem>> -> memref<128xi32, #tpu.memory_space<vmem>>
      %dma_wait3A_385 = arith.constant 0 : i32
      %dma_wait3A_386 = arith.constant 0 : i32
      %dma_wait3A_387 = tpu.memref_slice %arg3[%dma_wait3A_385, %dma_wait3A_386] : memref<1000000x64xf32, #tpu.memory_space<hbm>> -> memref<1000000x64xf32, #tpu.memory_space<hbm>>
      tpu.wait_indirect_dma semaphore(%arg13 : memref<!tpu.dma_semaphore, #tpu.memory_space<semaphore_mem>>) src(%dma_wait3A_387 : memref<1000000x64xf32, #tpu.memory_space<hbm>>) dst(%dma_wait3A_381 : memref<128x64xf32, #tpu.memory_space<vmem>>)
      %dma_wait3A_388 = arith.constant 1 : i32
      %dma_wait3A_389 = arith.constant 128 : i32
      %dma_wait3A_390 = arith.constant 0 : i32
      %dma_wait3A_391 = tpu.memref_slice %arg9[%dma_wait3A_389, %dma_wait3A_390] : memref<256x64xf32, #tpu.memory_space<vmem>> -> memref<128x64xf32, #tpu.memory_space<vmem>>
      %dma_wait3A_392 = arith.constant 0 : i32
      %dma_wait3A_393 = tpu.memref_slice %arg5[%dma_wait3A_388, %dma_wait3A_392] : memref<200x128xi32, #tpu.memory_space<vmem>> -> memref<1x128xi32, #tpu.memory_space<vmem>>
      %dma_wait3A_394 = tpu.memref_squeeze %dma_wait3A_393 : memref<1x128xi32, #tpu.memory_space<vmem>> -> memref<128xi32, #tpu.memory_space<vmem>>
      %dma_wait3A_395 = arith.constant 0 : i32
      %dma_wait3A_396 = arith.constant 0 : i32
      %dma_wait3A_397 = tpu.memref_slice %arg3[%dma_wait3A_395, %dma_wait3A_396] : memref<1000000x64xf32, #tpu.memory_space<hbm>> -> memref<1000000x64xf32, #tpu.memory_space<hbm>>
      tpu.wait_indirect_dma semaphore(%arg13 : memref<!tpu.dma_semaphore, #tpu.memory_space<semaphore_mem>>) src(%dma_wait3A_397 : memref<1000000x64xf32, #tpu.memory_space<hbm>>) dst(%dma_wait3A_391 : memref<128x64xf32, #tpu.memory_space<vmem>>)
      %parallel_loop3A_398 = arith.constant 0 : i32
      %parallel_loop3A_399 = arith.constant 256 : i32
      %parallel_loop3A_400 = arith.constant 1 : i32
      scf.for %parallel_loop3A_516 = %parallel_loop3A_398 to %parallel_loop3A_399 step %parallel_loop3A_400  : i32 {
        %parallel_loop3A_517 = arith.index_cast %parallel_loop3A_516 : i32 to index
        %parallel_loop3A_518 = arith.constant 0 : index
        %parallel_loop3A_519 = tpu.vector_load %arg9[%parallel_loop3A_517, %parallel_loop3A_518] {strides = array<i32>} : memref<256x64xf32, #tpu.memory_space<vmem>>, vector<1x16xf32>,
        %parallel_loop3A_520 = vector.shape_cast %parallel_loop3A_519 : vector<1x16xf32> to vector<16xf32>
        %parallel_loop3A_521 = arith.constant 8.000000e+00 : f32
        %parallel_loop3A_522 = vector.broadcast %parallel_loop3A_521 : f32 to vector<16xf32>
        %parallel_loop3A_523 = arith.mulf %parallel_loop3A_520, %parallel_loop3A_522 : vector<16xf32>
        %parallel_loop3A_524 = arith.index_cast %parallel_loop3A_516 : i32 to index
        %parallel_loop3A_525 = arith.constant 0 : index
        %parallel_loop3A_526 = tpu.vector_load %arg9[%parallel_loop3A_524, %parallel_loop3A_525] {strides = array<i32>} : memref<256x64xf32, #tpu.memory_space<vmem>>, vector<1x16xf32>,
        %parallel_loop3A_527 = vector.shape_cast %parallel_loop3A_526 : vector<1x16xf32> to vector<16xf32>
        %parallel_loop3A_528 = vector.shape_cast %parallel_loop3A_523 : vector<16xf32> to vector<1x16xf32>
        tpu.vector_store %arg9[%parallel_loop3A_524, %parallel_loop3A_525], %parallel_loop3A_528 {strides = array<i32>} : memref<256x64xf32, #tpu.memory_space<vmem>>, vector<1x16xf32>,
        %parallel_loop3A_529 = arith.index_cast %parallel_loop3A_516 : i32 to index
        %parallel_loop3A_530 = arith.constant 16 : index
        %parallel_loop3A_531 = tpu.vector_load %arg9[%parallel_loop3A_529, %parallel_loop3A_530] {strides = array<i32>} : memref<256x64xf32, #tpu.memory_space<vmem>>, vector<1x16xf32>,
        %parallel_loop3A_532 = vector.shape_cast %parallel_loop3A_531 : vector<1x16xf32> to vector<16xf32>
        %parallel_loop3A_533 = arith.constant 8.000000e+00 : f32
        %parallel_loop3A_534 = vector.broadcast %parallel_loop3A_533 : f32 to vector<16xf32>
        %parallel_loop3A_535 = arith.mulf %parallel_loop3A_532, %parallel_loop3A_534 : vector<16xf32>
        %parallel_loop3A_536 = arith.index_cast %parallel_loop3A_516 : i32 to index
        %parallel_loop3A_537 = arith.constant 16 : index
        %parallel_loop3A_538 = tpu.vector_load %arg9[%parallel_loop3A_536, %parallel_loop3A_537] {strides = array<i32>} : memref<256x64xf32, #tpu.memory_space<vmem>>, vector<1x16xf32>,
        %parallel_loop3A_539 = vector.shape_cast %parallel_loop3A_538 : vector<1x16xf32> to vector<16xf32>
        %parallel_loop3A_540 = vector.shape_cast %parallel_loop3A_535 : vector<16xf32> to vector<1x16xf32>
        tpu.vector_store %arg9[%parallel_loop3A_536, %parallel_loop3A_537], %parallel_loop3A_540 {strides = array<i32>} : memref<256x64xf32, #tpu.memory_space<vmem>>, vector<1x16xf32>,
        %parallel_loop3A_541 = arith.index_cast %parallel_loop3A_516 : i32 to index
        %parallel_loop3A_542 = arith.constant 32 : index
        %parallel_loop3A_543 = tpu.vector_load %arg9[%parallel_loop3A_541, %parallel_loop3A_542] {strides = array<i32>} : memref<256x64xf32, #tpu.memory_space<vmem>>, vector<1x16xf32>,
        %parallel_loop3A_544 = vector.shape_cast %parallel_loop3A_543 : vector<1x16xf32> to vector<16xf32>
        %parallel_loop3A_545 = arith.constant 8.000000e+00 : f32
        %parallel_loop3A_546 = vector.broadcast %parallel_loop3A_545 : f32 to vector<16xf32>
        %parallel_loop3A_547 = arith.mulf %parallel_loop3A_544, %parallel_loop3A_546 : vector<16xf32>
        %parallel_loop3A_548 = arith.index_cast %parallel_loop3A_516 : i32 to index
        %parallel_loop3A_549 = arith.constant 32 : index
        %parallel_loop3A_550 = tpu.vector_load %arg9[%parallel_loop3A_548, %parallel_loop3A_549] {strides = array<i32>} : memref<256x64xf32, #tpu.memory_space<vmem>>, vector<1x16xf32>,
        %parallel_loop3A_551 = vector.shape_cast %parallel_loop3A_550 : vector<1x16xf32> to vector<16xf32>
        %parallel_loop3A_552 = vector.shape_cast %parallel_loop3A_547 : vector<16xf32> to vector<1x16xf32>
        tpu.vector_store %arg9[%parallel_loop3A_548, %parallel_loop3A_549], %parallel_loop3A_552 {strides = array<i32>} : memref<256x64xf32, #tpu.memory_space<vmem>>, vector<1x16xf32>,
        %parallel_loop3A_553 = arith.index_cast %parallel_loop3A_516 : i32 to index
        %parallel_loop3A_554 = arith.constant 48 : index
        %parallel_loop3A_555 = tpu.vector_load %arg9[%parallel_loop3A_553, %parallel_loop3A_554] {strides = array<i32>} : memref<256x64xf32, #tpu.memory_space<vmem>>, vector<1x16xf32>,
        %parallel_loop3A_556 = vector.shape_cast %parallel_loop3A_555 : vector<1x16xf32> to vector<16xf32>
        %parallel_loop3A_557 = arith.constant 8.000000e+00 : f32
        %parallel_loop3A_558 = vector.broadcast %parallel_loop3A_557 : f32 to vector<16xf32>
        %parallel_loop3A_559 = arith.mulf %parallel_loop3A_556, %parallel_loop3A_558 : vector<16xf32>
        %parallel_loop3A_560 = arith.index_cast %parallel_loop3A_516 : i32 to index
        %parallel_loop3A_561 = arith.constant 48 : index
        %parallel_loop3A_562 = tpu.vector_load %arg9[%parallel_loop3A_560, %parallel_loop3A_561] {strides = array<i32>} : memref<256x64xf32, #tpu.memory_space<vmem>>, vector<1x16xf32>,
        %parallel_loop3A_563 = vector.shape_cast %parallel_loop3A_562 : vector<1x16xf32> to vector<16xf32>
        %parallel_loop3A_564 = vector.shape_cast %parallel_loop3A_559 : vector<16xf32> to vector<1x16xf32>
        tpu.vector_store %arg9[%parallel_loop3A_560, %parallel_loop3A_561], %parallel_loop3A_564 {strides = array<i32>} : memref<256x64xf32, #tpu.memory_space<vmem>>, vector<1x16xf32>,
      } {sc.loop_unroll_factor = 8 : i64, sc.parallel_access}
      %mul3A_401 = arith.constant 2 : i32
      %mul3A_402 = arith.muli %add3A_377, %mul3A_401 : i32
      %add3A_403 = arith.addi %mul3A_2, %mul3A_402 : i32
      %mul3A_404 = arith.constant 128 : i32
      %mul3A_405 = arith.muli %add3A_403, %mul3A_404 : i32
      %dma_start3A_406 = arith.constant 0 : i32
      %dma_start3A_407 = tpu.memref_slice %arg4[%mul3A_405, %dma_start3A_406] : memref<819200x64xf32, #tpu.memory_space<hbm>> -> memref<256x64xf32, #tpu.memory_space<hbm>>
      %dma_start3A_408 = arith.constant 0 : i32
      %dma_start3A_409 = tpu.memref_slice %arg4[%mul3A_405, %dma_start3A_408] : memref<819200x64xf32, #tpu.memory_space<hbm>> -> memref<256x64xf32, #tpu.memory_space<hbm>>
      tpu.enqueue_dma source(%arg9 : memref<256x64xf32, #tpu.memory_space<vmem>>) target(%dma_start3A_409 : memref<256x64xf32, #tpu.memory_space<hbm>>) target_semaphore(%arg17 : memref<!tpu.dma_semaphore, #tpu.memory_space<semaphore_mem>>)
      %dma_wait3A_410 = arith.constant 0 : i32
      %dma_wait3A_411 = arith.constant 0 : i32
      %dma_wait3A_412 = tpu.memref_slice %arg4[%dma_wait3A_410, %dma_wait3A_411] : memref<819200x64xf32, #tpu.memory_space<hbm>> -> memref<256x64xf32, #tpu.memory_space<hbm>>
      %dma_wait3A_413 = arith.constant 0 : i32
      %dma_wait3A_414 = arith.constant 0 : i32
      %dma_wait3A_415 = tpu.memref_slice %arg4[%dma_wait3A_413, %dma_wait3A_414] : memref<819200x64xf32, #tpu.memory_space<hbm>> -> memref<256x64xf32, #tpu.memory_space<hbm>>
      tpu.wait_dma2 semaphore(%arg16 : memref<!tpu.dma_semaphore, #tpu.memory_space<semaphore_mem>>) src(%arg8 : memref<256x64xf32, #tpu.memory_space<vmem>>) dst(%dma_wait3A_415 : memref<256x64xf32, #tpu.memory_space<hbm>>)
      %add3A_416 = arith.constant 4 : i32
      %add3A_417 = arith.addi %add3A_377, %add3A_416 : i32
      %sub3A_418 = arith.constant 1 : i32
      %sub3A_419 = arith.subi %add3A_417, %sub3A_418 : i32
      %mul3A_420 = arith.constant 2 : i32
      %mul3A_421 = arith.muli %sub3A_419, %mul3A_420 : i32
      %add3A_422 = arith.constant 0 : i32
      %add3A_423 = arith.addi %mul3A_421, %add3A_422 : i32
      %dma_start3A_424 = arith.constant 0 : i32
      %dma_start3A_425 = arith.constant 0 : i32
      %dma_start3A_426 = tpu.memref_slice %arg8[%dma_start3A_424, %dma_start3A_425] : memref<256x64xf32, #tpu.memory_space<vmem>> -> memref<128x64xf32, #tpu.memory_space<vmem>>
      %dma_start3A_427 = arith.constant 0 : i32
      %dma_start3A_428 = tpu.memref_slice %arg5[%add3A_423, %dma_start3A_427] : memref<200x128xi32, #tpu.memory_space<vmem>> -> memref<1x128xi32, #tpu.memory_space<vmem>>
      %dma_start3A_429 = tpu.memref_squeeze %dma_start3A_428 : memref<1x128xi32, #tpu.memory_space<vmem>> -> memref<128xi32, #tpu.memory_space<vmem>>
      %dma_start3A_430 = arith.constant 0 : i32
      %dma_start3A_431 = arith.constant 0 : i32
      %dma_start3A_432 = tpu.memref_slice %arg3[%dma_start3A_430, %dma_start3A_431] : memref<1000000x64xf32, #tpu.memory_space<hbm>> -> memref<1000000x64xf32, #tpu.memory_space<hbm>>
      tpu.enqueue_indirect_dma source(%dma_start3A_432 : memref<1000000x64xf32, #tpu.memory_space<hbm>>) target(%dma_start3A_426 : memref<128x64xf32, #tpu.memory_space<vmem>>) offsets(%dma_start3A_429 : memref<128xi32, #tpu.memory_space<vmem>>) semaphore(%arg12 : memref<!tpu.dma_semaphore, #tpu.memory_space<semaphore_mem>>)
      %mul3A_433 = arith.constant 2 : i32
      %mul3A_434 = arith.muli %sub3A_419, %mul3A_433 : i32
      %add3A_435 = arith.constant 1 : i32
      %add3A_436 = arith.addi %mul3A_434, %add3A_435 : i32
      %dma_start3A_437 = arith.constant 128 : i32
      %dma_start3A_438 = arith.constant 0 : i32
      %dma_start3A_439 = tpu.memref_slice %arg8[%dma_start3A_437, %dma_start3A_438] : memref<256x64xf32, #tpu.memory_space<vmem>> -> memref<128x64xf32, #tpu.memory_space<vmem>>
      %dma_start3A_440 = arith.constant 0 : i32
      %dma_start3A_441 = tpu.memref_slice %arg5[%add3A_436, %dma_start3A_440] : memref<200x128xi32, #tpu.memory_space<vmem>> -> memref<1x128xi32, #tpu.memory_space<vmem>>
      %dma_start3A_442 = tpu.memref_squeeze %dma_start3A_441 : memref<1x128xi32, #tpu.memory_space<vmem>> -> memref<128xi32, #tpu.memory_space<vmem>>
      %dma_start3A_443 = arith.constant 0 : i32
      %dma_start3A_444 = arith.constant 0 : i32
      %dma_start3A_445 = tpu.memref_slice %arg3[%dma_start3A_443, %dma_start3A_444] : memref<1000000x64xf32, #tpu.memory_space<hbm>> -> memref<1000000x64xf32, #tpu.memory_space<hbm>>
      tpu.enqueue_indirect_dma source(%dma_start3A_445 : memref<1000000x64xf32, #tpu.memory_space<hbm>>) target(%dma_start3A_439 : memref<128x64xf32, #tpu.memory_space<vmem>>) offsets(%dma_start3A_442 : memref<128xi32, #tpu.memory_space<vmem>>) semaphore(%arg12 : memref<!tpu.dma_semaphore, #tpu.memory_space<semaphore_mem>>)
      %add3A_446 = arith.constant 3 : i32
      %add3A_447 = arith.addi %add3A_236, %add3A_446 : i32
      %dma_wait3A_448 = arith.constant 0 : i32
      %dma_wait3A_449 = arith.constant 0 : i32
      %dma_wait3A_450 = arith.constant 0 : i32
      %dma_wait3A_451 = tpu.memref_slice %arg6[%dma_wait3A_449, %dma_wait3A_450] : memref<256x64xf32, #tpu.memory_space<vmem>> -> memref<128x64xf32, #tpu.memory_space<vmem>>
      %dma_wait3A_452 = arith.constant 0 : i32
      %dma_wait3A_453 = tpu.memref_slice %arg5[%dma_wait3A_448, %dma_wait3A_452] : memref<200x128xi32, #tpu.memory_space<vmem>> -> memref<1x128xi32, #tpu.memory_space<vmem>>
      %dma_wait3A_454 = tpu.memref_squeeze %dma_wait3A_453 : memref<1x128xi32, #tpu.memory_space<vmem>> -> memref<128xi32, #tpu.memory_space<vmem>>
      %dma_wait3A_455 = arith.constant 0 : i32
      %dma_wait3A_456 = arith.constant 0 : i32
      %dma_wait3A_457 = tpu.memref_slice %arg3[%dma_wait3A_455, %dma_wait3A_456] : memref<1000000x64xf32, #tpu.memory_space<hbm>> -> memref<1000000x64xf32, #tpu.memory_space<hbm>>
      tpu.wait_indirect_dma semaphore(%arg10 : memref<!tpu.dma_semaphore, #tpu.memory_space<semaphore_mem>>) src(%dma_wait3A_457 : memref<1000000x64xf32, #tpu.memory_space<hbm>>) dst(%dma_wait3A_451 : memref<128x64xf32, #tpu.memory_space<vmem>>)
      %dma_wait3A_458 = arith.constant 1 : i32
      %dma_wait3A_459 = arith.constant 128 : i32
      %dma_wait3A_460 = arith.constant 0 : i32
      %dma_wait3A_461 = tpu.memref_slice %arg6[%dma_wait3A_459, %dma_wait3A_460] : memref<256x64xf32, #tpu.memory_space<vmem>> -> memref<128x64xf32, #tpu.memory_space<vmem>>
      %dma_wait3A_462 = arith.constant 0 : i32
      %dma_wait3A_463 = tpu.memref_slice %arg5[%dma_wait3A_458, %dma_wait3A_462] : memref<200x128xi32, #tpu.memory_space<vmem>> -> memref<1x128xi32, #tpu.memory_space<vmem>>
      %dma_wait3A_464 = tpu.memref_squeeze %dma_wait3A_463 : memref<1x128xi32, #tpu.memory_space<vmem>> -> memref<128xi32, #tpu.memory_space<vmem>>
      %dma_wait3A_465 = arith.constant 0 : i32
      %dma_wait3A_466 = arith.constant 0 : i32
      %dma_wait3A_467 = tpu.memref_slice %arg3[%dma_wait3A_465, %dma_wait3A_466] : memref<1000000x64xf32, #tpu.memory_space<hbm>> -> memref<1000000x64xf32, #tpu.memory_space<hbm>>
      tpu.wait_indirect_dma semaphore(%arg10 : memref<!tpu.dma_semaphore, #tpu.memory_space<semaphore_mem>>) src(%dma_wait3A_467 : memref<1000000x64xf32, #tpu.memory_space<hbm>>) dst(%dma_wait3A_461 : memref<128x64xf32, #tpu.memory_space<vmem>>)
      %parallel_loop3A_468 = arith.constant 0 : i32
      %parallel_loop3A_469 = arith.constant 256 : i32
      %parallel_loop3A_470 = arith.constant 1 : i32
      scf.for %parallel_loop3A_516 = %parallel_loop3A_468 to %parallel_loop3A_469 step %parallel_loop3A_470  : i32 {
        %parallel_loop3A_517 = arith.index_cast %parallel_loop3A_516 : i32 to index
        %parallel_loop3A_518 = arith.constant 0 : index
        %parallel_loop3A_519 = tpu.vector_load %arg6[%parallel_loop3A_517, %parallel_loop3A_518] {strides = array<i32>} : memref<256x64xf32, #tpu.memory_space<vmem>>, vector<1x16xf32>,
        %parallel_loop3A_520 = vector.shape_cast %parallel_loop3A_519 : vector<1x16xf32> to vector<16xf32>
        %parallel_loop3A_521 = arith.constant 8.000000e+00 : f32
        %parallel_loop3A_522 = vector.broadcast %parallel_loop3A_521 : f32 to vector<16xf32>
        %parallel_loop3A_523 = arith.mulf %parallel_loop3A_520, %parallel_loop3A_522 : vector<16xf32>
        %parallel_loop3A_524 = arith.index_cast %parallel_loop3A_516 : i32 to index
        %parallel_loop3A_525 = arith.constant 0 : index
        %parallel_loop3A_526 = tpu.vector_load %arg6[%parallel_loop3A_524, %parallel_loop3A_525] {strides = array<i32>} : memref<256x64xf32, #tpu.memory_space<vmem>>, vector<1x16xf32>,
        %parallel_loop3A_527 = vector.shape_cast %parallel_loop3A_526 : vector<1x16xf32> to vector<16xf32>
        %parallel_loop3A_528 = vector.shape_cast %parallel_loop3A_523 : vector<16xf32> to vector<1x16xf32>
        tpu.vector_store %arg6[%parallel_loop3A_524, %parallel_loop3A_525], %parallel_loop3A_528 {strides = array<i32>} : memref<256x64xf32, #tpu.memory_space<vmem>>, vector<1x16xf32>,
        %parallel_loop3A_529 = arith.index_cast %parallel_loop3A_516 : i32 to index
        %parallel_loop3A_530 = arith.constant 16 : index
        %parallel_loop3A_531 = tpu.vector_load %arg6[%parallel_loop3A_529, %parallel_loop3A_530] {strides = array<i32>} : memref<256x64xf32, #tpu.memory_space<vmem>>, vector<1x16xf32>,
        %parallel_loop3A_532 = vector.shape_cast %parallel_loop3A_531 : vector<1x16xf32> to vector<16xf32>
        %parallel_loop3A_533 = arith.constant 8.000000e+00 : f32
        %parallel_loop3A_534 = vector.broadcast %parallel_loop3A_533 : f32 to vector<16xf32>
        %parallel_loop3A_535 = arith.mulf %parallel_loop3A_532, %parallel_loop3A_534 : vector<16xf32>
        %parallel_loop3A_536 = arith.index_cast %parallel_loop3A_516 : i32 to index
        %parallel_loop3A_537 = arith.constant 16 : index
        %parallel_loop3A_538 = tpu.vector_load %arg6[%parallel_loop3A_536, %parallel_loop3A_537] {strides = array<i32>} : memref<256x64xf32, #tpu.memory_space<vmem>>, vector<1x16xf32>,
        %parallel_loop3A_539 = vector.shape_cast %parallel_loop3A_538 : vector<1x16xf32> to vector<16xf32>
        %parallel_loop3A_540 = vector.shape_cast %parallel_loop3A_535 : vector<16xf32> to vector<1x16xf32>
        tpu.vector_store %arg6[%parallel_loop3A_536, %parallel_loop3A_537], %parallel_loop3A_540 {strides = array<i32>} : memref<256x64xf32, #tpu.memory_space<vmem>>, vector<1x16xf32>,
        %parallel_loop3A_541 = arith.index_cast %parallel_loop3A_516 : i32 to index
        %parallel_loop3A_542 = arith.constant 32 : index
        %parallel_loop3A_543 = tpu.vector_load %arg6[%parallel_loop3A_541, %parallel_loop3A_542] {strides = array<i32>} : memref<256x64xf32, #tpu.memory_space<vmem>>, vector<1x16xf32>,
        %parallel_loop3A_544 = vector.shape_cast %parallel_loop3A_543 : vector<1x16xf32> to vector<16xf32>
        %parallel_loop3A_545 = arith.constant 8.000000e+00 : f32
        %parallel_loop3A_546 = vector.broadcast %parallel_loop3A_545 : f32 to vector<16xf32>
        %parallel_loop3A_547 = arith.mulf %parallel_loop3A_544, %parallel_loop3A_546 : vector<16xf32>
        %parallel_loop3A_548 = arith.index_cast %parallel_loop3A_516 : i32 to index
        %parallel_loop3A_549 = arith.constant 32 : index
        %parallel_loop3A_550 = tpu.vector_load %arg6[%parallel_loop3A_548, %parallel_loop3A_549] {strides = array<i32>} : memref<256x64xf32, #tpu.memory_space<vmem>>, vector<1x16xf32>,
        %parallel_loop3A_551 = vector.shape_cast %parallel_loop3A_550 : vector<1x16xf32> to vector<16xf32>
        %parallel_loop3A_552 = vector.shape_cast %parallel_loop3A_547 : vector<16xf32> to vector<1x16xf32>
        tpu.vector_store %arg6[%parallel_loop3A_548, %parallel_loop3A_549], %parallel_loop3A_552 {strides = array<i32>} : memref<256x64xf32, #tpu.memory_space<vmem>>, vector<1x16xf32>,
        %parallel_loop3A_553 = arith.index_cast %parallel_loop3A_516 : i32 to index
        %parallel_loop3A_554 = arith.constant 48 : index
        %parallel_loop3A_555 = tpu.vector_load %arg6[%parallel_loop3A_553, %parallel_loop3A_554] {strides = array<i32>} : memref<256x64xf32, #tpu.memory_space<vmem>>, vector<1x16xf32>,
        %parallel_loop3A_556 = vector.shape_cast %parallel_loop3A_555 : vector<1x16xf32> to vector<16xf32>
        %parallel_loop3A_557 = arith.constant 8.000000e+00 : f32
        %parallel_loop3A_558 = vector.broadcast %parallel_loop3A_557 : f32 to vector<16xf32>
        %parallel_loop3A_559 = arith.mulf %parallel_loop3A_556, %parallel_loop3A_558 : vector<16xf32>
        %parallel_loop3A_560 = arith.index_cast %parallel_loop3A_516 : i32 to index
        %parallel_loop3A_561 = arith.constant 48 : index
        %parallel_loop3A_562 = tpu.vector_load %arg6[%parallel_loop3A_560, %parallel_loop3A_561] {strides = array<i32>} : memref<256x64xf32, #tpu.memory_space<vmem>>, vector<1x16xf32>,
        %parallel_loop3A_563 = vector.shape_cast %parallel_loop3A_562 : vector<1x16xf32> to vector<16xf32>
        %parallel_loop3A_564 = vector.shape_cast %parallel_loop3A_559 : vector<16xf32> to vector<1x16xf32>
        tpu.vector_store %arg6[%parallel_loop3A_560, %parallel_loop3A_561], %parallel_loop3A_564 {strides = array<i32>} : memref<256x64xf32, #tpu.memory_space<vmem>>, vector<1x16xf32>,
      } {sc.loop_unroll_factor = 8 : i64, sc.parallel_access}
      %mul3A_471 = arith.constant 2 : i32
      %mul3A_472 = arith.muli %add3A_447, %mul3A_471 : i32
      %add3A_473 = arith.addi %mul3A_2, %mul3A_472 : i32
      %mul3A_474 = arith.constant 128 : i32
      %mul3A_475 = arith.muli %add3A_473, %mul3A_474 : i32
      %dma_start3A_476 = arith.constant 0 : i32
      %dma_start3A_477 = tpu.memref_slice %arg4[%mul3A_475, %dma_start3A_476] : memref<819200x64xf32, #tpu.memory_space<hbm>> -> memref<256x64xf32, #tpu.memory_space<hbm>>
      %dma_start3A_478 = arith.constant 0 : i32
      %dma_start3A_479 = tpu.memref_slice %arg4[%mul3A_475, %dma_start3A_478] : memref<819200x64xf32, #tpu.memory_space<hbm>> -> memref<256x64xf32, #tpu.memory_space<hbm>>
      tpu.enqueue_dma source(%arg6 : memref<256x64xf32, #tpu.memory_space<vmem>>) target(%dma_start3A_479 : memref<256x64xf32, #tpu.memory_space<hbm>>) target_semaphore(%arg14 : memref<!tpu.dma_semaphore, #tpu.memory_space<semaphore_mem>>)
      %dma_wait3A_480 = arith.constant 0 : i32
      %dma_wait3A_481 = arith.constant 0 : i32
      %dma_wait3A_482 = tpu.memref_slice %arg4[%dma_wait3A_480, %dma_wait3A_481] : memref<819200x64xf32, #tpu.memory_space<hbm>> -> memref<256x64xf32, #tpu.memory_space<hbm>>
      %dma_wait3A_483 = arith.constant 0 : i32
      %dma_wait3A_484 = arith.constant 0 : i32
      %dma_wait3A_485 = tpu.memref_slice %arg4[%dma_wait3A_483, %dma_wait3A_484] : memref<819200x64xf32, #tpu.memory_space<hbm>> -> memref<256x64xf32, #tpu.memory_space<hbm>>
      tpu.wait_dma2 semaphore(%arg17 : memref<!tpu.dma_semaphore, #tpu.memory_space<semaphore_mem>>) src(%arg9 : memref<256x64xf32, #tpu.memory_space<vmem>>) dst(%dma_wait3A_485 : memref<256x64xf32, #tpu.memory_space<hbm>>)
      %add3A_486 = arith.constant 4 : i32
      %add3A_487 = arith.addi %add3A_447, %add3A_486 : i32
      %sub3A_488 = arith.constant 1 : i32
      %sub3A_489 = arith.subi %add3A_487, %sub3A_488 : i32
      %mul3A_490 = arith.constant 2 : i32
      %mul3A_491 = arith.muli %sub3A_489, %mul3A_490 : i32
      %add3A_492 = arith.constant 0 : i32
      %add3A_493 = arith.addi %mul3A_491, %add3A_492 : i32
      %dma_start3A_494 = arith.constant 0 : i32
      %dma_start3A_495 = arith.constant 0 : i32
      %dma_start3A_496 = tpu.memref_slice %arg9[%dma_start3A_494, %dma_start3A_495] : memref<256x64xf32, #tpu.memory_space<vmem>> -> memref<128x64xf32, #tpu.memory_space<vmem>>
      %dma_start3A_497 = arith.constant 0 : i32
      %dma_start3A_498 = tpu.memref_slice %arg5[%add3A_493, %dma_start3A_497] : memref<200x128xi32, #tpu.memory_space<vmem>> -> memref<1x128xi32, #tpu.memory_space<vmem>>
      %dma_start3A_499 = tpu.memref_squeeze %dma_start3A_498 : memref<1x128xi32, #tpu.memory_space<vmem>> -> memref<128xi32, #tpu.memory_space<vmem>>
      %dma_start3A_500 = arith.constant 0 : i32
      %dma_start3A_501 = arith.constant 0 : i32
      %dma_start3A_502 = tpu.memref_slice %arg3[%dma_start3A_500, %dma_start3A_501] : memref<1000000x64xf32, #tpu.memory_space<hbm>> -> memref<1000000x64xf32, #tpu.memory_space<hbm>>
      tpu.enqueue_indirect_dma source(%dma_start3A_502 : memref<1000000x64xf32, #tpu.memory_space<hbm>>) target(%dma_start3A_496 : memref<128x64xf32, #tpu.memory_space<vmem>>) offsets(%dma_start3A_499 : memref<128xi32, #tpu.memory_space<vmem>>) semaphore(%arg13 : memref<!tpu.dma_semaphore, #tpu.memory_space<semaphore_mem>>)
      %mul3A_503 = arith.constant 2 : i32
      %mul3A_504 = arith.muli %sub3A_489, %mul3A_503 : i32
      %add3A_505 = arith.constant 1 : i32
      %add3A_506 = arith.addi %mul3A_504, %add3A_505 : i32
      %dma_start3A_507 = arith.constant 128 : i32
      %dma_start3A_508 = arith.constant 0 : i32
      %dma_start3A_509 = tpu.memref_slice %arg9[%dma_start3A_507, %dma_start3A_508] : memref<256x64xf32, #tpu.memory_space<vmem>> -> memref<128x64xf32, #tpu.memory_space<vmem>>
      %dma_start3A_510 = arith.constant 0 : i32
      %dma_start3A_511 = tpu.memref_slice %arg5[%add3A_506, %dma_start3A_510] : memref<200x128xi32, #tpu.memory_space<vmem>> -> memref<1x128xi32, #tpu.memory_space<vmem>>
      %dma_start3A_512 = tpu.memref_squeeze %dma_start3A_511 : memref<1x128xi32, #tpu.memory_space<vmem>> -> memref<128xi32, #tpu.memory_space<vmem>>
      %dma_start3A_513 = arith.constant 0 : i32
      %dma_start3A_514 = arith.constant 0 : i32
      %dma_start3A_515 = tpu.memref_slice %arg3[%dma_start3A_513, %dma_start3A_514] : memref<1000000x64xf32, #tpu.memory_space<hbm>> -> memref<1000000x64xf32, #tpu.memory_space<hbm>>
      tpu.enqueue_indirect_dma source(%dma_start3A_515 : memref<1000000x64xf32, #tpu.memory_space<hbm>>) target(%dma_start3A_509 : memref<128x64xf32, #tpu.memory_space<vmem>>) offsets(%dma_start3A_512 : memref<128xi32, #tpu.memory_space<vmem>>) semaphore(%arg13 : memref<!tpu.dma_semaphore, #tpu.memory_space<semaphore_mem>>)
    }
    %scan3A_114 = arith.constant 24 : i32
    %dma_wait3A_115 = arith.constant 0 : i32
    %dma_wait3A_116 = arith.constant 0 : i32
    %dma_wait3A_117 = arith.constant 0 : i32
    %dma_wait3A_118 = tpu.memref_slice %arg7[%dma_wait3A_116, %dma_wait3A_117] : memref<256x64xf32, #tpu.memory_space<vmem>> -> memref<128x64xf32, #tpu.memory_space<vmem>>
    %dma_wait3A_119 = arith.constant 0 : i32
    %dma_wait3A_120 = tpu.memref_slice %arg5[%dma_wait3A_115, %dma_wait3A_119] : memref<200x128xi32, #tpu.memory_space<vmem>> -> memref<1x128xi32, #tpu.memory_space<vmem>>
    %dma_wait3A_121 = tpu.memref_squeeze %dma_wait3A_120 : memref<1x128xi32, #tpu.memory_space<vmem>> -> memref<128xi32, #tpu.memory_space<vmem>>
    %dma_wait3A_122 = arith.constant 0 : i32
    %dma_wait3A_123 = arith.constant 0 : i32
    %dma_wait3A_124 = tpu.memref_slice %arg3[%dma_wait3A_122, %dma_wait3A_123] : memref<1000000x64xf32, #tpu.memory_space<hbm>> -> memref<1000000x64xf32, #tpu.memory_space<hbm>>
    tpu.wait_indirect_dma semaphore(%arg11 : memref<!tpu.dma_semaphore, #tpu.memory_space<semaphore_mem>>) src(%dma_wait3A_124 : memref<1000000x64xf32, #tpu.memory_space<hbm>>) dst(%dma_wait3A_118 : memref<128x64xf32, #tpu.memory_space<vmem>>)
    %dma_wait3A_125 = arith.constant 1 : i32
    %dma_wait3A_126 = arith.constant 128 : i32
    %dma_wait3A_127 = arith.constant 0 : i32
    %dma_wait3A_128 = tpu.memref_slice %arg7[%dma_wait3A_126, %dma_wait3A_127] : memref<256x64xf32, #tpu.memory_space<vmem>> -> memref<128x64xf32, #tpu.memory_space<vmem>>
    %dma_wait3A_129 = arith.constant 0 : i32
    %dma_wait3A_130 = tpu.memref_slice %arg5[%dma_wait3A_125, %dma_wait3A_129] : memref<200x128xi32, #tpu.memory_space<vmem>> -> memref<1x128xi32, #tpu.memory_space<vmem>>
    %dma_wait3A_131 = tpu.memref_squeeze %dma_wait3A_130 : memref<1x128xi32, #tpu.memory_space<vmem>> -> memref<128xi32, #tpu.memory_space<vmem>>
    %dma_wait3A_132 = arith.constant 0 : i32
    %dma_wait3A_133 = arith.constant 0 : i32
    %dma_wait3A_134 = tpu.memref_slice %arg3[%dma_wait3A_132, %dma_wait3A_133] : memref<1000000x64xf32, #tpu.memory_space<hbm>> -> memref<1000000x64xf32, #tpu.memory_space<hbm>>
    tpu.wait_indirect_dma semaphore(%arg11 : memref<!tpu.dma_semaphore, #tpu.memory_space<semaphore_mem>>) src(%dma_wait3A_134 : memref<1000000x64xf32, #tpu.memory_space<hbm>>) dst(%dma_wait3A_128 : memref<128x64xf32, #tpu.memory_space<vmem>>)
    %parallel_loop3A_135 = arith.constant 0 : i32
    %parallel_loop3A_136 = arith.constant 256 : i32
    %parallel_loop3A_137 = arith.constant 1 : i32
    scf.for %parallel_loop3A_232 = %parallel_loop3A_135 to %parallel_loop3A_136 step %parallel_loop3A_137  : i32 {
      %parallel_loop3A_233 = arith.index_cast %parallel_loop3A_232 : i32 to index
      %parallel_loop3A_234 = arith.constant 0 : index
      %parallel_loop3A_235 = tpu.vector_load %arg7[%parallel_loop3A_233, %parallel_loop3A_234] {strides = array<i32>} : memref<256x64xf32, #tpu.memory_space<vmem>>, vector<1x16xf32>,
      %parallel_loop3A_236 = vector.shape_cast %parallel_loop3A_235 : vector<1x16xf32> to vector<16xf32>
      %parallel_loop3A_237 = arith.constant 8.000000e+00 : f32
      %parallel_loop3A_238 = vector.broadcast %parallel_loop3A_237 : f32 to vector<16xf32>
      %parallel_loop3A_239 = arith.mulf %parallel_loop3A_236, %parallel_loop3A_238 : vector<16xf32>
      %parallel_loop3A_240 = arith.index_cast %parallel_loop3A_232 : i32 to index
      %parallel_loop3A_241 = arith.constant 0 : index
      %parallel_loop3A_242 = tpu.vector_load %arg7[%parallel_loop3A_240, %parallel_loop3A_241] {strides = array<i32>} : memref<256x64xf32, #tpu.memory_space<vmem>>, vector<1x16xf32>,
      %parallel_loop3A_243 = vector.shape_cast %parallel_loop3A_242 : vector<1x16xf32> to vector<16xf32>
      %parallel_loop3A_244 = vector.shape_cast %parallel_loop3A_239 : vector<16xf32> to vector<1x16xf32>
      tpu.vector_store %arg7[%parallel_loop3A_240, %parallel_loop3A_241], %parallel_loop3A_244 {strides = array<i32>} : memref<256x64xf32, #tpu.memory_space<vmem>>, vector<1x16xf32>,
      %parallel_loop3A_245 = arith.index_cast %parallel_loop3A_232 : i32 to index
      %parallel_loop3A_246 = arith.constant 16 : index
      %parallel_loop3A_247 = tpu.vector_load %arg7[%parallel_loop3A_245, %parallel_loop3A_246] {strides = array<i32>} : memref<256x64xf32, #tpu.memory_space<vmem>>, vector<1x16xf32>,
      %parallel_loop3A_248 = vector.shape_cast %parallel_loop3A_247 : vector<1x16xf32> to vector<16xf32>
      %parallel_loop3A_249 = arith.constant 8.000000e+00 : f32
      %parallel_loop3A_250 = vector.broadcast %parallel_loop3A_249 : f32 to vector<16xf32>
      %parallel_loop3A_251 = arith.mulf %parallel_loop3A_248, %parallel_loop3A_250 : vector<16xf32>
      %parallel_loop3A_252 = arith.index_cast %parallel_loop3A_232 : i32 to index
      %parallel_loop3A_253 = arith.constant 16 : index
      %parallel_loop3A_254 = tpu.vector_load %arg7[%parallel_loop3A_252, %parallel_loop3A_253] {strides = array<i32>} : memref<256x64xf32, #tpu.memory_space<vmem>>, vector<1x16xf32>,
      %parallel_loop3A_255 = vector.shape_cast %parallel_loop3A_254 : vector<1x16xf32> to vector<16xf32>
      %parallel_loop3A_256 = vector.shape_cast %parallel_loop3A_251 : vector<16xf32> to vector<1x16xf32>
      tpu.vector_store %arg7[%parallel_loop3A_252, %parallel_loop3A_253], %parallel_loop3A_256 {strides = array<i32>} : memref<256x64xf32, #tpu.memory_space<vmem>>, vector<1x16xf32>,
      %parallel_loop3A_257 = arith.index_cast %parallel_loop3A_232 : i32 to index
      %parallel_loop3A_258 = arith.constant 32 : index
      %parallel_loop3A_259 = tpu.vector_load %arg7[%parallel_loop3A_257, %parallel_loop3A_258] {strides = array<i32>} : memref<256x64xf32, #tpu.memory_space<vmem>>, vector<1x16xf32>,
      %parallel_loop3A_260 = vector.shape_cast %parallel_loop3A_259 : vector<1x16xf32> to vector<16xf32>
      %parallel_loop3A_261 = arith.constant 8.000000e+00 : f32
      %parallel_loop3A_262 = vector.broadcast %parallel_loop3A_261 : f32 to vector<16xf32>
      %parallel_loop3A_263 = arith.mulf %parallel_loop3A_260, %parallel_loop3A_262 : vector<16xf32>
      %parallel_loop3A_264 = arith.index_cast %parallel_loop3A_232 : i32 to index
      %parallel_loop3A_265 = arith.constant 32 : index
      %parallel_loop3A_266 = tpu.vector_load %arg7[%parallel_loop3A_264, %parallel_loop3A_265] {strides = array<i32>} : memref<256x64xf32, #tpu.memory_space<vmem>>, vector<1x16xf32>,
      %parallel_loop3A_267 = vector.shape_cast %parallel_loop3A_266 : vector<1x16xf32> to vector<16xf32>
      %parallel_loop3A_268 = vector.shape_cast %parallel_loop3A_263 : vector<16xf32> to vector<1x16xf32>
      tpu.vector_store %arg7[%parallel_loop3A_264, %parallel_loop3A_265], %parallel_loop3A_268 {strides = array<i32>} : memref<256x64xf32, #tpu.memory_space<vmem>>, vector<1x16xf32>,
      %parallel_loop3A_269 = arith.index_cast %parallel_loop3A_232 : i32 to index
      %parallel_loop3A_270 = arith.constant 48 : index
      %parallel_loop3A_271 = tpu.vector_load %arg7[%parallel_loop3A_269, %parallel_loop3A_270] {strides = array<i32>} : memref<256x64xf32, #tpu.memory_space<vmem>>, vector<1x16xf32>,
      %parallel_loop3A_272 = vector.shape_cast %parallel_loop3A_271 : vector<1x16xf32> to vector<16xf32>
      %parallel_loop3A_273 = arith.constant 8.000000e+00 : f32
      %parallel_loop3A_274 = vector.broadcast %parallel_loop3A_273 : f32 to vector<16xf32>
      %parallel_loop3A_275 = arith.mulf %parallel_loop3A_272, %parallel_loop3A_274 : vector<16xf32>
      %parallel_loop3A_276 = arith.index_cast %parallel_loop3A_232 : i32 to index
      %parallel_loop3A_277 = arith.constant 48 : index
      %parallel_loop3A_278 = tpu.vector_load %arg7[%parallel_loop3A_276, %parallel_loop3A_277] {strides = array<i32>} : memref<256x64xf32, #tpu.memory_space<vmem>>, vector<1x16xf32>,
      %parallel_loop3A_279 = vector.shape_cast %parallel_loop3A_278 : vector<1x16xf32> to vector<16xf32>
      %parallel_loop3A_280 = vector.shape_cast %parallel_loop3A_275 : vector<16xf32> to vector<1x16xf32>
      tpu.vector_store %arg7[%parallel_loop3A_276, %parallel_loop3A_277], %parallel_loop3A_280 {strides = array<i32>} : memref<256x64xf32, #tpu.memory_space<vmem>>, vector<1x16xf32>,
    } {sc.loop_unroll_factor = 8 : i64, sc.parallel_access}
    %add3A_138 = arith.constant 194 : i32
    %add3A_139 = arith.addi %mul3A_2, %add3A_138 : i32
    %mul3A_140 = arith.constant 128 : i32
    %mul3A_141 = arith.muli %add3A_139, %mul3A_140 : i32
    %dma_start3A_142 = arith.constant 0 : i32
    %dma_start3A_143 = tpu.memref_slice %arg4[%mul3A_141, %dma_start3A_142] : memref<819200x64xf32, #tpu.memory_space<hbm>> -> memref<256x64xf32, #tpu.memory_space<hbm>>
    %dma_start3A_144 = arith.constant 0 : i32
    %dma_start3A_145 = tpu.memref_slice %arg4[%mul3A_141, %dma_start3A_144] : memref<819200x64xf32, #tpu.memory_space<hbm>> -> memref<256x64xf32, #tpu.memory_space<hbm>>
    tpu.enqueue_dma source(%arg7 : memref<256x64xf32, #tpu.memory_space<vmem>>) target(%dma_start3A_145 : memref<256x64xf32, #tpu.memory_space<hbm>>) target_semaphore(%arg15 : memref<!tpu.dma_semaphore, #tpu.memory_space<semaphore_mem>>)
    %dma_wait3A_146 = arith.constant 0 : i32
    %dma_wait3A_147 = arith.constant 0 : i32
    %dma_wait3A_148 = arith.constant 0 : i32
    %dma_wait3A_149 = tpu.memref_slice %arg8[%dma_wait3A_147, %dma_wait3A_148] : memref<256x64xf32, #tpu.memory_space<vmem>> -> memref<128x64xf32, #tpu.memory_space<vmem>>
    %dma_wait3A_150 = arith.constant 0 : i32
    %dma_wait3A_151 = tpu.memref_slice %arg5[%dma_wait3A_146, %dma_wait3A_150] : memref<200x128xi32, #tpu.memory_space<vmem>> -> memref<1x128xi32, #tpu.memory_space<vmem>>
    %dma_wait3A_152 = tpu.memref_squeeze %dma_wait3A_151 : memref<1x128xi32, #tpu.memory_space<vmem>> -> memref<128xi32, #tpu.memory_space<vmem>>
    %dma_wait3A_153 = arith.constant 0 : i32
    %dma_wait3A_154 = arith.constant 0 : i32
    %dma_wait3A_155 = tpu.memref_slice %arg3[%dma_wait3A_153, %dma_wait3A_154] : memref<1000000x64xf32, #tpu.memory_space<hbm>> -> memref<1000000x64xf32, #tpu.memory_space<hbm>>
    tpu.wait_indirect_dma semaphore(%arg12 : memref<!tpu.dma_semaphore, #tpu.memory_space<semaphore_mem>>) src(%dma_wait3A_155 : memref<1000000x64xf32, #tpu.memory_space<hbm>>) dst(%dma_wait3A_149 : memref<128x64xf32, #tpu.memory_space<vmem>>)
    %dma_wait3A_156 = arith.constant 1 : i32
    %dma_wait3A_157 = arith.constant 128 : i32
    %dma_wait3A_158 = arith.constant 0 : i32
    %dma_wait3A_159 = tpu.memref_slice %arg8[%dma_wait3A_157, %dma_wait3A_158] : memref<256x64xf32, #tpu.memory_space<vmem>> -> memref<128x64xf32, #tpu.memory_space<vmem>>
    %dma_wait3A_160 = arith.constant 0 : i32
    %dma_wait3A_161 = tpu.memref_slice %arg5[%dma_wait3A_156, %dma_wait3A_160] : memref<200x128xi32, #tpu.memory_space<vmem>> -> memref<1x128xi32, #tpu.memory_space<vmem>>
    %dma_wait3A_162 = tpu.memref_squeeze %dma_wait3A_161 : memref<1x128xi32, #tpu.memory_space<vmem>> -> memref<128xi32, #tpu.memory_space<vmem>>
    %dma_wait3A_163 = arith.constant 0 : i32
    %dma_wait3A_164 = arith.constant 0 : i32
    %dma_wait3A_165 = tpu.memref_slice %arg3[%dma_wait3A_163, %dma_wait3A_164] : memref<1000000x64xf32, #tpu.memory_space<hbm>> -> memref<1000000x64xf32, #tpu.memory_space<hbm>>
    tpu.wait_indirect_dma semaphore(%arg12 : memref<!tpu.dma_semaphore, #tpu.memory_space<semaphore_mem>>) src(%dma_wait3A_165 : memref<1000000x64xf32, #tpu.memory_space<hbm>>) dst(%dma_wait3A_159 : memref<128x64xf32, #tpu.memory_space<vmem>>)
    %parallel_loop3A_166 = arith.constant 0 : i32
    %parallel_loop3A_167 = arith.constant 256 : i32
    %parallel_loop3A_168 = arith.constant 1 : i32
    scf.for %parallel_loop3A_232 = %parallel_loop3A_166 to %parallel_loop3A_167 step %parallel_loop3A_168  : i32 {
      %parallel_loop3A_233 = arith.index_cast %parallel_loop3A_232 : i32 to index
      %parallel_loop3A_234 = arith.constant 0 : index
      %parallel_loop3A_235 = tpu.vector_load %arg8[%parallel_loop3A_233, %parallel_loop3A_234] {strides = array<i32>} : memref<256x64xf32, #tpu.memory_space<vmem>>, vector<1x16xf32>,
      %parallel_loop3A_236 = vector.shape_cast %parallel_loop3A_235 : vector<1x16xf32> to vector<16xf32>
      %parallel_loop3A_237 = arith.constant 8.000000e+00 : f32
      %parallel_loop3A_238 = vector.broadcast %parallel_loop3A_237 : f32 to vector<16xf32>
      %parallel_loop3A_239 = arith.mulf %parallel_loop3A_236, %parallel_loop3A_238 : vector<16xf32>
      %parallel_loop3A_240 = arith.index_cast %parallel_loop3A_232 : i32 to index
      %parallel_loop3A_241 = arith.constant 0 : index
      %parallel_loop3A_242 = tpu.vector_load %arg8[%parallel_loop3A_240, %parallel_loop3A_241] {strides = array<i32>} : memref<256x64xf32, #tpu.memory_space<vmem>>, vector<1x16xf32>,
      %parallel_loop3A_243 = vector.shape_cast %parallel_loop3A_242 : vector<1x16xf32> to vector<16xf32>
      %parallel_loop3A_244 = vector.shape_cast %parallel_loop3A_239 : vector<16xf32> to vector<1x16xf32>
      tpu.vector_store %arg8[%parallel_loop3A_240, %parallel_loop3A_241], %parallel_loop3A_244 {strides = array<i32>} : memref<256x64xf32, #tpu.memory_space<vmem>>, vector<1x16xf32>,
      %parallel_loop3A_245 = arith.index_cast %parallel_loop3A_232 : i32 to index
      %parallel_loop3A_246 = arith.constant 16 : index
      %parallel_loop3A_247 = tpu.vector_load %arg8[%parallel_loop3A_245, %parallel_loop3A_246] {strides = array<i32>} : memref<256x64xf32, #tpu.memory_space<vmem>>, vector<1x16xf32>,
      %parallel_loop3A_248 = vector.shape_cast %parallel_loop3A_247 : vector<1x16xf32> to vector<16xf32>
      %parallel_loop3A_249 = arith.constant 8.000000e+00 : f32
      %parallel_loop3A_250 = vector.broadcast %parallel_loop3A_249 : f32 to vector<16xf32>
      %parallel_loop3A_251 = arith.mulf %parallel_loop3A_248, %parallel_loop3A_250 : vector<16xf32>
      %parallel_loop3A_252 = arith.index_cast %parallel_loop3A_232 : i32 to index
      %parallel_loop3A_253 = arith.constant 16 : index
      %parallel_loop3A_254 = tpu.vector_load %arg8[%parallel_loop3A_252, %parallel_loop3A_253] {strides = array<i32>} : memref<256x64xf32, #tpu.memory_space<vmem>>, vector<1x16xf32>,
      %parallel_loop3A_255 = vector.shape_cast %parallel_loop3A_254 : vector<1x16xf32> to vector<16xf32>
      %parallel_loop3A_256 = vector.shape_cast %parallel_loop3A_251 : vector<16xf32> to vector<1x16xf32>
      tpu.vector_store %arg8[%parallel_loop3A_252, %parallel_loop3A_253], %parallel_loop3A_256 {strides = array<i32>} : memref<256x64xf32, #tpu.memory_space<vmem>>, vector<1x16xf32>,
      %parallel_loop3A_257 = arith.index_cast %parallel_loop3A_232 : i32 to index
      %parallel_loop3A_258 = arith.constant 32 : index
      %parallel_loop3A_259 = tpu.vector_load %arg8[%parallel_loop3A_257, %parallel_loop3A_258] {strides = array<i32>} : memref<256x64xf32, #tpu.memory_space<vmem>>, vector<1x16xf32>,
      %parallel_loop3A_260 = vector.shape_cast %parallel_loop3A_259 : vector<1x16xf32> to vector<16xf32>
      %parallel_loop3A_261 = arith.constant 8.000000e+00 : f32
      %parallel_loop3A_262 = vector.broadcast %parallel_loop3A_261 : f32 to vector<16xf32>
      %parallel_loop3A_263 = arith.mulf %parallel_loop3A_260, %parallel_loop3A_262 : vector<16xf32>
      %parallel_loop3A_264 = arith.index_cast %parallel_loop3A_232 : i32 to index
      %parallel_loop3A_265 = arith.constant 32 : index
      %parallel_loop3A_266 = tpu.vector_load %arg8[%parallel_loop3A_264, %parallel_loop3A_265] {strides = array<i32>} : memref<256x64xf32, #tpu.memory_space<vmem>>, vector<1x16xf32>,
      %parallel_loop3A_267 = vector.shape_cast %parallel_loop3A_266 : vector<1x16xf32> to vector<16xf32>
      %parallel_loop3A_268 = vector.shape_cast %parallel_loop3A_263 : vector<16xf32> to vector<1x16xf32>
      tpu.vector_store %arg8[%parallel_loop3A_264, %parallel_loop3A_265], %parallel_loop3A_268 {strides = array<i32>} : memref<256x64xf32, #tpu.memory_space<vmem>>, vector<1x16xf32>,
      %parallel_loop3A_269 = arith.index_cast %parallel_loop3A_232 : i32 to index
      %parallel_loop3A_270 = arith.constant 48 : index
      %parallel_loop3A_271 = tpu.vector_load %arg8[%parallel_loop3A_269, %parallel_loop3A_270] {strides = array<i32>} : memref<256x64xf32, #tpu.memory_space<vmem>>, vector<1x16xf32>,
      %parallel_loop3A_272 = vector.shape_cast %parallel_loop3A_271 : vector<1x16xf32> to vector<16xf32>
      %parallel_loop3A_273 = arith.constant 8.000000e+00 : f32
      %parallel_loop3A_274 = vector.broadcast %parallel_loop3A_273 : f32 to vector<16xf32>
      %parallel_loop3A_275 = arith.mulf %parallel_loop3A_272, %parallel_loop3A_274 : vector<16xf32>
      %parallel_loop3A_276 = arith.index_cast %parallel_loop3A_232 : i32 to index
      %parallel_loop3A_277 = arith.constant 48 : index
      %parallel_loop3A_278 = tpu.vector_load %arg8[%parallel_loop3A_276, %parallel_loop3A_277] {strides = array<i32>} : memref<256x64xf32, #tpu.memory_space<vmem>>, vector<1x16xf32>,
      %parallel_loop3A_279 = vector.shape_cast %parallel_loop3A_278 : vector<1x16xf32> to vector<16xf32>
      %parallel_loop3A_280 = vector.shape_cast %parallel_loop3A_275 : vector<16xf32> to vector<1x16xf32>
      tpu.vector_store %arg8[%parallel_loop3A_276, %parallel_loop3A_277], %parallel_loop3A_280 {strides = array<i32>} : memref<256x64xf32, #tpu.memory_space<vmem>>, vector<1x16xf32>,
    } {sc.loop_unroll_factor = 8 : i64, sc.parallel_access}
    %add3A_169 = arith.constant 196 : i32
    %add3A_170 = arith.addi %mul3A_2, %add3A_169 : i32
    %mul3A_171 = arith.constant 128 : i32
    %mul3A_172 = arith.muli %add3A_170, %mul3A_171 : i32
    %dma_start3A_173 = arith.constant 0 : i32
    %dma_start3A_174 = tpu.memref_slice %arg4[%mul3A_172, %dma_start3A_173] : memref<819200x64xf32, #tpu.memory_space<hbm>> -> memref<256x64xf32, #tpu.memory_space<hbm>>
    %dma_start3A_175 = arith.constant 0 : i32
    %dma_start3A_176 = tpu.memref_slice %arg4[%mul3A_172, %dma_start3A_175] : memref<819200x64xf32, #tpu.memory_space<hbm>> -> memref<256x64xf32, #tpu.memory_space<hbm>>
    tpu.enqueue_dma source(%arg8 : memref<256x64xf32, #tpu.memory_space<vmem>>) target(%dma_start3A_176 : memref<256x64xf32, #tpu.memory_space<hbm>>) target_semaphore(%arg16 : memref<!tpu.dma_semaphore, #tpu.memory_space<semaphore_mem>>)
    %dma_wait3A_177 = arith.constant 0 : i32
    %dma_wait3A_178 = arith.constant 0 : i32
    %dma_wait3A_179 = arith.constant 0 : i32
    %dma_wait3A_180 = tpu.memref_slice %arg9[%dma_wait3A_178, %dma_wait3A_179] : memref<256x64xf32, #tpu.memory_space<vmem>> -> memref<128x64xf32, #tpu.memory_space<vmem>>
    %dma_wait3A_181 = arith.constant 0 : i32
    %dma_wait3A_182 = tpu.memref_slice %arg5[%dma_wait3A_177, %dma_wait3A_181] : memref<200x128xi32, #tpu.memory_space<vmem>> -> memref<1x128xi32, #tpu.memory_space<vmem>>
    %dma_wait3A_183 = tpu.memref_squeeze %dma_wait3A_182 : memref<1x128xi32, #tpu.memory_space<vmem>> -> memref<128xi32, #tpu.memory_space<vmem>>
    %dma_wait3A_184 = arith.constant 0 : i32
    %dma_wait3A_185 = arith.constant 0 : i32
    %dma_wait3A_186 = tpu.memref_slice %arg3[%dma_wait3A_184, %dma_wait3A_185] : memref<1000000x64xf32, #tpu.memory_space<hbm>> -> memref<1000000x64xf32, #tpu.memory_space<hbm>>
    tpu.wait_indirect_dma semaphore(%arg13 : memref<!tpu.dma_semaphore, #tpu.memory_space<semaphore_mem>>) src(%dma_wait3A_186 : memref<1000000x64xf32, #tpu.memory_space<hbm>>) dst(%dma_wait3A_180 : memref<128x64xf32, #tpu.memory_space<vmem>>)
    %dma_wait3A_187 = arith.constant 1 : i32
    %dma_wait3A_188 = arith.constant 128 : i32
    %dma_wait3A_189 = arith.constant 0 : i32
    %dma_wait3A_190 = tpu.memref_slice %arg9[%dma_wait3A_188, %dma_wait3A_189] : memref<256x64xf32, #tpu.memory_space<vmem>> -> memref<128x64xf32, #tpu.memory_space<vmem>>
    %dma_wait3A_191 = arith.constant 0 : i32
    %dma_wait3A_192 = tpu.memref_slice %arg5[%dma_wait3A_187, %dma_wait3A_191] : memref<200x128xi32, #tpu.memory_space<vmem>> -> memref<1x128xi32, #tpu.memory_space<vmem>>
    %dma_wait3A_193 = tpu.memref_squeeze %dma_wait3A_192 : memref<1x128xi32, #tpu.memory_space<vmem>> -> memref<128xi32, #tpu.memory_space<vmem>>
    %dma_wait3A_194 = arith.constant 0 : i32
    %dma_wait3A_195 = arith.constant 0 : i32
    %dma_wait3A_196 = tpu.memref_slice %arg3[%dma_wait3A_194, %dma_wait3A_195] : memref<1000000x64xf32, #tpu.memory_space<hbm>> -> memref<1000000x64xf32, #tpu.memory_space<hbm>>
    tpu.wait_indirect_dma semaphore(%arg13 : memref<!tpu.dma_semaphore, #tpu.memory_space<semaphore_mem>>) src(%dma_wait3A_196 : memref<1000000x64xf32, #tpu.memory_space<hbm>>) dst(%dma_wait3A_190 : memref<128x64xf32, #tpu.memory_space<vmem>>)
    %parallel_loop3A_197 = arith.constant 0 : i32
    %parallel_loop3A_198 = arith.constant 256 : i32
    %parallel_loop3A_199 = arith.constant 1 : i32
    scf.for %parallel_loop3A_232 = %parallel_loop3A_197 to %parallel_loop3A_198 step %parallel_loop3A_199  : i32 {
      %parallel_loop3A_233 = arith.index_cast %parallel_loop3A_232 : i32 to index
      %parallel_loop3A_234 = arith.constant 0 : index
      %parallel_loop3A_235 = tpu.vector_load %arg9[%parallel_loop3A_233, %parallel_loop3A_234] {strides = array<i32>} : memref<256x64xf32, #tpu.memory_space<vmem>>, vector<1x16xf32>,
      %parallel_loop3A_236 = vector.shape_cast %parallel_loop3A_235 : vector<1x16xf32> to vector<16xf32>
      %parallel_loop3A_237 = arith.constant 8.000000e+00 : f32
      %parallel_loop3A_238 = vector.broadcast %parallel_loop3A_237 : f32 to vector<16xf32>
      %parallel_loop3A_239 = arith.mulf %parallel_loop3A_236, %parallel_loop3A_238 : vector<16xf32>
      %parallel_loop3A_240 = arith.index_cast %parallel_loop3A_232 : i32 to index
      %parallel_loop3A_241 = arith.constant 0 : index
      %parallel_loop3A_242 = tpu.vector_load %arg9[%parallel_loop3A_240, %parallel_loop3A_241] {strides = array<i32>} : memref<256x64xf32, #tpu.memory_space<vmem>>, vector<1x16xf32>,
      %parallel_loop3A_243 = vector.shape_cast %parallel_loop3A_242 : vector<1x16xf32> to vector<16xf32>
      %parallel_loop3A_244 = vector.shape_cast %parallel_loop3A_239 : vector<16xf32> to vector<1x16xf32>
      tpu.vector_store %arg9[%parallel_loop3A_240, %parallel_loop3A_241], %parallel_loop3A_244 {strides = array<i32>} : memref<256x64xf32, #tpu.memory_space<vmem>>, vector<1x16xf32>,
      %parallel_loop3A_245 = arith.index_cast %parallel_loop3A_232 : i32 to index
      %parallel_loop3A_246 = arith.constant 16 : index
      %parallel_loop3A_247 = tpu.vector_load %arg9[%parallel_loop3A_245, %parallel_loop3A_246] {strides = array<i32>} : memref<256x64xf32, #tpu.memory_space<vmem>>, vector<1x16xf32>,
      %parallel_loop3A_248 = vector.shape_cast %parallel_loop3A_247 : vector<1x16xf32> to vector<16xf32>
      %parallel_loop3A_249 = arith.constant 8.000000e+00 : f32
      %parallel_loop3A_250 = vector.broadcast %parallel_loop3A_249 : f32 to vector<16xf32>
      %parallel_loop3A_251 = arith.mulf %parallel_loop3A_248, %parallel_loop3A_250 : vector<16xf32>
      %parallel_loop3A_252 = arith.index_cast %parallel_loop3A_232 : i32 to index
      %parallel_loop3A_253 = arith.constant 16 : index
      %parallel_loop3A_254 = tpu.vector_load %arg9[%parallel_loop3A_252, %parallel_loop3A_253] {strides = array<i32>} : memref<256x64xf32, #tpu.memory_space<vmem>>, vector<1x16xf32>,
      %parallel_loop3A_255 = vector.shape_cast %parallel_loop3A_254 : vector<1x16xf32> to vector<16xf32>
      %parallel_loop3A_256 = vector.shape_cast %parallel_loop3A_251 : vector<16xf32> to vector<1x16xf32>
      tpu.vector_store %arg9[%parallel_loop3A_252, %parallel_loop3A_253], %parallel_loop3A_256 {strides = array<i32>} : memref<256x64xf32, #tpu.memory_space<vmem>>, vector<1x16xf32>,
      %parallel_loop3A_257 = arith.index_cast %parallel_loop3A_232 : i32 to index
      %parallel_loop3A_258 = arith.constant 32 : index
      %parallel_loop3A_259 = tpu.vector_load %arg9[%parallel_loop3A_257, %parallel_loop3A_258] {strides = array<i32>} : memref<256x64xf32, #tpu.memory_space<vmem>>, vector<1x16xf32>,
      %parallel_loop3A_260 = vector.shape_cast %parallel_loop3A_259 : vector<1x16xf32> to vector<16xf32>
      %parallel_loop3A_261 = arith.constant 8.000000e+00 : f32
      %parallel_loop3A_262 = vector.broadcast %parallel_loop3A_261 : f32 to vector<16xf32>
      %parallel_loop3A_263 = arith.mulf %parallel_loop3A_260, %parallel_loop3A_262 : vector<16xf32>
      %parallel_loop3A_264 = arith.index_cast %parallel_loop3A_232 : i32 to index
      %parallel_loop3A_265 = arith.constant 32 : index
      %parallel_loop3A_266 = tpu.vector_load %arg9[%parallel_loop3A_264, %parallel_loop3A_265] {strides = array<i32>} : memref<256x64xf32, #tpu.memory_space<vmem>>, vector<1x16xf32>,
      %parallel_loop3A_267 = vector.shape_cast %parallel_loop3A_266 : vector<1x16xf32> to vector<16xf32>
      %parallel_loop3A_268 = vector.shape_cast %parallel_loop3A_263 : vector<16xf32> to vector<1x16xf32>
      tpu.vector_store %arg9[%parallel_loop3A_264, %parallel_loop3A_265], %parallel_loop3A_268 {strides = array<i32>} : memref<256x64xf32, #tpu.memory_space<vmem>>, vector<1x16xf32>,
      %parallel_loop3A_269 = arith.index_cast %parallel_loop3A_232 : i32 to index
      %parallel_loop3A_270 = arith.constant 48 : index
      %parallel_loop3A_271 = tpu.vector_load %arg9[%parallel_loop3A_269, %parallel_loop3A_270] {strides = array<i32>} : memref<256x64xf32, #tpu.memory_space<vmem>>, vector<1x16xf32>,
      %parallel_loop3A_272 = vector.shape_cast %parallel_loop3A_271 : vector<1x16xf32> to vector<16xf32>
      %parallel_loop3A_273 = arith.constant 8.000000e+00 : f32
      %parallel_loop3A_274 = vector.broadcast %parallel_loop3A_273 : f32 to vector<16xf32>
      %parallel_loop3A_275 = arith.mulf %parallel_loop3A_272, %parallel_loop3A_274 : vector<16xf32>
      %parallel_loop3A_276 = arith.index_cast %parallel_loop3A_232 : i32 to index
      %parallel_loop3A_277 = arith.constant 48 : index
      %parallel_loop3A_278 = tpu.vector_load %arg9[%parallel_loop3A_276, %parallel_loop3A_277] {strides = array<i32>} : memref<256x64xf32, #tpu.memory_space<vmem>>, vector<1x16xf32>,
      %parallel_loop3A_279 = vector.shape_cast %parallel_loop3A_278 : vector<1x16xf32> to vector<16xf32>
      %parallel_loop3A_280 = vector.shape_cast %parallel_loop3A_275 : vector<16xf32> to vector<1x16xf32>
      tpu.vector_store %arg9[%parallel_loop3A_276, %parallel_loop3A_277], %parallel_loop3A_280 {strides = array<i32>} : memref<256x64xf32, #tpu.memory_space<vmem>>, vector<1x16xf32>,
    } {sc.loop_unroll_factor = 8 : i64, sc.parallel_access}
    %add3A_200 = arith.constant 198 : i32
    %add3A_201 = arith.addi %mul3A_2, %add3A_200 : i32
    %mul3A_202 = arith.constant 128 : i32
    %mul3A_203 = arith.muli %add3A_201, %mul3A_202 : i32
    %dma_start3A_204 = arith.constant 0 : i32
    %dma_start3A_205 = tpu.memref_slice %arg4[%mul3A_203, %dma_start3A_204] : memref<819200x64xf32, #tpu.memory_space<hbm>> -> memref<256x64xf32, #tpu.memory_space<hbm>>
    %dma_start3A_206 = arith.constant 0 : i32
    %dma_start3A_207 = tpu.memref_slice %arg4[%mul3A_203, %dma_start3A_206] : memref<819200x64xf32, #tpu.memory_space<hbm>> -> memref<256x64xf32, #tpu.memory_space<hbm>>
    tpu.enqueue_dma source(%arg9 : memref<256x64xf32, #tpu.memory_space<vmem>>) target(%dma_start3A_207 : memref<256x64xf32, #tpu.memory_space<hbm>>) target_semaphore(%arg17 : memref<!tpu.dma_semaphore, #tpu.memory_space<semaphore_mem>>)
    %dma_wait3A_208 = arith.constant 0 : i32
    %dma_wait3A_209 = arith.constant 0 : i32
    %dma_wait3A_210 = tpu.memref_slice %arg4[%dma_wait3A_208, %dma_wait3A_209] : memref<819200x64xf32, #tpu.memory_space<hbm>> -> memref<256x64xf32, #tpu.memory_space<hbm>>
    %dma_wait3A_211 = arith.constant 0 : i32
    %dma_wait3A_212 = arith.constant 0 : i32
    %dma_wait3A_213 = tpu.memref_slice %arg4[%dma_wait3A_211, %dma_wait3A_212] : memref<819200x64xf32, #tpu.memory_space<hbm>> -> memref<256x64xf32, #tpu.memory_space<hbm>>
    tpu.wait_dma2 semaphore(%arg14 : memref<!tpu.dma_semaphore, #tpu.memory_space<semaphore_mem>>) src(%arg6 : memref<256x64xf32, #tpu.memory_space<vmem>>) dst(%dma_wait3A_213 : memref<256x64xf32, #tpu.memory_space<hbm>>)
    %dma_wait3A_214 = arith.constant 0 : i32
    %dma_wait3A_215 = arith.constant 0 : i32
    %dma_wait3A_216 = tpu.memref_slice %arg4[%dma_wait3A_214, %dma_wait3A_215] : memref<819200x64xf32, #tpu.memory_space<hbm>> -> memref<256x64xf32, #tpu.memory_space<hbm>>
    %dma_wait3A_217 = arith.constant 0 : i32
    %dma_wait3A_218 = arith.constant 0 : i32
    %dma_wait3A_219 = tpu.memref_slice %arg4[%dma_wait3A_217, %dma_wait3A_218] : memref<819200x64xf32, #tpu.memory_space<hbm>> -> memref<256x64xf32, #tpu.memory_space<hbm>>
    tpu.wait_dma2 semaphore(%arg15 : memref<!tpu.dma_semaphore, #tpu.memory_space<semaphore_mem>>) src(%arg7 : memref<256x64xf32, #tpu.memory_space<vmem>>) dst(%dma_wait3A_219 : memref<256x64xf32, #tpu.memory_space<hbm>>)
    %dma_wait3A_220 = arith.constant 0 : i32
    %dma_wait3A_221 = arith.constant 0 : i32
    %dma_wait3A_222 = tpu.memref_slice %arg4[%dma_wait3A_220, %dma_wait3A_221] : memref<819200x64xf32, #tpu.memory_space<hbm>> -> memref<256x64xf32, #tpu.memory_space<hbm>>
    %dma_wait3A_223 = arith.constant 0 : i32
    %dma_wait3A_224 = arith.constant 0 : i32
    %dma_wait3A_225 = tpu.memref_slice %arg4[%dma_wait3A_223, %dma_wait3A_224] : memref<819200x64xf32, #tpu.memory_space<hbm>> -> memref<256x64xf32, #tpu.memory_space<hbm>>
    tpu.wait_dma2 semaphore(%arg16 : memref<!tpu.dma_semaphore, #tpu.memory_space<semaphore_mem>>) src(%arg8 : memref<256x64xf32, #tpu.memory_space<vmem>>) dst(%dma_wait3A_225 : memref<256x64xf32, #tpu.memory_space<hbm>>)
    %dma_wait3A_226 = arith.constant 0 : i32
    %dma_wait3A_227 = arith.constant 0 : i32
    %dma_wait3A_228 = tpu.memref_slice %arg4[%dma_wait3A_226, %dma_wait3A_227] : memref<819200x64xf32, #tpu.memory_space<hbm>> -> memref<256x64xf32, #tpu.memory_space<hbm>>
    %dma_wait3A_229 = arith.constant 0 : i32
    %dma_wait3A_230 = arith.constant 0 : i32
    %dma_wait3A_231 = tpu.memref_slice %arg4[%dma_wait3A_229, %dma_wait3A_230] : memref<819200x64xf32, #tpu.memory_space<hbm>> -> memref<256x64xf32, #tpu.memory_space<hbm>>
    tpu.wait_dma2 semaphore(%arg17 : memref<!tpu.dma_semaphore, #tpu.memory_space<semaphore_mem>>) src(%arg9 : memref<256x64xf32, #tpu.memory_space<vmem>>) dst(%dma_wait3A_231 : memref<256x64xf32, #tpu.memory_space<hbm>>)
    return
  }
}

</mosaic_0001>

<sc_bundles>
// kernel: kernel.3.cloned.1.call-start
scs
__scs_entry_jumppad:
0x0: {  	(pc) =	sbr.rel $0x88, $3  }
0x1: {  	(tag) =	ssettag $0x0;
	lr =	simm.s32 $0x1  }
0x2: {  	[smem:$0x3F9F] =	sst lr;
	_ =	strace $0xD0000000  }
0x3: {  	_ = 	snop  }
0x4: {  	_ = 	snop  }
0x5: {  	_ = 	snop  }
0x6: {  	_ = 	snop  }
0x7: {  	_ = 	snop  }
__scs_overlays_trampoline_lowered:
0x8: {  	[smem:$0x3FAE] =	sst s0  }
0x9: {  	[smem:$0x3FAF] =	sst s1  }
0xa: {  	[smem:$0x3FB0] =	sst s2  }
0xb: {  	[smem:$0x3FB1] =	sst s3  }
0xc: {  	[smem:$0x3FB2] =	sst s4  }
0xd: {  	[smem:$0x3FB3] =	sst s5  }
0xe: {  	[smem:$0x3FB4] =	sst s6  }
0xf: {  	[smem:$0x3FB5] =	sst s7  }
0x10: {  	[smem:$0x3FB6] =	sst s8  }
0x11: {  	[smem:$0x3FB7] =	sst s9;
	s0 =	simm.s32 @!p0 $0x0  }
0x12: {  	s1 =	sld [smem:$0x3F9D];
	s0 =	simm.s32 @p0 $0x1  }
0x13: {  	[smem:$0x3FB8] =	sst s0;
	s0 =	simm.s32 @!p1 $0x0  }
0x14: {  	s2 =	sld [smem:$0x3F9C];
	s0 =	simm.s32 @p1 $0x1  }
0x15: {  	[smem:$0x3FB9] =	sst s0;
	s0 =	simm.s32 @!p2 $0x0  }
0x16: {  	s3 =	sld [smem:$0x3FDB];
	s0 =	simm.s32 @p2 $0x1  }
0x17: {  	s4 =	simm.s32 $0x1BF5;
	[smem:$0x3FBB] =	sst s0  }
0x18: {  	s0 =	sld [smem:$0x3F9E];
	_ =	swait.ge [sflag:s4], $0x0  }
0x19: {  	s7 =	sld [smem:$0x3F9F]  }
0x1a: {  	s8 =	sadd.s32 $0xFFFFE003, lr  }
0x1b: {  	s9 =	sadd.s32 $0xFFFFFEF7, lr;
	s5 =	simm.s32 $0xFFFFFFFF;
	p2 =	slt.u32 s8, $0xFFFFF086  }
0x1c: {  	p1 =	slt.u32 s9, $0xF7A;
	s5 =	simm.s32 @!p2 $0x0  }
0x1d: {  	s5 =	simm.s32 @p1 $0x1;
	p0 =	seq.s32 s7, s2  }
0x1e: {  	s7 =	smul.u32 @!p0 $0xF7A, s2;
	p2 =	seq.s32 @!p0 s5, $0x0  }
0x1f: {  	s9 =	smul.u32 $0xF7A, s1;
	s8 =	simm.s32 @!p0 $0x1BF5;
	p2 =	por !p2, p0  }
0x20: {  	[sflag:s8] =	ssyncset.s32 @!p0 $0xFFFFF086;
	s6 =	sadd.s32 @!p0 s3, s7;
	s7 =	simm.s32 @!p0 $0x108  }
0x21: {  	s3 =	sadd.s32 s3, s9;
	s6 =	sadd.s32 @!p0 $0x88, s6;
	s7 =	simm.s32 @p2 $0x1082  }
0x22: {  	[simem:s7], [sflag:s8] =	dma.local @!p0 [hbm:s6], $0xF7A  }
0x23: {  	s9 =	sor.u32 $0xD0000000, s2;
	s6 =	simm.s32 $0x108;
	_ =	swait.ge @!p0 [sflag:s8], $0x0  }
0x24: {  	s3 =	sadd.s32 $0x88, s3;
	s6 =	simm.s32 @!p1 $0x1082;
	[sflag:s4] =	ssyncset.s32 $0xFFFFF086  }
0x25: {  	[simem:s6], [sflag:s4] =	dma.local [hbm:s3], $0xF7A  }
0x26: {  	[smem:$0x3F9F] =	sst s1;
	(tag) =	ssettag s2;
	_ =	strace s9  }
0x27: {  	s1 =	sld [smem:$0x3FAF]  }
0x28: {  	s2 =	sld [smem:$0x3FB0]  }
0x29: {  	s4 =	sld [smem:$0x3FB2]  }
0x2a: {  	p0 =	seq.s32 s5, $0x0;
	s5 =	sld [smem:$0x3FB3]  }
0x2b: {  	s6 =	sld [smem:$0x3FB4]  }
0x2c: {  	s7 =	sld [smem:$0x3FB5]  }
0x2d: {  	s3 =	simm.s32 $0x108;
	s8 =	sld [smem:$0x3FB6]  }
0x2e: {  	s3 =	simm.s32 @!p0 $0x1082;
	s9 =	sld [smem:$0x3FB7]  }
0x2f: {  	lr =	sadd.s32 s0, s3;
	s0 =	sld [smem:$0x3FAE]  }
0x30: {  	s3 =	sld [smem:$0x3FB1]  }
0x31: {  	[smem:$0x3FBA] =	sst s10  }
0x32: {  	s10 =	sld [smem:$0x3FB8];
	_ =	sdelay $0x3  }
0x33: {  	p0 =	seq.s32 s10, $0x1;
	s10 =	sld [smem:$0x3FBA];
	_ =	sdelay $0x3  }
0x34: {  	[smem:$0x3FBA] =	sst s10  }
0x35: {  	s10 =	sld [smem:$0x3FB9];
	_ =	sdelay $0x3  }
0x36: {  	p1 =	seq.s32 s10, $0x1;
	s10 =	sld [smem:$0x3FBA];
	_ =	sdelay $0x3  }
0x37: {  	[smem:$0x3FBA] =	sst s10  }
0x38: {  	s10 =	sld [smem:$0x3FBB]  }
0x39: {  	_ = 	snop;
	(pc) =	sbr.ind lr, $3  }
0x3a: {  	_ = 	snop  }
0x3b: {  	_ = 	snop  }
0x3c: {  	p2 =	seq.s32 s10, $0x1;
	s10 =	sld [smem:$0x3FBA]  }
0x3d: {  	_ =	shalt  }
0x3e: {  	_ =	shalt  }
0x3f: {  	_ =	shalt  }
0x40: {  	_ =	shalt  }
0x41: {  	_ =	shalt  }
0x42: {  	_ =	shalt  }
0x43: {  	_ =	shalt  }
0x44: {  	_ =	shalt  }
0x45: {  	_ =	shalt  }
0x46: {  	_ =	shalt  }
0x47: {  	_ =	shalt  }
0x48: {  	_ =	shalt  }
0x49: {  	_ =	shalt  }
0x4a: {  	_ =	shalt  }
0x4b: {  	_ =	shalt  }
0x4c: {  	_ =	shalt  }
0x4d: {  	_ =	shalt  }
0x4e: {  	_ =	shalt  }
0x4f: {  	_ =	shalt  }
0x50: {  	_ =	shalt  }
0x51: {  	_ =	shalt  }
0x52: {  	_ =	shalt  }
0x53: {  	_ =	shalt  }
0x54: {  	_ =	shalt  }
0x55: {  	_ =	shalt  }
0x56: {  	_ =	shalt  }
0x57: {  	_ =	shalt  }
0x58: {  	_ =	shalt  }
0x59: {  	_ =	shalt  }
0x5a: {  	_ =	shalt  }
0x5b: {  	_ =	shalt  }
0x5c: {  	_ =	shalt  }
0x5d: {  	_ =	shalt  }
0x5e: {  	_ =	shalt  }
0x5f: {  	_ =	shalt  }
0x60: {  	_ =	shalt  }
0x61: {  	_ =	shalt  }
0x62: {  	_ =	shalt  }
0x63: {  	_ =	shalt  }
0x64: {  	_ =	shalt  }
0x65: {  	_ =	shalt  }
0x66: {  	_ =	shalt  }
0x67: {  	_ =	shalt  }
0x68: {  	_ =	shalt  }
0x69: {  	_ =	shalt  }
0x6a: {  	_ =	shalt  }
0x6b: {  	_ =	shalt  }
0x6c: {  	_ =	shalt  }
0x6d: {  	_ =	shalt  }
0x6e: {  	_ =	shalt  }
0x6f: {  	_ =	shalt  }
0x70: {  	_ =	shalt  }
0x71: {  	_ =	shalt  }
0x72: {  	_ =	shalt  }
0x73: {  	_ =	shalt  }
0x74: {  	_ =	shalt  }
0x75: {  	_ =	shalt  }
0x76: {  	_ =	shalt  }
0x77: {  	_ =	shalt  }
0x78: {  	_ =	shalt  }
0x79: {  	_ =	shalt  }
0x7a: {  	_ =	shalt  }
0x7b: {  	_ =	shalt  }
0x7c: {  	_ =	shalt  }
0x7d: {  	_ =	shalt  }
0x7e: {  	_ =	shalt  }
0x7f: {  	_ =	shalt  }
0x80: {  	_ =	shalt  }
0x81: {  	_ =	shalt  }
0x82: {  	_ =	shalt  }
0x83: {  	_ =	shalt  }
0x84: {  	_ =	shalt  }
0x85: {  	_ =	shalt  }
0x86: {  	_ =	shalt  }
0x87: {  	_ =	shalt  }
.Lfunc_end0:
.L_simem_size_0:
called_computation.1_lowered:
.L_overlay_start_0:
0x88: {  	s2 =	sld [smem:$0x3FD9]  }
0x89: {  	s3 =	sld [smem:$0x3FFE];
	_ =	sdelay $0x1  }
0x8a: {  	s1 =	srdreg.scid  }
0x8b: {  	s0 =	sand.u32 $0x1, s1  }
0x8c: {  	s17 =	sshll.u32 s0, $0xA;
	s2 =	sadd.s32 s3, s2  }
0x8d: {  	s2 =	sadd.s32 s2, s17  }
0x8e: {  	[smem:$0x3FC6] =	sst s2  }
0x8f: {  	_ = 	snop  }
0x90: {  	s2 =	sld [smem:$0x3FD0];
	(tm) =	ssettm $0x1  }
0x91: {  	s18 =	sld [smem:$0x3FFB];
	_ =	sdelay $0x3  }
0x92: {  	_ =	strace s18  }
0x93: {  	s3 =	sld [smem:$0x3FFC];
	_ =	sdelay $0x3  }
0x94: {  	_ =	strace s3  }
0x95: {  	s3 =	sld [smem:$0x3FFD];
	_ =	sdelay $0x3  }
0x96: {  	_ =	strace s3  }
0x97: {  	_ =	strace $0x8FFFFFFF  }
0x98: {  	s19 =	sld [smem:$0x3FDB];
	_ =	sdelay $0x1  }
0x99: {  	s4 =	simm.s32 $_scs_section_size  }
0x9a: {  	s5 =	simm.s32 $_size__tile_overlayer_lowered;
	s6 =	simm.s32 $_tile_overlayer_lowered  }
0x9b: {  	s22 =	simm.s32 $0x1BFF;
	s21 =	sshll.u32 s6, $0x1;
	s3 =	sadd.s32 s4, s19  }
0x9c: {  	s7 =	simm.s32 $0x0;
	s20 =	sshll.u32 s5, $0x1;
	s5 =	sadd.s32 s21, s3  }
0x9d: {  	[timem:s7], [sflag:s22] =	dma.local [hbm:s5], s20  }
0x9e: {  	_ =	swait.ge [sflag:s22], s20  }
0x9f: {  	s4 =	ssub.s32 $0x0, s20;
	[sflag:s22] =	ssyncset.done $0x0  }
0xa0: {  	[sflag:s22] =	ssyncadd.s32 s4;
	_ =	sdelay $0x1  }
0xa1: {  	s23 =	simm.s32 $0x1B8B  }
0xa2: {  	_ =	swait.ge [sflag:s23], $0x1  }
0xa3: {  	[sflag:s23] =	ssyncset.done $0x0  }
0xa4: {  	s25 =	simm.s32 $0x1B8E;
	s24 =	sld [smem:$0x3FFE];
	[sflag:s23] =	ssyncadd.s32 $0xFFFFFFFF  }
0xa5: {  	s26 =	simm.s32 $execute0_lowered;
	[smem:$0x3FD2] =	sst s25  }
0xa6: {  	s5 =	sshll.u32 s26, $0x1;
	_ =	strace $0x80000046;
	[dreg:$0x1] =	wrdreg $0xFFFFFFFF  }
0xa7: {  	s28 =	simm.s32 $_size_execute0_lowered;
	s3 =	sadd.s32 s3, s5;
	[dreg:$0x0] =	wrdreg $0x0  }
0xa8: {  	s5 =	sshll.u32 s28, $0x1;
	[dreg:$0x2] =	wrdreg s3  }
0xa9: {  	[dreg:$0x3] =	wrdreg s5  }
0xaa: {  	[dreg:$0x4] =	wrdreg $0xC0  }
0xab: {  	_ =	task [dreg:s7], $0x5FFFF  }
0xac: {  	[dreg:$0x1] =	wrdreg $0xFFFFFFFF  }
0xad: {  	[dreg:$0x0] =	wrdreg $0x60  }
0xae: {  	[dreg:$0x2] =	wrdreg s24  }
0xaf: {  	[dreg:$0x3] =	wrdreg s2  }
0xb0: {  	[dreg:$0x4] =	wrdreg $0x9  }
0xb1: {  	_ =	task.clear_ibuf [dreg:s7], $0x5FFFF;
	_ =	strace $0x90000046  }
0xb2: {  	s29 =	simm.s32 $0x9;
	_ =	strace $0x80000048  }
0xb3: {  	_ =	swait.ge [sflag:s29], $0x1  }
0xb4: {  	[sflag:s29] =	ssyncadd.s32 $0xFFFFFFFF  }
0xb5: {  	_ =	strace $0x90000048  }
0xb6: {  	_ =	sfence  }
0xb7: {  	s30 =	sld [smem:$0x0];
	_ =	sdelay $0x2  }
0xb8: {  	s31 =	sshll.u32 s1, $0xD;
	s1 =	sshrl.u32 s1, $0x2  }
0xb9: {  	s3 =	sand.u32 $0x4000, s31;
	s1 =	sadd.s32 s1, s30  }
0xba: {  	s0 =	sor.u32 s3, s0;
	s1 =	sshll.u32 s1, $0x11  }
0xbb: {  	s0 =	sor.u32 s1, s0  }
0xbc: {  	s0 =	sadd.s32 $0x8F2B, s0  }
0xbd: {  	[sflag:s0] =	ssyncadd.remote.s32 $0x1  }
0xbe: {  	_ =	sfence.sel $0xFFFF  }
0xbf: {  	[dreg:$0x0] =	wrdreg $0xFFFFFFFF;
	(pc) =	sbr.abs _section_cstart, $3  }
0xc0: {  	[dreg:$0x1] =	wrdreg $0xFFFFFFFF  }
0xc1: {  	_ =	task.clear_ibuf [dreg:s7], $0x2FFFF;
	_ =	strace $0x9FFFFFFF  }
0xc2: {  	(tm) =	ssettm $0x7FFFFFFF  }
0xc3: {  	_ =	shalt  }
tec
execute0_lowered:
.L_overlay_start_1:
0x0: {  	(tag) =	ssettag $0x1  }
0x1: {  	s0 =	rddreg [dreg:$0x0]  }
0x2: {  	s1 =	srdreg.scid;
	s3 =	stileid.u32  }
0x3: {  	s2 =	rddreg [dreg:$0x1];
	s16 =	simm.s32 $0x80;
	s17 =	simm.s32 $0x6400  }
0x4: {  	s18 =	simm.s32 $0x8400;
	s20 =	simm.s32 $0xA400;
	s28 =	simm.s32 $0x1  }
0x5: {  	s30 =	simm.s32 $0x12400;
	s1 =	sand.u32 $0x1, s1;
	s4 =	sshll.u32 s3, $0x1  }
0x6: {  	s19 =	simm.s32 $0x5;
	s29 =	simm.s32 $0x7;
	s5 =	sor.u32 s1, s4  }
0x7: {  	s31 =	simm.s32 $0x8;
	s3 =	simm.s32 $0x0;
	s4 =	smul.u32 $0xC80, s5  }
0x8: {  	[smem:$0x7FF] =	sst s3;
	s1 =	ssub.s32 $0x2, s1;
	s6 =	smul.u32 $0x32000, s5  }
0x9: {  	_ =	strace $0x80000047;
	s8 =	sshrl.u32 s1, $0x1;
	s9 =	smul.u32 $0x190000, s5  }
0xa: {  	s5 =	smul.u32 $0xC8, s5;
	s21 =	ssub.s32 s1, s8;
	s7 =	sadd.s32 s4, s0  }
0xb: {  	s4 =	sadd.s32 $0xF42E00, s0;
	s23 =	sadd.s32 s2, s6;
	s24 =	sshrl.u32 s9, $0x3  }
0xc: {  	s8 =	sor.u32 $0x2, s5;
	s9 =	sor.u32 $0x4, s5;
	s10 =	sor.u32 $0x6, s5  }
0xd: {  	s0 =	smax.u32 s21, $0x1;
	s21 =	simm.s32 $0x3;
	[dreg:$0x4] =	wrdreg s23  }
0xe: {  	s22 =	sadd.s32 $0xA00, s7;
	s1 =	sadd.s32 s2, s24;
	[dreg:$0x8] =	wrdreg s0  }
0xf: {  	s24 =	simm.s32 $0xE400;
	[dreg:$0x3] =	wrdreg s22;
	s25 =	sadd.s32 $0x30800, s1  }
0x10: {  	s0 =	simm.s32 $0x2;
	s26 =	sadd.s32 $0x31000, s1;
	[dreg:$0x5] =	wrdreg s25  }
0x11: {  	s23 =	simm.s32 $0x6;
	s1 =	sadd.s32 $0x31800, s1;
	[dreg:$0x6] =	wrdreg s26  }
0x12: {  	s7 =	simm.s32 $0x0;
	s22 =	simm.s32 $0xC400;
	[dreg:$0x7] =	wrdreg s1  }
0x13: {  	s26 =	simm.s32 $0x10400;
	s1 =	simm.s32 $0x14400;
	s25 =	simm.s32 $0x4  }
.LBB2_1:
0x14: {  	[dreg:$0x9] =	wrdreg s7  }
0x15: {  	s6 =	rddreg [dreg:$0x3];
	s11 =	simm.s32 $0x9  }
0x16: {  	[tilespmem:s3], [sflag:$0x9] =	stream.linear.gather [hbm4b:s6+s3], $0x6400, $0x38;
	[tilespmem:$0x16400] =	vst v63  }
0x17: {  	_ =	swait.ge [sflag:s11], $0x6400  }
0x18: {  	[sflag:s11] =	ssyncset.done $0x0  }
0x19: {  	[sflag:s11] =	ssyncadd.s32 $0xFFFF9C00  }
0x1a: {  	[tilespmem:s17], [sflag:$0x1] =	stream.indirect.gather [hbm4b:s4+s16], $0x40, s3, s16, $0xb8;
	[tilespmem:$0x16400] =	vst v63  }
0x1b: {  	_ = 	snop  }
0x1c: {  	[tilespmem:s18], [sflag:$0x1] =	stream.indirect.gather [hbm4b:s4+s16], $0x40, s16, s16, $0xb8;
	[tilespmem:$0x16400] =	vst v63  }
0x1d: {  	s12 =	simm.s32 $0x100  }
0x1e: {  	[tilespmem:s20], [sflag:$0x2] =	stream.indirect.gather [hbm4b:s4+s16], $0x40, s12, s16, $0xb8;
	[tilespmem:$0x16400] =	vst v63  }
0x1f: {  	s13 =	simm.s32 $0x180  }
0x20: {  	[tilespmem:s22], [sflag:$0x2] =	stream.indirect.gather [hbm4b:s4+s16], $0x40, s13, s16, $0xb8;
	[tilespmem:$0x16400] =	vst v63  }
0x21: {  	s14 =	simm.s32 $0x200  }
0x22: {  	[tilespmem:s24], [sflag:$0x3] =	stream.indirect.gather [hbm4b:s4+s16], $0x40, s14, s16, $0xb8;
	[tilespmem:$0x16400] =	vst v63  }
0x23: {  	s15 =	simm.s32 $0x280  }
0x24: {  	[tilespmem:s26], [sflag:$0x3] =	stream.indirect.gather [hbm4b:s4+s16], $0x40, s15, s16, $0xb8;
	[tilespmem:$0x16400] =	vst v63  }
0x25: {  	_ =	swait.ge [sflag:s28], $0x2000  }
0x26: {  	[sflag:s28] =	ssyncset.done $0x0  }
0x27: {  	[sflag:s28] =	ssyncadd.s32 $0xFFFFE000  }
0x28: {  	_ =	swait.ge [sflag:s28], $0x2000  }
0x29: {  	[sflag:s28] =	ssyncset.done $0x0  }
0x2a: {  	s7 =	simm.s32 $0x6500;
	[sflag:s28] =	ssyncadd.s32 $0xFFFFE000  }
0x2b: {  	v0 =	vld [tilespmem:s7+$0xF0]  }
0x2c: {  	v1 =	vld [tilespmem:s7+$0xFFFFFF10]  }
0x2d: {  	v2 =	vld [tilespmem:s7+$0xFFFFFF20]  }
0x2e: {  	v3 =	vld [tilespmem:s7+$0xFFFFFF30]  }
0x2f: {  	v4 =	vld [tilespmem:s7+$0xFFFFFF40]  }
0x30: {  	v5 =	vld [tilespmem:s7+$0xFFFFFF50];
	v0 =	vmul.f32 $8.000000000e+00, v0  }
0x31: {  	v6 =	vld [tilespmem:s7+$0xFFFFFF60];
	v1 =	vmul.f32 $8.000000000e+00, v1  }
0x32: {  	v7 =	vld [tilespmem:s7+$0xFFFFFF70];
	v2 =	vmul.f32 $8.000000000e+00, v2;
	[tilespmem:s7+$0xF0] =	vst v0  }
0x33: {  	[tilespmem:s7+$0xFFFFFF10] =	vst v1;
	v0 =	vmul.f32 $8.000000000e+00, v3;
	v1 =	vld [tilespmem:s7+$0xFFFFFF80]  }
0x34: {  	[tilespmem:s7+$0xFFFFFF20] =	vst v2;
	v2 =	vmul.f32 $8.000000000e+00, v4;
	v3 =	vld [tilespmem:s7+$0xFFFFFF90]  }
0x35: {  	v4 =	vld [tilespmem:s7+$0xFFFFFFA0];
	[tilespmem:s7+$0xFFFFFF30] =	vst v0;
	v0 =	vmul.f32 $8.000000000e+00, v5  }
0x36: {  	[tilespmem:s7+$0xFFFFFF40] =	vst v2;
	v2 =	vmul.f32 $8.000000000e+00, v6;
	v5 =	vld [tilespmem:s7+$0xFFFFFFB0]  }
0x37: {  	v6 =	vld [tilespmem:s7+$0xFFFFFFC0];
	[tilespmem:s7+$0xFFFFFF50] =	vst v0;
	v0 =	vmul.f32 $8.000000000e+00, v7  }
0x38: {  	[tilespmem:s7+$0xFFFFFF60] =	vst v2;
	v2 =	vld [tilespmem:s7+$0xFFFFFFD0];
	v1 =	vmul.f32 $8.000000000e+00, v1  }
0x39: {  	[tilespmem:s7+$0xFFFFFF70] =	vst v0;
	v0 =	vmul.f32 $8.000000000e+00, v3;
	v3 =	vld [tilespmem:s7+$0xFFFFFFE0]  }
0x3a: {  	[tilespmem:s7+$0xFFFFFF80] =	vst v1;
	v1 =	vmul.f32 $8.000000000e+00, v4;
	v4 =	vld [tilespmem:s7+$0xFFFFFFF0]  }
0x3b: {  	[tilespmem:s7+$0xFFFFFF90] =	vst v0;
	v0 =	vmul.f32 $8.000000000e+00, v5;
	v5 =	vld [tilespmem:s7+$0x0]  }
0x3c: {  	[tilespmem:s7+$0xFFFFFFA0] =	vst v1;
	v1 =	vmul.f32 $8.000000000e+00, v6;
	v6 =	vld [tilespmem:s7+$0x10]  }
0x3d: {  	[tilespmem:s7+$0xFFFFFFB0] =	vst v0;
	v0 =	vmul.f32 $8.000000000e+00, v2;
	v2 =	vld [tilespmem:s7+$0x20]  }
0x3e: {  	[tilespmem:s7+$0xFFFFFFC0] =	vst v1;
	v1 =	vmul.f32 $8.000000000e+00, v3;
	v3 =	vld [tilespmem:s7+$0x30]  }
0x3f: {  	[tilespmem:s7+$0xFFFFFFD0] =	vst v0;
	v0 =	vmul.f32 $8.000000000e+00, v4;
	v4 =	vld [tilespmem:s7+$0x40]  }
0x40: {  	[tilespmem:s7+$0xFFFFFFE0] =	vst v1;
	v1 =	vmul.f32 $8.000000000e+00, v5;
	v5 =	vld [tilespmem:s7+$0x50]  }
0x41: {  	[tilespmem:s7+$0xFFFFFFF0] =	vst v0;
	v0 =	vmul.f32 $8.000000000e+00, v6;
	v6 =	vld [tilespmem:s7+$0x60]  }
0x42: {  	[tilespmem:s7+$0x0] =	vst v1;
	v1 =	vmul.f32 $8.000000000e+00, v2;
	v2 =	vld [tilespmem:s7+$0x70]  }
0x43: {  	[tilespmem:s7+$0x10] =	vst v0;
	v0 =	vmul.f32 $8.000000000e+00, v3;
	v3 =	vld [tilespmem:s7+$0x80]  }
0x44: {  	[tilespmem:s7+$0x20] =	vst v1;
	v1 =	vmul.f32 $8.000000000e+00, v4;
	v4 =	vld [tilespmem:s7+$0x90]  }
0x45: {  	v7 =	vld [tilespmem:s7+$0xA0];
	[tilespmem:s7+$0x30] =	vst v0;
	v5 =	vmul.f32 $8.000000000e+00, v5  }
0x46: {  	v0 =	vld [tilespmem:s7+$0xB0];
	[tilespmem:s7+$0x40] =	vst v1;
	v6 =	vmul.f32 $8.000000000e+00, v6  }
0x47: {  	v1 =	vld [tilespmem:s7+$0xC0];
	[tilespmem:s7+$0x50] =	vst v5;
	v5 =	vmul.f32 $8.000000000e+00, v2  }
0x48: {  	v2 =	vld [tilespmem:s7+$0xD0];
	[tilespmem:s7+$0x60] =	vst v6;
	v6 =	vmul.f32 $8.000000000e+00, v3  }
0x49: {  	v3 =	vld [tilespmem:s7+$0xE0];
	[tilespmem:s7+$0x70] =	vst v5;
	v5 =	vmul.f32 $8.000000000e+00, v4  }
0x4a: {  	s11 =	simm.s32 $0x0;
	s12 =	simm.s32 $0x6700;
	v4 =	vld [tilespmem:s7+$0xFFFFFF00];
	[tilespmem:s7+$0x80] =	vst v6;
	v6 =	vmul.f32 $8.000000000e+00, v7  }
.LBB2_2:
0x4b: {  	v7 =	vld [tilespmem:s12+$0xF0];
	s11 =	sadd.s32 $0x8, s11;
	[tilespmem:s7+$0x90] =	vst v5;
	v0 =	vmul.f32 $8.000000000e+00, v0  }
0x4c: {  	v5 =	vld [tilespmem:s12+$0xFFFFFF10];
	p0 =	slt.u32 s11, $0xF8;
	[tilespmem:s7+$0xA0] =	vst v6;
	v1 =	vmul.f32 $8.000000000e+00, v1  }
0x4d: {  	v6 =	vld [tilespmem:s12+$0xFFFFFF20];
	[tilespmem:s7+$0xB0] =	vst v0;
	v0 =	vmul.f32 $8.000000000e+00, v2  }
0x4e: {  	v2 =	vld [tilespmem:s12+$0xFFFFFF30];
	[tilespmem:s7+$0xC0] =	vst v1;
	v1 =	vmul.f32 $8.000000000e+00, v3  }
0x4f: {  	v3 =	vld [tilespmem:s12+$0xFFFFFF40];
	v4 =	vmul.f32 $8.000000000e+00, v4;
	[tilespmem:s7+$0xD0] =	vst v0  }
0x50: {  	v0 =	vld [tilespmem:s12+$0xFFFFFF50];
	v7 =	vmul.f32 $8.000000000e+00, v7;
	[tilespmem:s7+$0xE0] =	vst v1  }
0x51: {  	v1 =	vmul.f32 $8.000000000e+00, v5;
	v5 =	vld [tilespmem:s12+$0xFFFFFF60];
	[tilespmem:s7+$0xFFFFFF00] =	vst v4;
	s7 =	smov.u32 s12  }
0x52: {  	v4 =	vmul.f32 $8.000000000e+00, v6;
	v6 =	vld [tilespmem:s12+$0xFFFFFF70];
	[tilespmem:s12+$0xF0] =	vst v7  }
0x53: {  	[tilespmem:s12+$0xFFFFFF10] =	vst v1;
	v1 =	vmul.f32 $8.000000000e+00, v2;
	v2 =	vld [tilespmem:s12+$0xFFFFFF80]  }
0x54: {  	[tilespmem:s12+$0xFFFFFF20] =	vst v4;
	v3 =	vmul.f32 $8.000000000e+00, v3;
	v4 =	vld [tilespmem:s12+$0xFFFFFF90]  }
0x55: {  	[tilespmem:s12+$0xFFFFFF30] =	vst v1;
	v0 =	vmul.f32 $8.000000000e+00, v0;
	v1 =	vld [tilespmem:s12+$0xFFFFFFA0]  }
0x56: {  	[tilespmem:s12+$0xFFFFFF40] =	vst v3;
	v3 =	vmul.f32 $8.000000000e+00, v5;
	v5 =	vld [tilespmem:s12+$0xFFFFFFB0]  }
0x57: {  	[tilespmem:s12+$0xFFFFFF50] =	vst v0;
	v0 =	vmul.f32 $8.000000000e+00, v6;
	v6 =	vld [tilespmem:s12+$0xFFFFFFC0]  }
0x58: {  	[tilespmem:s12+$0xFFFFFF60] =	vst v3;
	v2 =	vmul.f32 $8.000000000e+00, v2;
	v3 =	vld [tilespmem:s12+$0xFFFFFFD0]  }
0x59: {  	[tilespmem:s12+$0xFFFFFF70] =	vst v0;
	v0 =	vmul.f32 $8.000000000e+00, v4;
	v4 =	vld [tilespmem:s12+$0xFFFFFFE0]  }
0x5a: {  	[tilespmem:s12+$0xFFFFFF80] =	vst v2;
	v1 =	vmul.f32 $8.000000000e+00, v1;
	v2 =	vld [tilespmem:s12+$0xFFFFFFF0]  }
0x5b: {  	[tilespmem:s12+$0xFFFFFF90] =	vst v0;
	v0 =	vmul.f32 $8.000000000e+00, v5;
	v5 =	vld [tilespmem:s12+$0x0]  }
0x5c: {  	[tilespmem:s12+$0xFFFFFFA0] =	vst v1;
	v1 =	vmul.f32 $8.000000000e+00, v6;
	v6 =	vld [tilespmem:s12+$0x10]  }
0x5d: {  	[tilespmem:s12+$0xFFFFFFB0] =	vst v0;
	v0 =	vmul.f32 $8.000000000e+00, v3;
	v3 =	vld [tilespmem:s12+$0x20]  }
0x5e: {  	[tilespmem:s12+$0xFFFFFFC0] =	vst v1;
	v1 =	vmul.f32 $8.000000000e+00, v4;
	v4 =	vld [tilespmem:s12+$0x30]  }
0x5f: {  	[tilespmem:s12+$0xFFFFFFD0] =	vst v0;
	v0 =	vmul.f32 $8.000000000e+00, v2;
	v2 =	vld [tilespmem:s12+$0x40]  }
0x60: {  	[tilespmem:s12+$0xFFFFFFE0] =	vst v1;
	v1 =	vmul.f32 $8.000000000e+00, v5;
	v5 =	vld [tilespmem:s12+$0x50]  }
0x61: {  	[tilespmem:s12+$0xFFFFFFF0] =	vst v0;
	v0 =	vmul.f32 $8.000000000e+00, v6;
	v6 =	vld [tilespmem:s12+$0x60]  }
0x62: {  	[tilespmem:s12+$0x0] =	vst v1;
	v1 =	vmul.f32 $8.000000000e+00, v3;
	v3 =	vld [tilespmem:s12+$0x70]  }
0x63: {  	[tilespmem:s12+$0x10] =	vst v0;
	v0 =	vmul.f32 $8.000000000e+00, v4;
	v4 =	vld [tilespmem:s12+$0x80]  }
0x64: {  	[tilespmem:s12+$0x20] =	vst v1;
	v1 =	vmul.f32 $8.000000000e+00, v2;
	v7 =	vld [tilespmem:s12+$0x90]  }
0x65: {  	[tilespmem:s12+$0x30] =	vst v0;
	v2 =	vmul.f32 $8.000000000e+00, v5;
	v8 =	vld [tilespmem:s12+$0xA0]  }
.Ltmp0:
0x66: {  	[tilespmem:s12+$0x40] =	vst v1;
	v5 =	vmul.f32 $8.000000000e+00, v6;
	v0 =	vld [tilespmem:s12+$0xB0];
	(pc) =	sbr.rel @p0 .LBB2_2-.Ltmp0, $4  }
0x67: {  	[tilespmem:s12+$0x50] =	vst v2;
	v3 =	vmul.f32 $8.000000000e+00, v3;
	v1 =	vld [tilespmem:s12+$0xC0]  }
0x68: {  	[tilespmem:s12+$0x60] =	vst v5;
	v6 =	vmul.f32 $8.000000000e+00, v4;
	v2 =	vld [tilespmem:s12+$0xD0]  }
0x69: {  	[tilespmem:s12+$0x70] =	vst v3;
	v5 =	vmul.f32 $8.000000000e+00, v7;
	v3 =	vld [tilespmem:s12+$0xE0]  }
0x6a: {  	s12 =	sadd.s32 $0x200, s12;
	v4 =	vld [tilespmem:s7+$0xFFFFFF00];
	[tilespmem:s7+$0x80] =	vst v6;
	v6 =	vmul.f32 $8.000000000e+00, v8  }
0x6b: {  	[tilespmem:s7+$0x90] =	vst v5;
	v0 =	vmul.f32 $8.000000000e+00, v0  }
0x6c: {  	[tilespmem:s7+$0xA0] =	vst v6;
	v1 =	vmul.f32 $8.000000000e+00, v1  }
0x6d: {  	[tilespmem:s7+$0xB0] =	vst v0;
	v61 =	vmul.f32 $8.000000000e+00, v2  }
0x6e: {  	[tilespmem:s7+$0xC0] =	vst v1;
	v62 =	vmul.f32 $8.000000000e+00, v3  }
0x6f: {  	v63 =	vmul.f32 $8.000000000e+00, v4;
	[tilespmem:s7+$0xD0] =	vst v61  }
0x70: {  	[tilespmem:s7+$0xE0] =	vst v62  }
0x71: {  	[tilespmem:s7+$0xFFFFFF00] =	vst v63  }
0x72: {  	s7 =	simm.s32 $0x0;
	s6 =	rddreg [dreg:$0x4]  }
0x73: {  	[hbm4b:s6+s7] =	stream.linear.scatter [tilespmem:s17], [sflag:$0x5], $0x4000, $0x38;
	[tilespmem:$0x16400] =	vst v63  }
0x74: {  	s14 =	simm.s32 $0x300  }
0x75: {  	[tilespmem:s30], [sflag:$0x4] =	stream.indirect.gather [hbm4b:s4+s16], $0x40, s14, s16, $0xb8;
	[tilespmem:$0x16400] =	vst v63  }
0x76: {  	s15 =	simm.s32 $0x380  }
0x77: {  	[tilespmem:s1], [sflag:$0x4] =	stream.indirect.gather [hbm4b:s4+s16], $0x40, s15, s16, $0xb8;
	[tilespmem:$0x16400] =	vst v63  }
.LBB2_4:
0x78: {  	_ =	swait.ge [sflag:s0], $0x2000  }
0x79: {  	[sflag:s0] =	ssyncset.done $0x0  }
0x7a: {  	[sflag:s0] =	ssyncadd.s32 $0xFFFFE000  }
0x7b: {  	_ =	swait.ge [sflag:s0], $0x2000  }
0x7c: {  	[sflag:s0] =	ssyncset.done $0x0  }
0x7d: {  	s11 =	simm.s32 $0xA500;
	[sflag:s0] =	ssyncadd.s32 $0xFFFFE000  }
0x7e: {  	v0 =	vld [tilespmem:s11+$0xF0]  }
0x7f: {  	v1 =	vld [tilespmem:s11+$0xFFFFFF10]  }
0x80: {  	v2 =	vld [tilespmem:s11+$0xFFFFFF20]  }
0x81: {  	v3 =	vld [tilespmem:s11+$0xFFFFFF30]  }
0x82: {  	v4 =	vld [tilespmem:s11+$0xFFFFFF40]  }
0x83: {  	v5 =	vld [tilespmem:s11+$0xFFFFFF50];
	v0 =	vmul.f32 $8.000000000e+00, v0  }
0x84: {  	v6 =	vld [tilespmem:s11+$0xFFFFFF60];
	v1 =	vmul.f32 $8.000000000e+00, v1  }
0x85: {  	v7 =	vld [tilespmem:s11+$0xFFFFFF70];
	v2 =	vmul.f32 $8.000000000e+00, v2;
	[tilespmem:s11+$0xF0] =	vst v0  }
0x86: {  	[tilespmem:s11+$0xFFFFFF10] =	vst v1;
	v0 =	vmul.f32 $8.000000000e+00, v3;
	v1 =	vld [tilespmem:s11+$0xFFFFFF80]  }
0x87: {  	[tilespmem:s11+$0xFFFFFF20] =	vst v2;
	v2 =	vmul.f32 $8.000000000e+00, v4;
	v3 =	vld [tilespmem:s11+$0xFFFFFF90]  }
0x88: {  	v4 =	vld [tilespmem:s11+$0xFFFFFFA0];
	[tilespmem:s11+$0xFFFFFF30] =	vst v0;
	v0 =	vmul.f32 $8.000000000e+00, v5  }
0x89: {  	[tilespmem:s11+$0xFFFFFF40] =	vst v2;
	v2 =	vmul.f32 $8.000000000e+00, v6;
	v5 =	vld [tilespmem:s11+$0xFFFFFFB0]  }
0x8a: {  	v6 =	vld [tilespmem:s11+$0xFFFFFFC0];
	[tilespmem:s11+$0xFFFFFF50] =	vst v0;
	v0 =	vmul.f32 $8.000000000e+00, v7  }
0x8b: {  	[tilespmem:s11+$0xFFFFFF60] =	vst v2;
	v2 =	vld [tilespmem:s11+$0xFFFFFFD0];
	v1 =	vmul.f32 $8.000000000e+00, v1  }
0x8c: {  	[tilespmem:s11+$0xFFFFFF70] =	vst v0;
	v0 =	vmul.f32 $8.000000000e+00, v3;
	v3 =	vld [tilespmem:s11+$0xFFFFFFE0]  }
0x8d: {  	[tilespmem:s11+$0xFFFFFF80] =	vst v1;
	v1 =	vmul.f32 $8.000000000e+00, v4;
	v4 =	vld [tilespmem:s11+$0xFFFFFFF0]  }
0x8e: {  	[tilespmem:s11+$0xFFFFFF90] =	vst v0;
	v0 =	vmul.f32 $8.000000000e+00, v5;
	v5 =	vld [tilespmem:s11+$0x0]  }
0x8f: {  	[tilespmem:s11+$0xFFFFFFA0] =	vst v1;
	v1 =	vmul.f32 $8.000000000e+00, v6;
	v6 =	vld [tilespmem:s11+$0x10]  }
0x90: {  	[tilespmem:s11+$0xFFFFFFB0] =	vst v0;
	v0 =	vmul.f32 $8.000000000e+00, v2;
	v2 =	vld [tilespmem:s11+$0x20]  }
0x91: {  	[tilespmem:s11+$0xFFFFFFC0] =	vst v1;
	v1 =	vmul.f32 $8.000000000e+00, v3;
	v3 =	vld [tilespmem:s11+$0x30]  }
0x92: {  	[tilespmem:s11+$0xFFFFFFD0] =	vst v0;
	v0 =	vmul.f32 $8.000000000e+00, v4;
	v4 =	vld [tilespmem:s11+$0x40]  }
0x93: {  	[tilespmem:s11+$0xFFFFFFE0] =	vst v1;
	v1 =	vmul.f32 $8.000000000e+00, v5;
	v5 =	vld [tilespmem:s11+$0x50]  }
0x94: {  	[tilespmem:s11+$0xFFFFFFF0] =	vst v0;
	v0 =	vmul.f32 $8.000000000e+00, v6;
	v6 =	vld [tilespmem:s11+$0x60]  }
0x95: {  	[tilespmem:s11+$0x0] =	vst v1;
	v1 =	vmul.f32 $8.000000000e+00, v2;
	v2 =	vld [tilespmem:s11+$0x70]  }
0x96: {  	[tilespmem:s11+$0x10] =	vst v0;
	v0 =	vmul.f32 $8.000000000e+00, v3;
	v3 =	vld [tilespmem:s11+$0x80]  }
0x97: {  	v7 =	vld [tilespmem:s11+$0x90];
	[tilespmem:s11+$0x20] =	vst v1;
	v1 =	vmul.f32 $8.000000000e+00, v4  }
0x98: {  	v8 =	vld [tilespmem:s11+$0xA0];
	[tilespmem:s11+$0x30] =	vst v0;
	v4 =	vmul.f32 $8.000000000e+00, v5  }
0x99: {  	v0 =	vld [tilespmem:s11+$0xB0];
	[tilespmem:s11+$0x40] =	vst v1;
	v5 =	vmul.f32 $8.000000000e+00, v6  }
0x9a: {  	v1 =	vld [tilespmem:s11+$0xC0];
	[tilespmem:s11+$0x50] =	vst v4;
	v2 =	vmul.f32 $8.000000000e+00, v2  }
0x9b: {  	v4 =	vld [tilespmem:s11+$0xD0];
	[tilespmem:s11+$0x60] =	vst v5;
	v6 =	vmul.f32 $8.000000000e+00, v3  }
0x9c: {  	v5 =	vmul.f32 $8.000000000e+00, v7;
	[tilespmem:s11+$0x70] =	vst v2;
	v2 =	vld [tilespmem:s11+$0xE0]  }
0x9d: {  	s12 =	simm.s32 $0x0;
	s13 =	simm.s32 $0xA700;
	v3 =	vld [tilespmem:s11+$0xFFFFFF00];
	[tilespmem:s11+$0x80] =	vst v6;
	v6 =	vmul.f32 $8.000000000e+00, v8  }
.LBB2_5:
0x9e: {  	v7 =	vld [tilespmem:s13+$0xF0];
	s12 =	sadd.s32 $0x8, s12;
	[tilespmem:s11+$0x90] =	vst v5;
	v0 =	vmul.f32 $8.000000000e+00, v0  }
0x9f: {  	v5 =	vld [tilespmem:s13+$0xFFFFFF10];
	p0 =	slt.u32 s12, $0xF8;
	[tilespmem:s11+$0xA0] =	vst v6;
	v1 =	vmul.f32 $8.000000000e+00, v1  }
0xa0: {  	v6 =	vld [tilespmem:s13+$0xFFFFFF20];
	[tilespmem:s11+$0xB0] =	vst v0;
	v0 =	vmul.f32 $8.000000000e+00, v4  }
0xa1: {  	v4 =	vld [tilespmem:s13+$0xFFFFFF30];
	[tilespmem:s11+$0xC0] =	vst v1;
	v1 =	vmul.f32 $8.000000000e+00, v2  }
0xa2: {  	v2 =	vld [tilespmem:s13+$0xFFFFFF40];
	v3 =	vmul.f32 $8.000000000e+00, v3;
	[tilespmem:s11+$0xD0] =	vst v0  }
0xa3: {  	v0 =	vld [tilespmem:s13+$0xFFFFFF50];
	v7 =	vmul.f32 $8.000000000e+00, v7;
	[tilespmem:s11+$0xE0] =	vst v1  }
0xa4: {  	v1 =	vmul.f32 $8.000000000e+00, v5;
	v5 =	vld [tilespmem:s13+$0xFFFFFF60];
	[tilespmem:s11+$0xFFFFFF00] =	vst v3;
	s11 =	smov.u32 s13  }
0xa5: {  	v3 =	vmul.f32 $8.000000000e+00, v6;
	v6 =	vld [tilespmem:s13+$0xFFFFFF70];
	[tilespmem:s13+$0xF0] =	vst v7  }
0xa6: {  	[tilespmem:s13+$0xFFFFFF10] =	vst v1;
	v1 =	vmul.f32 $8.000000000e+00, v4;
	v4 =	vld [tilespmem:s13+$0xFFFFFF80]  }
0xa7: {  	[tilespmem:s13+$0xFFFFFF20] =	vst v3;
	v2 =	vmul.f32 $8.000000000e+00, v2;
	v3 =	vld [tilespmem:s13+$0xFFFFFF90]  }
0xa8: {  	[tilespmem:s13+$0xFFFFFF30] =	vst v1;
	v0 =	vmul.f32 $8.000000000e+00, v0;
	v1 =	vld [tilespmem:s13+$0xFFFFFFA0]  }
0xa9: {  	[tilespmem:s13+$0xFFFFFF40] =	vst v2;
	v2 =	vmul.f32 $8.000000000e+00, v5;
	v5 =	vld [tilespmem:s13+$0xFFFFFFB0]  }
0xaa: {  	[tilespmem:s13+$0xFFFFFF50] =	vst v0;
	v0 =	vmul.f32 $8.000000000e+00, v6;
	v6 =	vld [tilespmem:s13+$0xFFFFFFC0]  }
0xab: {  	[tilespmem:s13+$0xFFFFFF60] =	vst v2;
	v2 =	vmul.f32 $8.000000000e+00, v4;
	v4 =	vld [tilespmem:s13+$0xFFFFFFD0]  }
0xac: {  	[tilespmem:s13+$0xFFFFFF70] =	vst v0;
	v0 =	vmul.f32 $8.000000000e+00, v3;
	v3 =	vld [tilespmem:s13+$0xFFFFFFE0]  }
0xad: {  	[tilespmem:s13+$0xFFFFFF80] =	vst v2;
	v1 =	vmul.f32 $8.000000000e+00, v1;
	v2 =	vld [tilespmem:s13+$0xFFFFFFF0]  }
0xae: {  	[tilespmem:s13+$0xFFFFFF90] =	vst v0;
	v0 =	vmul.f32 $8.000000000e+00, v5;
	v5 =	vld [tilespmem:s13+$0x0]  }
0xaf: {  	[tilespmem:s13+$0xFFFFFFA0] =	vst v1;
	v1 =	vmul.f32 $8.000000000e+00, v6;
	v6 =	vld [tilespmem:s13+$0x10]  }
0xb0: {  	[tilespmem:s13+$0xFFFFFFB0] =	vst v0;
	v0 =	vmul.f32 $8.000000000e+00, v4;
	v4 =	vld [tilespmem:s13+$0x20]  }
0xb1: {  	[tilespmem:s13+$0xFFFFFFC0] =	vst v1;
	v1 =	vmul.f32 $8.000000000e+00, v3;
	v3 =	vld [tilespmem:s13+$0x30]  }
0xb2: {  	[tilespmem:s13+$0xFFFFFFD0] =	vst v0;
	v0 =	vmul.f32 $8.000000000e+00, v2;
	v2 =	vld [tilespmem:s13+$0x40]  }
0xb3: {  	[tilespmem:s13+$0xFFFFFFE0] =	vst v1;
	v1 =	vmul.f32 $8.000000000e+00, v5;
	v5 =	vld [tilespmem:s13+$0x50]  }
0xb4: {  	[tilespmem:s13+$0xFFFFFFF0] =	vst v0;
	v0 =	vmul.f32 $8.000000000e+00, v6;
	v6 =	vld [tilespmem:s13+$0x60]  }
0xb5: {  	[tilespmem:s13+$0x0] =	vst v1;
	v1 =	vmul.f32 $8.000000000e+00, v4;
	v4 =	vld [tilespmem:s13+$0x70]  }
0xb6: {  	[tilespmem:s13+$0x10] =	vst v0;
	v0 =	vmul.f32 $8.000000000e+00, v3;
	v3 =	vld [tilespmem:s13+$0x80]  }
0xb7: {  	[tilespmem:s13+$0x20] =	vst v1;
	v1 =	vmul.f32 $8.000000000e+00, v2;
	v2 =	vld [tilespmem:s13+$0x90]  }
0xb8: {  	[tilespmem:s13+$0x30] =	vst v0;
	v5 =	vmul.f32 $8.000000000e+00, v5;
	v7 =	vld [tilespmem:s13+$0xA0]  }
.Ltmp1:
0xb9: {  	[tilespmem:s13+$0x40] =	vst v1;
	v6 =	vmul.f32 $8.000000000e+00, v6;
	v0 =	vld [tilespmem:s13+$0xB0];
	(pc) =	sbr.rel @p0 .LBB2_5-.Ltmp1, $4  }
0xba: {  	[tilespmem:s13+$0x50] =	vst v5;
	v5 =	vmul.f32 $8.000000000e+00, v4;
	v1 =	vld [tilespmem:s13+$0xC0]  }
0xbb: {  	[tilespmem:s13+$0x60] =	vst v6;
	v6 =	vmul.f32 $8.000000000e+00, v3;
	v4 =	vld [tilespmem:s13+$0xD0]  }
0xbc: {  	[tilespmem:s13+$0x70] =	vst v5;
	v5 =	vmul.f32 $8.000000000e+00, v2;
	v2 =	vld [tilespmem:s13+$0xE0]  }
0xbd: {  	s13 =	sadd.s32 $0x200, s13;
	v3 =	vld [tilespmem:s11+$0xFFFFFF00];
	[tilespmem:s11+$0x80] =	vst v6;
	v6 =	vmul.f32 $8.000000000e+00, v7  }
0xbe: {  	[tilespmem:s11+$0x90] =	vst v5;
	v0 =	vmul.f32 $8.000000000e+00, v0  }
0xbf: {  	[tilespmem:s11+$0xA0] =	vst v6;
	v1 =	vmul.f32 $8.000000000e+00, v1  }
0xc0: {  	s13 =	sshll.u32 s7, $0x3;
	[tilespmem:s11+$0xB0] =	vst v0;
	v0 =	vmul.f32 $8.000000000e+00, v4  }
0xc1: {  	s6 =	sadd.s32 s13, s8;
	[tilespmem:s11+$0xC0] =	vst v1;
	v1 =	vmul.f32 $8.000000000e+00, v2  }
0xc2: {  	s6 =	sshll.u32 s6, $0xA;
	v2 =	vmul.f32 $8.000000000e+00, v3;
	[tilespmem:s11+$0xD0] =	vst v0  }
0xc3: {  	s6 =	sand.u32 $0x1FFFE800, s6;
	[tilespmem:s11+$0xE0] =	vst v1  }
0xc4: {  	s6 =	sadd.s32 s2, s6;
	[tilespmem:s11+$0xFFFFFF00] =	vst v2  }
0xc5: {  	[hbm4b:s6+s3] =	stream.linear.scatter [tilespmem:s20], [sflag:$0x6], $0x4000, $0x38;
	[tilespmem:$0x16400] =	vst v63  }
0xc6: {  	s12 =	sadd.s32 $0x8, s13;
	_ =	swait.ge [sflag:s19], $0x4000  }
0xc7: {  	s15 =	sshll.u32 s7, $0xA;
	s14 =	sshll.u32 s12, $0x7;
	[sflag:s19] =	ssyncset.done $0x0  }
0xc8: {  	s11 =	sand.u32 $0x3FFFFC00, s15;
	s6 =	sand.u32 $0x3FFFFC00, s14;
	[sflag:s19] =	ssyncadd.s32 $0xFFFFC000  }
0xc9: {  	[tilespmem:s17], [sflag:$0x1] =	stream.indirect.gather [hbm4b:s4+s16], $0x40, s6, s16, $0xb8;
	[tilespmem:$0x16400] =	vst v63  }
0xca: {  	s6 =	sadd.s32 $0x480, s11  }
0xcb: {  	[tilespmem:s18], [sflag:$0x1] =	stream.indirect.gather [hbm4b:s4+s16], $0x40, s6, s16, $0xb8;
	[tilespmem:$0x16400] =	vst v63  }
0xcc: {  	_ =	swait.ge [sflag:s21], $0x2000  }
0xcd: {  	[sflag:s21] =	ssyncset.done $0x0  }
0xce: {  	[sflag:s21] =	ssyncadd.s32 $0xFFFFE000  }
0xcf: {  	_ =	swait.ge [sflag:s21], $0x2000  }
0xd0: {  	[sflag:s21] =	ssyncset.done $0x0  }
0xd1: {  	s14 =	simm.s32 $0xE500;
	[sflag:s21] =	ssyncadd.s32 $0xFFFFE000  }
0xd2: {  	v0 =	vld [tilespmem:s14+$0xF0]  }
0xd3: {  	v1 =	vld [tilespmem:s14+$0xFFFFFF10]  }
0xd4: {  	v2 =	vld [tilespmem:s14+$0xFFFFFF20]  }
0xd5: {  	v3 =	vld [tilespmem:s14+$0xFFFFFF30]  }
0xd6: {  	v4 =	vld [tilespmem:s14+$0xFFFFFF40]  }
0xd7: {  	v5 =	vld [tilespmem:s14+$0xFFFFFF50];
	v0 =	vmul.f32 $8.000000000e+00, v0  }
0xd8: {  	v6 =	vld [tilespmem:s14+$0xFFFFFF60];
	v1 =	vmul.f32 $8.000000000e+00, v1  }
0xd9: {  	v7 =	vld [tilespmem:s14+$0xFFFFFF70];
	v2 =	vmul.f32 $8.000000000e+00, v2;
	[tilespmem:s14+$0xF0] =	vst v0  }
0xda: {  	[tilespmem:s14+$0xFFFFFF10] =	vst v1;
	v0 =	vmul.f32 $8.000000000e+00, v3;
	v1 =	vld [tilespmem:s14+$0xFFFFFF80]  }
0xdb: {  	[tilespmem:s14+$0xFFFFFF20] =	vst v2;
	v2 =	vmul.f32 $8.000000000e+00, v4;
	v3 =	vld [tilespmem:s14+$0xFFFFFF90]  }
0xdc: {  	v4 =	vld [tilespmem:s14+$0xFFFFFFA0];
	[tilespmem:s14+$0xFFFFFF30] =	vst v0;
	v0 =	vmul.f32 $8.000000000e+00, v5  }
0xdd: {  	[tilespmem:s14+$0xFFFFFF40] =	vst v2;
	v2 =	vmul.f32 $8.000000000e+00, v6;
	v5 =	vld [tilespmem:s14+$0xFFFFFFB0]  }
0xde: {  	v6 =	vld [tilespmem:s14+$0xFFFFFFC0];
	[tilespmem:s14+$0xFFFFFF50] =	vst v0;
	v0 =	vmul.f32 $8.000000000e+00, v7  }
0xdf: {  	[tilespmem:s14+$0xFFFFFF60] =	vst v2;
	v2 =	vld [tilespmem:s14+$0xFFFFFFD0];
	v1 =	vmul.f32 $8.000000000e+00, v1  }
0xe0: {  	[tilespmem:s14+$0xFFFFFF70] =	vst v0;
	v0 =	vmul.f32 $8.000000000e+00, v3;
	v3 =	vld [tilespmem:s14+$0xFFFFFFE0]  }
0xe1: {  	[tilespmem:s14+$0xFFFFFF80] =	vst v1;
	v1 =	vmul.f32 $8.000000000e+00, v4;
	v4 =	vld [tilespmem:s14+$0xFFFFFFF0]  }
0xe2: {  	[tilespmem:s14+$0xFFFFFF90] =	vst v0;
	v0 =	vmul.f32 $8.000000000e+00, v5;
	v5 =	vld [tilespmem:s14+$0x0]  }
0xe3: {  	[tilespmem:s14+$0xFFFFFFA0] =	vst v1;
	v1 =	vmul.f32 $8.000000000e+00, v6;
	v6 =	vld [tilespmem:s14+$0x10]  }
0xe4: {  	[tilespmem:s14+$0xFFFFFFB0] =	vst v0;
	v0 =	vmul.f32 $8.000000000e+00, v2;
	v2 =	vld [tilespmem:s14+$0x20]  }
0xe5: {  	[tilespmem:s14+$0xFFFFFFC0] =	vst v1;
	v1 =	vmul.f32 $8.000000000e+00, v3;
	v3 =	vld [tilespmem:s14+$0x30]  }
0xe6: {  	[tilespmem:s14+$0xFFFFFFD0] =	vst v0;
	v0 =	vmul.f32 $8.000000000e+00, v4;
	v4 =	vld [tilespmem:s14+$0x40]  }
0xe7: {  	[tilespmem:s14+$0xFFFFFFE0] =	vst v1;
	v1 =	vmul.f32 $8.000000000e+00, v5;
	v5 =	vld [tilespmem:s14+$0x50]  }
0xe8: {  	[tilespmem:s14+$0xFFFFFFF0] =	vst v0;
	v0 =	vmul.f32 $8.000000000e+00, v6;
	v6 =	vld [tilespmem:s14+$0x60]  }
0xe9: {  	[tilespmem:s14+$0x0] =	vst v1;
	v1 =	vmul.f32 $8.000000000e+00, v2;
	v2 =	vld [tilespmem:s14+$0x70]  }
0xea: {  	[tilespmem:s14+$0x10] =	vst v0;
	v0 =	vmul.f32 $8.000000000e+00, v3;
	v3 =	vld [tilespmem:s14+$0x80]  }
0xeb: {  	[tilespmem:s14+$0x20] =	vst v1;
	v1 =	vmul.f32 $8.000000000e+00, v4;
	v4 =	vld [tilespmem:s14+$0x90]  }
0xec: {  	v7 =	vld [tilespmem:s14+$0xA0];
	[tilespmem:s14+$0x30] =	vst v0;
	v5 =	vmul.f32 $8.000000000e+00, v5  }
0xed: {  	v0 =	vld [tilespmem:s14+$0xB0];
	[tilespmem:s14+$0x40] =	vst v1;
	v6 =	vmul.f32 $8.000000000e+00, v6  }
0xee: {  	v1 =	vld [tilespmem:s14+$0xC0];
	[tilespmem:s14+$0x50] =	vst v5;
	v5 =	vmul.f32 $8.000000000e+00, v2  }
0xef: {  	v2 =	vld [tilespmem:s14+$0xD0];
	[tilespmem:s14+$0x60] =	vst v6;
	v6 =	vmul.f32 $8.000000000e+00, v3  }
0xf0: {  	v3 =	vld [tilespmem:s14+$0xE0];
	[tilespmem:s14+$0x70] =	vst v5;
	v5 =	vmul.f32 $8.000000000e+00, v4  }
0xf1: {  	s15 =	simm.s32 $0x0;
	s6 =	simm.s32 $0xE700;
	v4 =	vld [tilespmem:s14+$0xFFFFFF00];
	[tilespmem:s14+$0x80] =	vst v6;
	v6 =	vmul.f32 $8.000000000e+00, v7  }
.LBB2_7:
0xf2: {  	v7 =	vld [tilespmem:s6+$0xF0];
	s15 =	sadd.s32 $0x8, s15;
	[tilespmem:s14+$0x90] =	vst v5;
	v0 =	vmul.f32 $8.000000000e+00, v0  }
0xf3: {  	v5 =	vld [tilespmem:s6+$0xFFFFFF10];
	p0 =	slt.u32 s15, $0xF8;
	[tilespmem:s14+$0xA0] =	vst v6;
	v1 =	vmul.f32 $8.000000000e+00, v1  }
0xf4: {  	v6 =	vld [tilespmem:s6+$0xFFFFFF20];
	[tilespmem:s14+$0xB0] =	vst v0;
	v0 =	vmul.f32 $8.000000000e+00, v2  }
0xf5: {  	v2 =	vld [tilespmem:s6+$0xFFFFFF30];
	[tilespmem:s14+$0xC0] =	vst v1;
	v1 =	vmul.f32 $8.000000000e+00, v3  }
0xf6: {  	v3 =	vld [tilespmem:s6+$0xFFFFFF40];
	v4 =	vmul.f32 $8.000000000e+00, v4;
	[tilespmem:s14+$0xD0] =	vst v0  }
0xf7: {  	v0 =	vld [tilespmem:s6+$0xFFFFFF50];
	v7 =	vmul.f32 $8.000000000e+00, v7;
	[tilespmem:s14+$0xE0] =	vst v1  }
0xf8: {  	v1 =	vmul.f32 $8.000000000e+00, v5;
	v5 =	vld [tilespmem:s6+$0xFFFFFF60];
	[tilespmem:s14+$0xFFFFFF00] =	vst v4;
	s14 =	smov.u32 s6  }
0xf9: {  	v4 =	vmul.f32 $8.000000000e+00, v6;
	v6 =	vld [tilespmem:s6+$0xFFFFFF70];
	[tilespmem:s6+$0xF0] =	vst v7  }
0xfa: {  	[tilespmem:s6+$0xFFFFFF10] =	vst v1;
	v1 =	vmul.f32 $8.000000000e+00, v2;
	v2 =	vld [tilespmem:s6+$0xFFFFFF80]  }
0xfb: {  	[tilespmem:s6+$0xFFFFFF20] =	vst v4;
	v3 =	vmul.f32 $8.000000000e+00, v3;
	v4 =	vld [tilespmem:s6+$0xFFFFFF90]  }
0xfc: {  	[tilespmem:s6+$0xFFFFFF30] =	vst v1;
	v0 =	vmul.f32 $8.000000000e+00, v0;
	v1 =	vld [tilespmem:s6+$0xFFFFFFA0]  }
0xfd: {  	[tilespmem:s6+$0xFFFFFF40] =	vst v3;
	v3 =	vmul.f32 $8.000000000e+00, v5;
	v5 =	vld [tilespmem:s6+$0xFFFFFFB0]  }
0xfe: {  	[tilespmem:s6+$0xFFFFFF50] =	vst v0;
	v0 =	vmul.f32 $8.000000000e+00, v6;
	v6 =	vld [tilespmem:s6+$0xFFFFFFC0]  }
0xff: {  	[tilespmem:s6+$0xFFFFFF60] =	vst v3;
	v2 =	vmul.f32 $8.000000000e+00, v2;
	v3 =	vld [tilespmem:s6+$0xFFFFFFD0]  }
0x100: {  	[tilespmem:s6+$0xFFFFFF70] =	vst v0;
	v0 =	vmul.f32 $8.000000000e+00, v4;
	v4 =	vld [tilespmem:s6+$0xFFFFFFE0]  }
0x101: {  	[tilespmem:s6+$0xFFFFFF80] =	vst v2;
	v1 =	vmul.f32 $8.000000000e+00, v1;
	v2 =	vld [tilespmem:s6+$0xFFFFFFF0]  }
0x102: {  	[tilespmem:s6+$0xFFFFFF90] =	vst v0;
	v0 =	vmul.f32 $8.000000000e+00, v5;
	v5 =	vld [tilespmem:s6+$0x0]  }
0x103: {  	[tilespmem:s6+$0xFFFFFFA0] =	vst v1;
	v1 =	vmul.f32 $8.000000000e+00, v6;
	v6 =	vld [tilespmem:s6+$0x10]  }
0x104: {  	[tilespmem:s6+$0xFFFFFFB0] =	vst v0;
	v0 =	vmul.f32 $8.000000000e+00, v3;
	v3 =	vld [tilespmem:s6+$0x20]  }
0x105: {  	[tilespmem:s6+$0xFFFFFFC0] =	vst v1;
	v1 =	vmul.f32 $8.000000000e+00, v4;
	v4 =	vld [tilespmem:s6+$0x30]  }
0x106: {  	[tilespmem:s6+$0xFFFFFFD0] =	vst v0;
	v0 =	vmul.f32 $8.000000000e+00, v2;
	v2 =	vld [tilespmem:s6+$0x40]  }
0x107: {  	[tilespmem:s6+$0xFFFFFFE0] =	vst v1;
	v1 =	vmul.f32 $8.000000000e+00, v5;
	v5 =	vld [tilespmem:s6+$0x50]  }
0x108: {  	[tilespmem:s6+$0xFFFFFFF0] =	vst v0;
	v0 =	vmul.f32 $8.000000000e+00, v6;
	v6 =	vld [tilespmem:s6+$0x60]  }
0x109: {  	[tilespmem:s6+$0x0] =	vst v1;
	v1 =	vmul.f32 $8.000000000e+00, v3;
	v3 =	vld [tilespmem:s6+$0x70]  }
0x10a: {  	[tilespmem:s6+$0x10] =	vst v0;
	v0 =	vmul.f32 $8.000000000e+00, v4;
	v4 =	vld [tilespmem:s6+$0x80]  }
0x10b: {  	[tilespmem:s6+$0x20] =	vst v1;
	v1 =	vmul.f32 $8.000000000e+00, v2;
	v7 =	vld [tilespmem:s6+$0x90]  }
0x10c: {  	[tilespmem:s6+$0x30] =	vst v0;
	v2 =	vmul.f32 $8.000000000e+00, v5;
	v8 =	vld [tilespmem:s6+$0xA0]  }
.Ltmp2:
0x10d: {  	[tilespmem:s6+$0x40] =	vst v1;
	v5 =	vmul.f32 $8.000000000e+00, v6;
	v0 =	vld [tilespmem:s6+$0xB0];
	(pc) =	sbr.rel @p0 .LBB2_7-.Ltmp2, $4  }
0x10e: {  	[tilespmem:s6+$0x50] =	vst v2;
	v3 =	vmul.f32 $8.000000000e+00, v3;
	v1 =	vld [tilespmem:s6+$0xC0]  }
0x10f: {  	[tilespmem:s6+$0x60] =	vst v5;
	v6 =	vmul.f32 $8.000000000e+00, v4;
	v2 =	vld [tilespmem:s6+$0xD0]  }
0x110: {  	[tilespmem:s6+$0x70] =	vst v3;
	v5 =	vmul.f32 $8.000000000e+00, v7;
	v3 =	vld [tilespmem:s6+$0xE0]  }
0x111: {  	s6 =	sadd.s32 $0x200, s6;
	v4 =	vld [tilespmem:s14+$0xFFFFFF00];
	[tilespmem:s14+$0x80] =	vst v6;
	v6 =	vmul.f32 $8.000000000e+00, v8  }
0x112: {  	[tilespmem:s14+$0x90] =	vst v5;
	v0 =	vmul.f32 $8.000000000e+00, v0  }
0x113: {  	[tilespmem:s14+$0xA0] =	vst v6;
	v1 =	vmul.f32 $8.000000000e+00, v1  }
0x114: {  	[tilespmem:s14+$0xB0] =	vst v0;
	v0 =	vmul.f32 $8.000000000e+00, v2  }
0x115: {  	s6 =	sadd.s32 s13, s9;
	[tilespmem:s14+$0xC0] =	vst v1;
	v1 =	vmul.f32 $8.000000000e+00, v3  }
0x116: {  	s6 =	sshll.u32 s6, $0xA;
	v2 =	vmul.f32 $8.000000000e+00, v4;
	[tilespmem:s14+$0xD0] =	vst v0  }
0x117: {  	s6 =	sand.u32 $0x1FFFF000, s6;
	[tilespmem:s14+$0xE0] =	vst v1  }
0x118: {  	s6 =	sadd.s32 s2, s6;
	[tilespmem:s14+$0xFFFFFF00] =	vst v2  }
0x119: {  	[hbm4b:s6+s3] =	stream.linear.scatter [tilespmem:s24], [sflag:$0x7], $0x4000, $0x38;
	[tilespmem:$0x16400] =	vst v63  }
0x11a: {  	_ =	swait.ge [sflag:s23], $0x4000  }
0x11b: {  	[sflag:s23] =	ssyncset.done $0x0  }
0x11c: {  	s14 =	sadd.s32 $0x500, s11;
	[sflag:s23] =	ssyncadd.s32 $0xFFFFC000  }
0x11d: {  	[tilespmem:s20], [sflag:$0x2] =	stream.indirect.gather [hbm4b:s4+s16], $0x40, s14, s16, $0xb8;
	[tilespmem:$0x16400] =	vst v63  }
0x11e: {  	s15 =	sadd.s32 $0x580, s11  }
0x11f: {  	[tilespmem:s22], [sflag:$0x2] =	stream.indirect.gather [hbm4b:s4+s16], $0x40, s15, s16, $0xb8;
	[tilespmem:$0x16400] =	vst v63  }
0x120: {  	_ =	swait.ge [sflag:s25], $0x2000  }
0x121: {  	[sflag:s25] =	ssyncset.done $0x0  }
0x122: {  	[sflag:s25] =	ssyncadd.s32 $0xFFFFE000  }
0x123: {  	_ =	swait.ge [sflag:s25], $0x2000  }
0x124: {  	[sflag:s25] =	ssyncset.done $0x0  }
0x125: {  	s14 =	simm.s32 $0x12500;
	[sflag:s25] =	ssyncadd.s32 $0xFFFFE000  }
0x126: {  	v0 =	vld [tilespmem:s14+$0xF0]  }
0x127: {  	v1 =	vld [tilespmem:s14+$0xFFFFFF10]  }
0x128: {  	v2 =	vld [tilespmem:s14+$0xFFFFFF20]  }
0x129: {  	v3 =	vld [tilespmem:s14+$0xFFFFFF30]  }
0x12a: {  	v4 =	vld [tilespmem:s14+$0xFFFFFF40]  }
0x12b: {  	v5 =	vld [tilespmem:s14+$0xFFFFFF50];
	v0 =	vmul.f32 $8.000000000e+00, v0  }
0x12c: {  	v6 =	vld [tilespmem:s14+$0xFFFFFF60];
	v1 =	vmul.f32 $8.000000000e+00, v1  }
0x12d: {  	v7 =	vld [tilespmem:s14+$0xFFFFFF70];
	v2 =	vmul.f32 $8.000000000e+00, v2;
	[tilespmem:s14+$0xF0] =	vst v0  }
0x12e: {  	[tilespmem:s14+$0xFFFFFF10] =	vst v1;
	v0 =	vmul.f32 $8.000000000e+00, v3;
	v1 =	vld [tilespmem:s14+$0xFFFFFF80]  }
0x12f: {  	[tilespmem:s14+$0xFFFFFF20] =	vst v2;
	v2 =	vmul.f32 $8.000000000e+00, v4;
	v3 =	vld [tilespmem:s14+$0xFFFFFF90]  }
0x130: {  	v4 =	vld [tilespmem:s14+$0xFFFFFFA0];
	[tilespmem:s14+$0xFFFFFF30] =	vst v0;
	v0 =	vmul.f32 $8.000000000e+00, v5  }
0x131: {  	[tilespmem:s14+$0xFFFFFF40] =	vst v2;
	v2 =	vmul.f32 $8.000000000e+00, v6;
	v5 =	vld [tilespmem:s14+$0xFFFFFFB0]  }
0x132: {  	v6 =	vld [tilespmem:s14+$0xFFFFFFC0];
	[tilespmem:s14+$0xFFFFFF50] =	vst v0;
	v0 =	vmul.f32 $8.000000000e+00, v7  }
0x133: {  	[tilespmem:s14+$0xFFFFFF60] =	vst v2;
	v2 =	vld [tilespmem:s14+$0xFFFFFFD0];
	v1 =	vmul.f32 $8.000000000e+00, v1  }
0x134: {  	[tilespmem:s14+$0xFFFFFF70] =	vst v0;
	v0 =	vmul.f32 $8.000000000e+00, v3;
	v3 =	vld [tilespmem:s14+$0xFFFFFFE0]  }
0x135: {  	[tilespmem:s14+$0xFFFFFF80] =	vst v1;
	v1 =	vmul.f32 $8.000000000e+00, v4;
	v4 =	vld [tilespmem:s14+$0xFFFFFFF0]  }
0x136: {  	[tilespmem:s14+$0xFFFFFF90] =	vst v0;
	v0 =	vmul.f32 $8.000000000e+00, v5;
	v5 =	vld [tilespmem:s14+$0x0]  }
0x137: {  	[tilespmem:s14+$0xFFFFFFA0] =	vst v1;
	v1 =	vmul.f32 $8.000000000e+00, v6;
	v6 =	vld [tilespmem:s14+$0x10]  }
0x138: {  	[tilespmem:s14+$0xFFFFFFB0] =	vst v0;
	v0 =	vmul.f32 $8.000000000e+00, v2;
	v2 =	vld [tilespmem:s14+$0x20]  }
0x139: {  	[tilespmem:s14+$0xFFFFFFC0] =	vst v1;
	v1 =	vmul.f32 $8.000000000e+00, v3;
	v3 =	vld [tilespmem:s14+$0x30]  }
0x13a: {  	[tilespmem:s14+$0xFFFFFFD0] =	vst v0;
	v0 =	vmul.f32 $8.000000000e+00, v4;
	v4 =	vld [tilespmem:s14+$0x40]  }
0x13b: {  	[tilespmem:s14+$0xFFFFFFE0] =	vst v1;
	v1 =	vmul.f32 $8.000000000e+00, v5;
	v5 =	vld [tilespmem:s14+$0x50]  }
0x13c: {  	[tilespmem:s14+$0xFFFFFFF0] =	vst v0;
	v0 =	vmul.f32 $8.000000000e+00, v6;
	v6 =	vld [tilespmem:s14+$0x60]  }
0x13d: {  	[tilespmem:s14+$0x0] =	vst v1;
	v1 =	vmul.f32 $8.000000000e+00, v2;
	v2 =	vld [tilespmem:s14+$0x70]  }
0x13e: {  	[tilespmem:s14+$0x10] =	vst v0;
	v0 =	vmul.f32 $8.000000000e+00, v3;
	v3 =	vld [tilespmem:s14+$0x80]  }
0x13f: {  	[tilespmem:s14+$0x20] =	vst v1;
	v1 =	vmul.f32 $8.000000000e+00, v4;
	v4 =	vld [tilespmem:s14+$0x90]  }
0x140: {  	v7 =	vld [tilespmem:s14+$0xA0];
	[tilespmem:s14+$0x30] =	vst v0;
	v5 =	vmul.f32 $8.000000000e+00, v5  }
0x141: {  	v0 =	vld [tilespmem:s14+$0xB0];
	[tilespmem:s14+$0x40] =	vst v1;
	v6 =	vmul.f32 $8.000000000e+00, v6  }
0x142: {  	v1 =	vld [tilespmem:s14+$0xC0];
	[tilespmem:s14+$0x50] =	vst v5;
	v5 =	vmul.f32 $8.000000000e+00, v2  }
0x143: {  	v2 =	vld [tilespmem:s14+$0xD0];
	[tilespmem:s14+$0x60] =	vst v6;
	v6 =	vmul.f32 $8.000000000e+00, v3  }
0x144: {  	v3 =	vld [tilespmem:s14+$0xE0];
	[tilespmem:s14+$0x70] =	vst v5;
	v5 =	vmul.f32 $8.000000000e+00, v4  }
0x145: {  	s6 =	simm.s32 $0x12700;
	s15 =	simm.s32 $0x0;
	v4 =	vld [tilespmem:s14+$0xFFFFFF00];
	[tilespmem:s14+$0x80] =	vst v6;
	v6 =	vmul.f32 $8.000000000e+00, v7  }
.LBB2_9:
0x146: {  	v7 =	vld [tilespmem:s6+$0xF0];
	s15 =	sadd.s32 $0x8, s15;
	[tilespmem:s14+$0x90] =	vst v5;
	v0 =	vmul.f32 $8.000000000e+00, v0  }
0x147: {  	v5 =	vld [tilespmem:s6+$0xFFFFFF10];
	p0 =	slt.u32 s15, $0xF8;
	[tilespmem:s14+$0xA0] =	vst v6;
	v1 =	vmul.f32 $8.000000000e+00, v1  }
0x148: {  	v6 =	vld [tilespmem:s6+$0xFFFFFF20];
	[tilespmem:s14+$0xB0] =	vst v0;
	v0 =	vmul.f32 $8.000000000e+00, v2  }
0x149: {  	v2 =	vld [tilespmem:s6+$0xFFFFFF30];
	[tilespmem:s14+$0xC0] =	vst v1;
	v1 =	vmul.f32 $8.000000000e+00, v3  }
0x14a: {  	v3 =	vld [tilespmem:s6+$0xFFFFFF40];
	v4 =	vmul.f32 $8.000000000e+00, v4;
	[tilespmem:s14+$0xD0] =	vst v0  }
0x14b: {  	v0 =	vld [tilespmem:s6+$0xFFFFFF50];
	v7 =	vmul.f32 $8.000000000e+00, v7;
	[tilespmem:s14+$0xE0] =	vst v1  }
0x14c: {  	v1 =	vmul.f32 $8.000000000e+00, v5;
	v5 =	vld [tilespmem:s6+$0xFFFFFF60];
	[tilespmem:s14+$0xFFFFFF00] =	vst v4;
	s14 =	smov.u32 s6  }
0x14d: {  	v4 =	vmul.f32 $8.000000000e+00, v6;
	v6 =	vld [tilespmem:s6+$0xFFFFFF70];
	[tilespmem:s6+$0xF0] =	vst v7  }
0x14e: {  	[tilespmem:s6+$0xFFFFFF10] =	vst v1;
	v1 =	vmul.f32 $8.000000000e+00, v2;
	v2 =	vld [tilespmem:s6+$0xFFFFFF80]  }
0x14f: {  	[tilespmem:s6+$0xFFFFFF20] =	vst v4;
	v3 =	vmul.f32 $8.000000000e+00, v3;
	v4 =	vld [tilespmem:s6+$0xFFFFFF90]  }
0x150: {  	[tilespmem:s6+$0xFFFFFF30] =	vst v1;
	v0 =	vmul.f32 $8.000000000e+00, v0;
	v1 =	vld [tilespmem:s6+$0xFFFFFFA0]  }
0x151: {  	[tilespmem:s6+$0xFFFFFF40] =	vst v3;
	v3 =	vmul.f32 $8.000000000e+00, v5;
	v5 =	vld [tilespmem:s6+$0xFFFFFFB0]  }
0x152: {  	[tilespmem:s6+$0xFFFFFF50] =	vst v0;
	v0 =	vmul.f32 $8.000000000e+00, v6;
	v6 =	vld [tilespmem:s6+$0xFFFFFFC0]  }
0x153: {  	[tilespmem:s6+$0xFFFFFF60] =	vst v3;
	v2 =	vmul.f32 $8.000000000e+00, v2;
	v3 =	vld [tilespmem:s6+$0xFFFFFFD0]  }
0x154: {  	[tilespmem:s6+$0xFFFFFF70] =	vst v0;
	v0 =	vmul.f32 $8.000000000e+00, v4;
	v4 =	vld [tilespmem:s6+$0xFFFFFFE0]  }
0x155: {  	[tilespmem:s6+$0xFFFFFF80] =	vst v2;
	v1 =	vmul.f32 $8.000000000e+00, v1;
	v2 =	vld [tilespmem:s6+$0xFFFFFFF0]  }
0x156: {  	[tilespmem:s6+$0xFFFFFF90] =	vst v0;
	v0 =	vmul.f32 $8.000000000e+00, v5;
	v5 =	vld [tilespmem:s6+$0x0]  }
0x157: {  	[tilespmem:s6+$0xFFFFFFA0] =	vst v1;
	v1 =	vmul.f32 $8.000000000e+00, v6;
	v6 =	vld [tilespmem:s6+$0x10]  }
0x158: {  	[tilespmem:s6+$0xFFFFFFB0] =	vst v0;
	v0 =	vmul.f32 $8.000000000e+00, v3;
	v3 =	vld [tilespmem:s6+$0x20]  }
0x159: {  	[tilespmem:s6+$0xFFFFFFC0] =	vst v1;
	v1 =	vmul.f32 $8.000000000e+00, v4;
	v4 =	vld [tilespmem:s6+$0x30]  }
0x15a: {  	[tilespmem:s6+$0xFFFFFFD0] =	vst v0;
	v0 =	vmul.f32 $8.000000000e+00, v2;
	v2 =	vld [tilespmem:s6+$0x40]  }
0x15b: {  	[tilespmem:s6+$0xFFFFFFE0] =	vst v1;
	v1 =	vmul.f32 $8.000000000e+00, v5;
	v5 =	vld [tilespmem:s6+$0x50]  }
0x15c: {  	[tilespmem:s6+$0xFFFFFFF0] =	vst v0;
	v0 =	vmul.f32 $8.000000000e+00, v6;
	v6 =	vld [tilespmem:s6+$0x60]  }
0x15d: {  	[tilespmem:s6+$0x0] =	vst v1;
	v1 =	vmul.f32 $8.000000000e+00, v3;
	v3 =	vld [tilespmem:s6+$0x70]  }
0x15e: {  	[tilespmem:s6+$0x10] =	vst v0;
	v0 =	vmul.f32 $8.000000000e+00, v4;
	v4 =	vld [tilespmem:s6+$0x80]  }
0x15f: {  	[tilespmem:s6+$0x20] =	vst v1;
	v1 =	vmul.f32 $8.000000000e+00, v2;
	v7 =	vld [tilespmem:s6+$0x90]  }
0x160: {  	[tilespmem:s6+$0x30] =	vst v0;
	v2 =	vmul.f32 $8.000000000e+00, v5;
	v8 =	vld [tilespmem:s6+$0xA0]  }
.Ltmp3:
0x161: {  	[tilespmem:s6+$0x40] =	vst v1;
	v5 =	vmul.f32 $8.000000000e+00, v6;
	v0 =	vld [tilespmem:s6+$0xB0];
	(pc) =	sbr.rel @p0 .LBB2_9-.Ltmp3, $4  }
0x162: {  	[tilespmem:s6+$0x50] =	vst v2;
	v3 =	vmul.f32 $8.000000000e+00, v3;
	v1 =	vld [tilespmem:s6+$0xC0]  }
0x163: {  	[tilespmem:s6+$0x60] =	vst v5;
	v6 =	vmul.f32 $8.000000000e+00, v4;
	v2 =	vld [tilespmem:s6+$0xD0]  }
0x164: {  	[tilespmem:s6+$0x70] =	vst v3;
	v5 =	vmul.f32 $8.000000000e+00, v7;
	v3 =	vld [tilespmem:s6+$0xE0]  }
0x165: {  	s6 =	sadd.s32 $0x200, s6;
	v4 =	vld [tilespmem:s14+$0xFFFFFF00];
	[tilespmem:s14+$0x80] =	vst v6;
	v6 =	vmul.f32 $8.000000000e+00, v8  }
0x166: {  	[tilespmem:s14+$0x90] =	vst v5;
	v0 =	vmul.f32 $8.000000000e+00, v0  }
0x167: {  	[tilespmem:s14+$0xA0] =	vst v6;
	v1 =	vmul.f32 $8.000000000e+00, v1  }
0x168: {  	[tilespmem:s14+$0xB0] =	vst v0;
	v0 =	vmul.f32 $8.000000000e+00, v2  }
0x169: {  	s6 =	sadd.s32 s13, s10;
	[tilespmem:s14+$0xC0] =	vst v1;
	v1 =	vmul.f32 $8.000000000e+00, v3  }
0x16a: {  	s6 =	sshll.u32 s6, $0xA;
	v2 =	vmul.f32 $8.000000000e+00, v4;
	[tilespmem:s14+$0xD0] =	vst v0  }
0x16b: {  	s6 =	sand.u32 $0x1FFFF800, s6;
	[tilespmem:s14+$0xE0] =	vst v1  }
0x16c: {  	s6 =	sadd.s32 s2, s6;
	[tilespmem:s14+$0xFFFFFF00] =	vst v2  }
0x16d: {  	[hbm4b:s6+s3] =	stream.linear.scatter [tilespmem:s30], [sflag:$0x8], $0x4000, $0x38;
	[tilespmem:$0x16400] =	vst v63  }
0x16e: {  	_ =	swait.ge [sflag:s29], $0x4000  }
0x16f: {  	[sflag:s29] =	ssyncset.done $0x0  }
0x170: {  	s14 =	sadd.s32 $0x600, s11;
	[sflag:s29] =	ssyncadd.s32 $0xFFFFC000  }
0x171: {  	[tilespmem:s24], [sflag:$0x3] =	stream.indirect.gather [hbm4b:s4+s16], $0x40, s14, s16, $0xb8;
	[tilespmem:$0x16400] =	vst v63  }
0x172: {  	s15 =	sadd.s32 $0x680, s11  }
0x173: {  	[tilespmem:s26], [sflag:$0x3] =	stream.indirect.gather [hbm4b:s4+s16], $0x40, s15, s16, $0xb8;
	[tilespmem:$0x16400] =	vst v63  }
0x174: {  	_ =	swait.ge [sflag:s28], $0x2000  }
0x175: {  	[sflag:s28] =	ssyncset.done $0x0  }
0x176: {  	[sflag:s28] =	ssyncadd.s32 $0xFFFFE000  }
0x177: {  	_ =	swait.ge [sflag:s28], $0x2000  }
0x178: {  	[sflag:s28] =	ssyncset.done $0x0  }
0x179: {  	s13 =	simm.s32 $0x6500;
	[sflag:s28] =	ssyncadd.s32 $0xFFFFE000  }
0x17a: {  	v0 =	vld [tilespmem:s13+$0xF0]  }
0x17b: {  	v1 =	vld [tilespmem:s13+$0xFFFFFF10]  }
0x17c: {  	v2 =	vld [tilespmem:s13+$0xFFFFFF20]  }
0x17d: {  	v3 =	vld [tilespmem:s13+$0xFFFFFF30]  }
0x17e: {  	v4 =	vld [tilespmem:s13+$0xFFFFFF40]  }
0x17f: {  	v5 =	vld [tilespmem:s13+$0xFFFFFF50];
	v0 =	vmul.f32 $8.000000000e+00, v0  }
0x180: {  	v6 =	vld [tilespmem:s13+$0xFFFFFF60];
	v1 =	vmul.f32 $8.000000000e+00, v1  }
0x181: {  	v7 =	vld [tilespmem:s13+$0xFFFFFF70];
	v2 =	vmul.f32 $8.000000000e+00, v2;
	[tilespmem:s13+$0xF0] =	vst v0  }
0x182: {  	[tilespmem:s13+$0xFFFFFF10] =	vst v1;
	v0 =	vmul.f32 $8.000000000e+00, v3;
	v1 =	vld [tilespmem:s13+$0xFFFFFF80]  }
0x183: {  	[tilespmem:s13+$0xFFFFFF20] =	vst v2;
	v2 =	vmul.f32 $8.000000000e+00, v4;
	v3 =	vld [tilespmem:s13+$0xFFFFFF90]  }
0x184: {  	v4 =	vld [tilespmem:s13+$0xFFFFFFA0];
	[tilespmem:s13+$0xFFFFFF30] =	vst v0;
	v0 =	vmul.f32 $8.000000000e+00, v5  }
0x185: {  	[tilespmem:s13+$0xFFFFFF40] =	vst v2;
	v2 =	vmul.f32 $8.000000000e+00, v6;
	v5 =	vld [tilespmem:s13+$0xFFFFFFB0]  }
0x186: {  	v6 =	vld [tilespmem:s13+$0xFFFFFFC0];
	[tilespmem:s13+$0xFFFFFF50] =	vst v0;
	v0 =	vmul.f32 $8.000000000e+00, v7  }
0x187: {  	[tilespmem:s13+$0xFFFFFF60] =	vst v2;
	v2 =	vld [tilespmem:s13+$0xFFFFFFD0];
	v1 =	vmul.f32 $8.000000000e+00, v1  }
0x188: {  	[tilespmem:s13+$0xFFFFFF70] =	vst v0;
	v0 =	vmul.f32 $8.000000000e+00, v3;
	v3 =	vld [tilespmem:s13+$0xFFFFFFE0]  }
0x189: {  	[tilespmem:s13+$0xFFFFFF80] =	vst v1;
	v1 =	vmul.f32 $8.000000000e+00, v4;
	v4 =	vld [tilespmem:s13+$0xFFFFFFF0]  }
0x18a: {  	[tilespmem:s13+$0xFFFFFF90] =	vst v0;
	v0 =	vmul.f32 $8.000000000e+00, v5;
	v5 =	vld [tilespmem:s13+$0x0]  }
0x18b: {  	[tilespmem:s13+$0xFFFFFFA0] =	vst v1;
	v1 =	vmul.f32 $8.000000000e+00, v6;
	v6 =	vld [tilespmem:s13+$0x10]  }
0x18c: {  	[tilespmem:s13+$0xFFFFFFB0] =	vst v0;
	v0 =	vmul.f32 $8.000000000e+00, v2;
	v2 =	vld [tilespmem:s13+$0x20]  }
0x18d: {  	[tilespmem:s13+$0xFFFFFFC0] =	vst v1;
	v1 =	vmul.f32 $8.000000000e+00, v3;
	v3 =	vld [tilespmem:s13+$0x30]  }
0x18e: {  	[tilespmem:s13+$0xFFFFFFD0] =	vst v0;
	v0 =	vmul.f32 $8.000000000e+00, v4;
	v4 =	vld [tilespmem:s13+$0x40]  }
0x18f: {  	[tilespmem:s13+$0xFFFFFFE0] =	vst v1;
	v1 =	vmul.f32 $8.000000000e+00, v5;
	v5 =	vld [tilespmem:s13+$0x50]  }
0x190: {  	[tilespmem:s13+$0xFFFFFFF0] =	vst v0;
	v0 =	vmul.f32 $8.000000000e+00, v6;
	v6 =	vld [tilespmem:s13+$0x60]  }
0x191: {  	[tilespmem:s13+$0x0] =	vst v1;
	v1 =	vmul.f32 $8.000000000e+00, v2;
	v2 =	vld [tilespmem:s13+$0x70]  }
0x192: {  	[tilespmem:s13+$0x10] =	vst v0;
	v0 =	vmul.f32 $8.000000000e+00, v3;
	v3 =	vld [tilespmem:s13+$0x80]  }
0x193: {  	[tilespmem:s13+$0x20] =	vst v1;
	v1 =	vmul.f32 $8.000000000e+00, v4;
	v4 =	vld [tilespmem:s13+$0x90]  }
0x194: {  	v7 =	vld [tilespmem:s13+$0xA0];
	[tilespmem:s13+$0x30] =	vst v0;
	v5 =	vmul.f32 $8.000000000e+00, v5  }
0x195: {  	v0 =	vld [tilespmem:s13+$0xB0];
	[tilespmem:s13+$0x40] =	vst v1;
	v6 =	vmul.f32 $8.000000000e+00, v6  }
0x196: {  	v1 =	vld [tilespmem:s13+$0xC0];
	[tilespmem:s13+$0x50] =	vst v5;
	v5 =	vmul.f32 $8.000000000e+00, v2  }
0x197: {  	v2 =	vld [tilespmem:s13+$0xD0];
	[tilespmem:s13+$0x60] =	vst v6;
	v6 =	vmul.f32 $8.000000000e+00, v3  }
0x198: {  	v3 =	vld [tilespmem:s13+$0xE0];
	[tilespmem:s13+$0x70] =	vst v5;
	v5 =	vmul.f32 $8.000000000e+00, v4  }
0x199: {  	s6 =	simm.s32 $0x6700;
	s14 =	simm.s32 $0x0;
	v4 =	vld [tilespmem:s13+$0xFFFFFF00];
	[tilespmem:s13+$0x80] =	vst v6;
	v6 =	vmul.f32 $8.000000000e+00, v7  }
.LBB2_11:
0x19a: {  	v7 =	vld [tilespmem:s6+$0xF0];
	s14 =	sadd.s32 $0x8, s14;
	[tilespmem:s13+$0x90] =	vst v5;
	v0 =	vmul.f32 $8.000000000e+00, v0  }
0x19b: {  	v5 =	vld [tilespmem:s6+$0xFFFFFF10];
	p0 =	slt.u32 s14, $0xF8;
	[tilespmem:s13+$0xA0] =	vst v6;
	v1 =	vmul.f32 $8.000000000e+00, v1  }
0x19c: {  	v6 =	vld [tilespmem:s6+$0xFFFFFF20];
	[tilespmem:s13+$0xB0] =	vst v0;
	v0 =	vmul.f32 $8.000000000e+00, v2  }
0x19d: {  	v2 =	vld [tilespmem:s6+$0xFFFFFF30];
	[tilespmem:s13+$0xC0] =	vst v1;
	v1 =	vmul.f32 $8.000000000e+00, v3  }
0x19e: {  	v3 =	vld [tilespmem:s6+$0xFFFFFF40];
	v4 =	vmul.f32 $8.000000000e+00, v4;
	[tilespmem:s13+$0xD0] =	vst v0  }
0x19f: {  	v0 =	vld [tilespmem:s6+$0xFFFFFF50];
	v7 =	vmul.f32 $8.000000000e+00, v7;
	[tilespmem:s13+$0xE0] =	vst v1  }
0x1a0: {  	v1 =	vmul.f32 $8.000000000e+00, v5;
	v5 =	vld [tilespmem:s6+$0xFFFFFF60];
	[tilespmem:s13+$0xFFFFFF00] =	vst v4;
	s13 =	smov.u32 s6  }
0x1a1: {  	v4 =	vmul.f32 $8.000000000e+00, v6;
	v6 =	vld [tilespmem:s6+$0xFFFFFF70];
	[tilespmem:s6+$0xF0] =	vst v7  }
0x1a2: {  	[tilespmem:s6+$0xFFFFFF10] =	vst v1;
	v1 =	vmul.f32 $8.000000000e+00, v2;
	v2 =	vld [tilespmem:s6+$0xFFFFFF80]  }
0x1a3: {  	[tilespmem:s6+$0xFFFFFF20] =	vst v4;
	v3 =	vmul.f32 $8.000000000e+00, v3;
	v4 =	vld [tilespmem:s6+$0xFFFFFF90]  }
0x1a4: {  	[tilespmem:s6+$0xFFFFFF30] =	vst v1;
	v0 =	vmul.f32 $8.000000000e+00, v0;
	v1 =	vld [tilespmem:s6+$0xFFFFFFA0]  }
0x1a5: {  	[tilespmem:s6+$0xFFFFFF40] =	vst v3;
	v3 =	vmul.f32 $8.000000000e+00, v5;
	v5 =	vld [tilespmem:s6+$0xFFFFFFB0]  }
0x1a6: {  	[tilespmem:s6+$0xFFFFFF50] =	vst v0;
	v0 =	vmul.f32 $8.000000000e+00, v6;
	v6 =	vld [tilespmem:s6+$0xFFFFFFC0]  }
0x1a7: {  	[tilespmem:s6+$0xFFFFFF60] =	vst v3;
	v2 =	vmul.f32 $8.000000000e+00, v2;
	v3 =	vld [tilespmem:s6+$0xFFFFFFD0]  }
0x1a8: {  	[tilespmem:s6+$0xFFFFFF70] =	vst v0;
	v0 =	vmul.f32 $8.000000000e+00, v4;
	v4 =	vld [tilespmem:s6+$0xFFFFFFE0]  }
0x1a9: {  	[tilespmem:s6+$0xFFFFFF80] =	vst v2;
	v1 =	vmul.f32 $8.000000000e+00, v1;
	v2 =	vld [tilespmem:s6+$0xFFFFFFF0]  }
0x1aa: {  	[tilespmem:s6+$0xFFFFFF90] =	vst v0;
	v0 =	vmul.f32 $8.000000000e+00, v5;
	v5 =	vld [tilespmem:s6+$0x0]  }
0x1ab: {  	[tilespmem:s6+$0xFFFFFFA0] =	vst v1;
	v1 =	vmul.f32 $8.000000000e+00, v6;
	v6 =	vld [tilespmem:s6+$0x10]  }
0x1ac: {  	[tilespmem:s6+$0xFFFFFFB0] =	vst v0;
	v0 =	vmul.f32 $8.000000000e+00, v3;
	v3 =	vld [tilespmem:s6+$0x20]  }
0x1ad: {  	[tilespmem:s6+$0xFFFFFFC0] =	vst v1;
	v1 =	vmul.f32 $8.000000000e+00, v4;
	v4 =	vld [tilespmem:s6+$0x30]  }
0x1ae: {  	[tilespmem:s6+$0xFFFFFFD0] =	vst v0;
	v0 =	vmul.f32 $8.000000000e+00, v2;
	v2 =	vld [tilespmem:s6+$0x40]  }
0x1af: {  	[tilespmem:s6+$0xFFFFFFE0] =	vst v1;
	v1 =	vmul.f32 $8.000000000e+00, v5;
	v5 =	vld [tilespmem:s6+$0x50]  }
0x1b0: {  	[tilespmem:s6+$0xFFFFFFF0] =	vst v0;
	v0 =	vmul.f32 $8.000000000e+00, v6;
	v6 =	vld [tilespmem:s6+$0x60]  }
0x1b1: {  	[tilespmem:s6+$0x0] =	vst v1;
	v1 =	vmul.f32 $8.000000000e+00, v3;
	v3 =	vld [tilespmem:s6+$0x70]  }
0x1b2: {  	[tilespmem:s6+$0x10] =	vst v0;
	v0 =	vmul.f32 $8.000000000e+00, v4;
	v4 =	vld [tilespmem:s6+$0x80]  }
0x1b3: {  	[tilespmem:s6+$0x20] =	vst v1;
	v1 =	vmul.f32 $8.000000000e+00, v2;
	v7 =	vld [tilespmem:s6+$0x90]  }
0x1b4: {  	[tilespmem:s6+$0x30] =	vst v0;
	v2 =	vmul.f32 $8.000000000e+00, v5;
	v8 =	vld [tilespmem:s6+$0xA0]  }
.Ltmp4:
0x1b5: {  	[tilespmem:s6+$0x40] =	vst v1;
	v5 =	vmul.f32 $8.000000000e+00, v6;
	v0 =	vld [tilespmem:s6+$0xB0];
	(pc) =	sbr.rel @p0 .LBB2_11-.Ltmp4, $4  }
0x1b6: {  	[tilespmem:s6+$0x50] =	vst v2;
	v3 =	vmul.f32 $8.000000000e+00, v3;
	v1 =	vld [tilespmem:s6+$0xC0]  }
0x1b7: {  	[tilespmem:s6+$0x60] =	vst v5;
	v6 =	vmul.f32 $8.000000000e+00, v4;
	v2 =	vld [tilespmem:s6+$0xD0]  }
0x1b8: {  	[tilespmem:s6+$0x70] =	vst v3;
	v5 =	vmul.f32 $8.000000000e+00, v7;
	v3 =	vld [tilespmem:s6+$0xE0]  }
0x1b9: {  	s6 =	sadd.s32 $0x200, s6;
	v4 =	vld [tilespmem:s13+$0xFFFFFF00];
	[tilespmem:s13+$0x80] =	vst v6;
	v6 =	vmul.f32 $8.000000000e+00, v8  }
0x1ba: {  	[tilespmem:s13+$0x90] =	vst v5;
	v0 =	vmul.f32 $8.000000000e+00, v0  }
0x1bb: {  	[tilespmem:s13+$0xA0] =	vst v6;
	v1 =	vmul.f32 $8.000000000e+00, v1  }
0x1bc: {  	[tilespmem:s13+$0xB0] =	vst v0;
	v61 =	vmul.f32 $8.000000000e+00, v2  }
0x1bd: {  	s6 =	sadd.s32 s5, s12;
	[tilespmem:s13+$0xC0] =	vst v1;
	v62 =	vmul.f32 $8.000000000e+00, v3  }
0x1be: {  	s6 =	sshll.u32 s6, $0xA;
	v63 =	vmul.f32 $8.000000000e+00, v4;
	[tilespmem:s13+$0xD0] =	vst v61  }
0x1bf: {  	s6 =	sand.u32 $0x1FFFE000, s6;
	[tilespmem:s13+$0xE0] =	vst v62  }
0x1c0: {  	s7 =	sadd.s32 $0x1, s7;
	s6 =	sadd.s32 s2, s6;
	[tilespmem:s13+$0xFFFFFF00] =	vst v63  }
0x1c1: {  	[hbm4b:s6+s3] =	stream.linear.scatter [tilespmem:s17], [sflag:$0x5], $0x4000, $0x38;
	[tilespmem:$0x16400] =	vst v63  }
0x1c2: {  	p0 =	sne.s32 s7, $0x18;
	_ =	swait.ge [sflag:s31], $0x4000  }
.Ltmp5:
0x1c3: {  	[sflag:s31] =	ssyncset.done $0x0;
	(pc) =	sbr.rel @p0 .LBB2_4-.Ltmp5, $4  }
0x1c4: {  	s14 =	sadd.s32 $0x700, s11;
	[sflag:s31] =	ssyncadd.s32 $0xFFFFC000  }
0x1c5: {  	[tilespmem:s30], [sflag:$0x4] =	stream.indirect.gather [hbm4b:s4+s16], $0x40, s14, s16, $0xb8;
	[tilespmem:$0x16400] =	vst v63  }
0x1c6: {  	s15 =	sadd.s32 $0x780, s11  }
0x1c7: {  	[tilespmem:s1], [sflag:$0x4] =	stream.indirect.gather [hbm4b:s4+s16], $0x40, s15, s16, $0xb8;
	[tilespmem:$0x16400] =	vst v63  }
0x1c8: {  	_ =	swait.ge [sflag:s0], $0x2000  }
0x1c9: {  	[sflag:s0] =	ssyncset.done $0x0  }
0x1ca: {  	[sflag:s0] =	ssyncadd.s32 $0xFFFFE000  }
0x1cb: {  	_ =	swait.ge [sflag:s0], $0x2000  }
0x1cc: {  	[sflag:s0] =	ssyncset.done $0x0  }
0x1cd: {  	s7 =	simm.s32 $0xA500;
	[sflag:s0] =	ssyncadd.s32 $0xFFFFE000  }
0x1ce: {  	v0 =	vld [tilespmem:s7+$0xF0]  }
0x1cf: {  	v1 =	vld [tilespmem:s7+$0xFFFFFF10]  }
0x1d0: {  	v2 =	vld [tilespmem:s7+$0xFFFFFF20]  }
0x1d1: {  	v3 =	vld [tilespmem:s7+$0xFFFFFF30]  }
0x1d2: {  	v4 =	vld [tilespmem:s7+$0xFFFFFF40]  }
0x1d3: {  	v5 =	vld [tilespmem:s7+$0xFFFFFF50];
	v0 =	vmul.f32 $8.000000000e+00, v0  }
0x1d4: {  	v6 =	vld [tilespmem:s7+$0xFFFFFF60];
	v1 =	vmul.f32 $8.000000000e+00, v1  }
0x1d5: {  	v7 =	vld [tilespmem:s7+$0xFFFFFF70];
	v2 =	vmul.f32 $8.000000000e+00, v2;
	[tilespmem:s7+$0xF0] =	vst v0  }
0x1d6: {  	[tilespmem:s7+$0xFFFFFF10] =	vst v1;
	v0 =	vmul.f32 $8.000000000e+00, v3;
	v1 =	vld [tilespmem:s7+$0xFFFFFF80]  }
0x1d7: {  	[tilespmem:s7+$0xFFFFFF20] =	vst v2;
	v2 =	vmul.f32 $8.000000000e+00, v4;
	v3 =	vld [tilespmem:s7+$0xFFFFFF90]  }
0x1d8: {  	v4 =	vld [tilespmem:s7+$0xFFFFFFA0];
	[tilespmem:s7+$0xFFFFFF30] =	vst v0;
	v0 =	vmul.f32 $8.000000000e+00, v5  }
0x1d9: {  	[tilespmem:s7+$0xFFFFFF40] =	vst v2;
	v2 =	vmul.f32 $8.000000000e+00, v6;
	v5 =	vld [tilespmem:s7+$0xFFFFFFB0]  }
0x1da: {  	v6 =	vld [tilespmem:s7+$0xFFFFFFC0];
	[tilespmem:s7+$0xFFFFFF50] =	vst v0;
	v0 =	vmul.f32 $8.000000000e+00, v7  }
0x1db: {  	[tilespmem:s7+$0xFFFFFF60] =	vst v2;
	v2 =	vld [tilespmem:s7+$0xFFFFFFD0];
	v1 =	vmul.f32 $8.000000000e+00, v1  }
0x1dc: {  	[tilespmem:s7+$0xFFFFFF70] =	vst v0;
	v0 =	vmul.f32 $8.000000000e+00, v3;
	v3 =	vld [tilespmem:s7+$0xFFFFFFE0]  }
0x1dd: {  	[tilespmem:s7+$0xFFFFFF80] =	vst v1;
	v1 =	vmul.f32 $8.000000000e+00, v4;
	v4 =	vld [tilespmem:s7+$0xFFFFFFF0]  }
0x1de: {  	[tilespmem:s7+$0xFFFFFF90] =	vst v0;
	v0 =	vmul.f32 $8.000000000e+00, v5;
	v5 =	vld [tilespmem:s7+$0x0]  }
0x1df: {  	[tilespmem:s7+$0xFFFFFFA0] =	vst v1;
	v1 =	vmul.f32 $8.000000000e+00, v6;
	v6 =	vld [tilespmem:s7+$0x10]  }
0x1e0: {  	[tilespmem:s7+$0xFFFFFFB0] =	vst v0;
	v0 =	vmul.f32 $8.000000000e+00, v2;
	v2 =	vld [tilespmem:s7+$0x20]  }
0x1e1: {  	[tilespmem:s7+$0xFFFFFFC0] =	vst v1;
	v1 =	vmul.f32 $8.000000000e+00, v3;
	v3 =	vld [tilespmem:s7+$0x30]  }
0x1e2: {  	[tilespmem:s7+$0xFFFFFFD0] =	vst v0;
	v0 =	vmul.f32 $8.000000000e+00, v4;
	v4 =	vld [tilespmem:s7+$0x40]  }
0x1e3: {  	[tilespmem:s7+$0xFFFFFFE0] =	vst v1;
	v1 =	vmul.f32 $8.000000000e+00, v5;
	v5 =	vld [tilespmem:s7+$0x50]  }
0x1e4: {  	[tilespmem:s7+$0xFFFFFFF0] =	vst v0;
	v0 =	vmul.f32 $8.000000000e+00, v6;
	v6 =	vld [tilespmem:s7+$0x60]  }
0x1e5: {  	[tilespmem:s7+$0x0] =	vst v1;
	v1 =	vmul.f32 $8.000000000e+00, v2;
	v2 =	vld [tilespmem:s7+$0x70]  }
0x1e6: {  	[tilespmem:s7+$0x10] =	vst v0;
	v0 =	vmul.f32 $8.000000000e+00, v3;
	v3 =	vld [tilespmem:s7+$0x80]  }
0x1e7: {  	[tilespmem:s7+$0x20] =	vst v1;
	v1 =	vmul.f32 $8.000000000e+00, v4;
	v4 =	vld [tilespmem:s7+$0x90]  }
0x1e8: {  	v7 =	vld [tilespmem:s7+$0xA0];
	[tilespmem:s7+$0x30] =	vst v0;
	v5 =	vmul.f32 $8.000000000e+00, v5  }
0x1e9: {  	v0 =	vld [tilespmem:s7+$0xB0];
	[tilespmem:s7+$0x40] =	vst v1;
	v6 =	vmul.f32 $8.000000000e+00, v6  }
0x1ea: {  	v1 =	vld [tilespmem:s7+$0xC0];
	[tilespmem:s7+$0x50] =	vst v5;
	v5 =	vmul.f32 $8.000000000e+00, v2  }
0x1eb: {  	v2 =	vld [tilespmem:s7+$0xD0];
	[tilespmem:s7+$0x60] =	vst v6;
	v6 =	vmul.f32 $8.000000000e+00, v3  }
0x1ec: {  	v3 =	vld [tilespmem:s7+$0xE0];
	[tilespmem:s7+$0x70] =	vst v5;
	v5 =	vmul.f32 $8.000000000e+00, v4  }
0x1ed: {  	s11 =	simm.s32 $0x0;
	s6 =	simm.s32 $0xA700;
	v4 =	vld [tilespmem:s7+$0xFFFFFF00];
	[tilespmem:s7+$0x80] =	vst v6;
	v6 =	vmul.f32 $8.000000000e+00, v7  }
.LBB2_14:
0x1ee: {  	v7 =	vld [tilespmem:s6+$0xF0];
	s11 =	sadd.s32 $0x8, s11;
	[tilespmem:s7+$0x90] =	vst v5;
	v0 =	vmul.f32 $8.000000000e+00, v0  }
0x1ef: {  	v5 =	vld [tilespmem:s6+$0xFFFFFF10];
	p0 =	slt.u32 s11, $0xF8;
	[tilespmem:s7+$0xA0] =	vst v6;
	v1 =	vmul.f32 $8.000000000e+00, v1  }
0x1f0: {  	v6 =	vld [tilespmem:s6+$0xFFFFFF20];
	[tilespmem:s7+$0xB0] =	vst v0;
	v0 =	vmul.f32 $8.000000000e+00, v2  }
0x1f1: {  	v2 =	vld [tilespmem:s6+$0xFFFFFF30];
	[tilespmem:s7+$0xC0] =	vst v1;
	v1 =	vmul.f32 $8.000000000e+00, v3  }
0x1f2: {  	v3 =	vld [tilespmem:s6+$0xFFFFFF40];
	v4 =	vmul.f32 $8.000000000e+00, v4;
	[tilespmem:s7+$0xD0] =	vst v0  }
0x1f3: {  	v0 =	vld [tilespmem:s6+$0xFFFFFF50];
	v7 =	vmul.f32 $8.000000000e+00, v7;
	[tilespmem:s7+$0xE0] =	vst v1  }
0x1f4: {  	v1 =	vmul.f32 $8.000000000e+00, v5;
	v5 =	vld [tilespmem:s6+$0xFFFFFF60];
	[tilespmem:s7+$0xFFFFFF00] =	vst v4;
	s7 =	smov.u32 s6  }
0x1f5: {  	v4 =	vmul.f32 $8.000000000e+00, v6;
	v6 =	vld [tilespmem:s6+$0xFFFFFF70];
	[tilespmem:s6+$0xF0] =	vst v7  }
0x1f6: {  	[tilespmem:s6+$0xFFFFFF10] =	vst v1;
	v1 =	vmul.f32 $8.000000000e+00, v2;
	v2 =	vld [tilespmem:s6+$0xFFFFFF80]  }
0x1f7: {  	[tilespmem:s6+$0xFFFFFF20] =	vst v4;
	v3 =	vmul.f32 $8.000000000e+00, v3;
	v4 =	vld [tilespmem:s6+$0xFFFFFF90]  }
0x1f8: {  	[tilespmem:s6+$0xFFFFFF30] =	vst v1;
	v0 =	vmul.f32 $8.000000000e+00, v0;
	v1 =	vld [tilespmem:s6+$0xFFFFFFA0]  }
0x1f9: {  	[tilespmem:s6+$0xFFFFFF40] =	vst v3;
	v3 =	vmul.f32 $8.000000000e+00, v5;
	v5 =	vld [tilespmem:s6+$0xFFFFFFB0]  }
0x1fa: {  	[tilespmem:s6+$0xFFFFFF50] =	vst v0;
	v0 =	vmul.f32 $8.000000000e+00, v6;
	v6 =	vld [tilespmem:s6+$0xFFFFFFC0]  }
0x1fb: {  	[tilespmem:s6+$0xFFFFFF60] =	vst v3;
	v2 =	vmul.f32 $8.000000000e+00, v2;
	v3 =	vld [tilespmem:s6+$0xFFFFFFD0]  }
0x1fc: {  	[tilespmem:s6+$0xFFFFFF70] =	vst v0;
	v0 =	vmul.f32 $8.000000000e+00, v4;
	v4 =	vld [tilespmem:s6+$0xFFFFFFE0]  }
0x1fd: {  	[tilespmem:s6+$0xFFFFFF80] =	vst v2;
	v1 =	vmul.f32 $8.000000000e+00, v1;
	v2 =	vld [tilespmem:s6+$0xFFFFFFF0]  }
0x1fe: {  	[tilespmem:s6+$0xFFFFFF90] =	vst v0;
	v0 =	vmul.f32 $8.000000000e+00, v5;
	v5 =	vld [tilespmem:s6+$0x0]  }
0x1ff: {  	[tilespmem:s6+$0xFFFFFFA0] =	vst v1;
	v1 =	vmul.f32 $8.000000000e+00, v6;
	v6 =	vld [tilespmem:s6+$0x10]  }
0x200: {  	[tilespmem:s6+$0xFFFFFFB0] =	vst v0;
	v0 =	vmul.f32 $8.000000000e+00, v3;
	v3 =	vld [tilespmem:s6+$0x20]  }
0x201: {  	[tilespmem:s6+$0xFFFFFFC0] =	vst v1;
	v1 =	vmul.f32 $8.000000000e+00, v4;
	v4 =	vld [tilespmem:s6+$0x30]  }
0x202: {  	[tilespmem:s6+$0xFFFFFFD0] =	vst v0;
	v0 =	vmul.f32 $8.000000000e+00, v2;
	v2 =	vld [tilespmem:s6+$0x40]  }
0x203: {  	[tilespmem:s6+$0xFFFFFFE0] =	vst v1;
	v1 =	vmul.f32 $8.000000000e+00, v5;
	v5 =	vld [tilespmem:s6+$0x50]  }
0x204: {  	[tilespmem:s6+$0xFFFFFFF0] =	vst v0;
	v0 =	vmul.f32 $8.000000000e+00, v6;
	v6 =	vld [tilespmem:s6+$0x60]  }
0x205: {  	[tilespmem:s6+$0x0] =	vst v1;
	v1 =	vmul.f32 $8.000000000e+00, v3;
	v3 =	vld [tilespmem:s6+$0x70]  }
0x206: {  	[tilespmem:s6+$0x10] =	vst v0;
	v0 =	vmul.f32 $8.000000000e+00, v4;
	v4 =	vld [tilespmem:s6+$0x80]  }
0x207: {  	[tilespmem:s6+$0x20] =	vst v1;
	v1 =	vmul.f32 $8.000000000e+00, v2;
	v7 =	vld [tilespmem:s6+$0x90]  }
0x208: {  	[tilespmem:s6+$0x30] =	vst v0;
	v2 =	vmul.f32 $8.000000000e+00, v5;
	v8 =	vld [tilespmem:s6+$0xA0]  }
.Ltmp6:
0x209: {  	[tilespmem:s6+$0x40] =	vst v1;
	v5 =	vmul.f32 $8.000000000e+00, v6;
	v0 =	vld [tilespmem:s6+$0xB0];
	(pc) =	sbr.rel @p0 .LBB2_14-.Ltmp6, $4  }
0x20a: {  	[tilespmem:s6+$0x50] =	vst v2;
	v3 =	vmul.f32 $8.000000000e+00, v3;
	v1 =	vld [tilespmem:s6+$0xC0]  }
0x20b: {  	[tilespmem:s6+$0x60] =	vst v5;
	v6 =	vmul.f32 $8.000000000e+00, v4;
	v2 =	vld [tilespmem:s6+$0xD0]  }
0x20c: {  	[tilespmem:s6+$0x70] =	vst v3;
	v5 =	vmul.f32 $8.000000000e+00, v7;
	v3 =	vld [tilespmem:s6+$0xE0]  }
0x20d: {  	s6 =	sadd.s32 $0x200, s6;
	v4 =	vld [tilespmem:s7+$0xFFFFFF00];
	[tilespmem:s7+$0x80] =	vst v6;
	v6 =	vmul.f32 $8.000000000e+00, v8  }
0x20e: {  	[tilespmem:s7+$0x90] =	vst v5;
	v0 =	vmul.f32 $8.000000000e+00, v0  }
0x20f: {  	[tilespmem:s7+$0xA0] =	vst v6;
	v1 =	vmul.f32 $8.000000000e+00, v1  }
0x210: {  	[tilespmem:s7+$0xB0] =	vst v0;
	v0 =	vmul.f32 $8.000000000e+00, v2  }
0x211: {  	[tilespmem:s7+$0xC0] =	vst v1;
	v1 =	vmul.f32 $8.000000000e+00, v3  }
0x212: {  	v2 =	vmul.f32 $8.000000000e+00, v4;
	[tilespmem:s7+$0xD0] =	vst v0  }
0x213: {  	[tilespmem:s7+$0xE0] =	vst v1  }
0x214: {  	[tilespmem:s7+$0xFFFFFF00] =	vst v2  }
0x215: {  	s6 =	rddreg [dreg:$0x5]  }
0x216: {  	[hbm4b:s6+s3] =	stream.linear.scatter [tilespmem:s20], [sflag:$0x6], $0x4000, $0x38;
	[tilespmem:$0x16400] =	vst v63  }
0x217: {  	_ =	swait.ge [sflag:s21], $0x2000  }
0x218: {  	[sflag:s21] =	ssyncset.done $0x0  }
0x219: {  	[sflag:s21] =	ssyncadd.s32 $0xFFFFE000  }
0x21a: {  	_ =	swait.ge [sflag:s21], $0x2000  }
0x21b: {  	[sflag:s21] =	ssyncset.done $0x0  }
0x21c: {  	s7 =	simm.s32 $0xE500;
	[sflag:s21] =	ssyncadd.s32 $0xFFFFE000  }
0x21d: {  	v0 =	vld [tilespmem:s7+$0xF0]  }
0x21e: {  	v1 =	vld [tilespmem:s7+$0xFFFFFF10]  }
0x21f: {  	v2 =	vld [tilespmem:s7+$0xFFFFFF20]  }
0x220: {  	v3 =	vld [tilespmem:s7+$0xFFFFFF30]  }
0x221: {  	v4 =	vld [tilespmem:s7+$0xFFFFFF40]  }
0x222: {  	v5 =	vld [tilespmem:s7+$0xFFFFFF50];
	v0 =	vmul.f32 $8.000000000e+00, v0  }
0x223: {  	v6 =	vld [tilespmem:s7+$0xFFFFFF60];
	v1 =	vmul.f32 $8.000000000e+00, v1  }
0x224: {  	v7 =	vld [tilespmem:s7+$0xFFFFFF70];
	v2 =	vmul.f32 $8.000000000e+00, v2;
	[tilespmem:s7+$0xF0] =	vst v0  }
0x225: {  	[tilespmem:s7+$0xFFFFFF10] =	vst v1;
	v0 =	vmul.f32 $8.000000000e+00, v3;
	v1 =	vld [tilespmem:s7+$0xFFFFFF80]  }
0x226: {  	[tilespmem:s7+$0xFFFFFF20] =	vst v2;
	v2 =	vmul.f32 $8.000000000e+00, v4;
	v3 =	vld [tilespmem:s7+$0xFFFFFF90]  }
0x227: {  	v4 =	vld [tilespmem:s7+$0xFFFFFFA0];
	[tilespmem:s7+$0xFFFFFF30] =	vst v0;
	v0 =	vmul.f32 $8.000000000e+00, v5  }
0x228: {  	[tilespmem:s7+$0xFFFFFF40] =	vst v2;
	v2 =	vmul.f32 $8.000000000e+00, v6;
	v5 =	vld [tilespmem:s7+$0xFFFFFFB0]  }
0x229: {  	v6 =	vld [tilespmem:s7+$0xFFFFFFC0];
	[tilespmem:s7+$0xFFFFFF50] =	vst v0;
	v0 =	vmul.f32 $8.000000000e+00, v7  }
0x22a: {  	[tilespmem:s7+$0xFFFFFF60] =	vst v2;
	v2 =	vld [tilespmem:s7+$0xFFFFFFD0];
	v1 =	vmul.f32 $8.000000000e+00, v1  }
0x22b: {  	[tilespmem:s7+$0xFFFFFF70] =	vst v0;
	v0 =	vmul.f32 $8.000000000e+00, v3;
	v3 =	vld [tilespmem:s7+$0xFFFFFFE0]  }
0x22c: {  	[tilespmem:s7+$0xFFFFFF80] =	vst v1;
	v1 =	vmul.f32 $8.000000000e+00, v4;
	v4 =	vld [tilespmem:s7+$0xFFFFFFF0]  }
0x22d: {  	[tilespmem:s7+$0xFFFFFF90] =	vst v0;
	v0 =	vmul.f32 $8.000000000e+00, v5;
	v5 =	vld [tilespmem:s7+$0x0]  }
0x22e: {  	[tilespmem:s7+$0xFFFFFFA0] =	vst v1;
	v1 =	vmul.f32 $8.000000000e+00, v6;
	v6 =	vld [tilespmem:s7+$0x10]  }
0x22f: {  	[tilespmem:s7+$0xFFFFFFB0] =	vst v0;
	v0 =	vmul.f32 $8.000000000e+00, v2;
	v2 =	vld [tilespmem:s7+$0x20]  }
0x230: {  	[tilespmem:s7+$0xFFFFFFC0] =	vst v1;
	v1 =	vmul.f32 $8.000000000e+00, v3;
	v3 =	vld [tilespmem:s7+$0x30]  }
0x231: {  	[tilespmem:s7+$0xFFFFFFD0] =	vst v0;
	v0 =	vmul.f32 $8.000000000e+00, v4;
	v4 =	vld [tilespmem:s7+$0x40]  }
0x232: {  	[tilespmem:s7+$0xFFFFFFE0] =	vst v1;
	v1 =	vmul.f32 $8.000000000e+00, v5;
	v5 =	vld [tilespmem:s7+$0x50]  }
0x233: {  	[tilespmem:s7+$0xFFFFFFF0] =	vst v0;
	v0 =	vmul.f32 $8.000000000e+00, v6;
	v6 =	vld [tilespmem:s7+$0x60]  }
0x234: {  	[tilespmem:s7+$0x0] =	vst v1;
	v1 =	vmul.f32 $8.000000000e+00, v2;
	v2 =	vld [tilespmem:s7+$0x70]  }
0x235: {  	[tilespmem:s7+$0x10] =	vst v0;
	v0 =	vmul.f32 $8.000000000e+00, v3;
	v3 =	vld [tilespmem:s7+$0x80]  }
0x236: {  	[tilespmem:s7+$0x20] =	vst v1;
	v1 =	vmul.f32 $8.000000000e+00, v4;
	v4 =	vld [tilespmem:s7+$0x90]  }
0x237: {  	v7 =	vld [tilespmem:s7+$0xA0];
	[tilespmem:s7+$0x30] =	vst v0;
	v5 =	vmul.f32 $8.000000000e+00, v5  }
0x238: {  	v0 =	vld [tilespmem:s7+$0xB0];
	[tilespmem:s7+$0x40] =	vst v1;
	v6 =	vmul.f32 $8.000000000e+00, v6  }
0x239: {  	v1 =	vld [tilespmem:s7+$0xC0];
	[tilespmem:s7+$0x50] =	vst v5;
	v5 =	vmul.f32 $8.000000000e+00, v2  }
0x23a: {  	v2 =	vld [tilespmem:s7+$0xD0];
	[tilespmem:s7+$0x60] =	vst v6;
	v6 =	vmul.f32 $8.000000000e+00, v3  }
0x23b: {  	v3 =	vld [tilespmem:s7+$0xE0];
	[tilespmem:s7+$0x70] =	vst v5;
	v5 =	vmul.f32 $8.000000000e+00, v4  }
0x23c: {  	s11 =	simm.s32 $0x0;
	s6 =	simm.s32 $0xE700;
	v4 =	vld [tilespmem:s7+$0xFFFFFF00];
	[tilespmem:s7+$0x80] =	vst v6;
	v6 =	vmul.f32 $8.000000000e+00, v7  }
.LBB2_16:
0x23d: {  	v7 =	vld [tilespmem:s6+$0xF0];
	s11 =	sadd.s32 $0x8, s11;
	[tilespmem:s7+$0x90] =	vst v5;
	v0 =	vmul.f32 $8.000000000e+00, v0  }
0x23e: {  	v5 =	vld [tilespmem:s6+$0xFFFFFF10];
	p0 =	slt.u32 s11, $0xF8;
	[tilespmem:s7+$0xA0] =	vst v6;
	v1 =	vmul.f32 $8.000000000e+00, v1  }
0x23f: {  	v6 =	vld [tilespmem:s6+$0xFFFFFF20];
	[tilespmem:s7+$0xB0] =	vst v0;
	v0 =	vmul.f32 $8.000000000e+00, v2  }
0x240: {  	v2 =	vld [tilespmem:s6+$0xFFFFFF30];
	[tilespmem:s7+$0xC0] =	vst v1;
	v1 =	vmul.f32 $8.000000000e+00, v3  }
0x241: {  	v3 =	vld [tilespmem:s6+$0xFFFFFF40];
	v4 =	vmul.f32 $8.000000000e+00, v4;
	[tilespmem:s7+$0xD0] =	vst v0  }
0x242: {  	v0 =	vld [tilespmem:s6+$0xFFFFFF50];
	v7 =	vmul.f32 $8.000000000e+00, v7;
	[tilespmem:s7+$0xE0] =	vst v1  }
0x243: {  	v1 =	vmul.f32 $8.000000000e+00, v5;
	v5 =	vld [tilespmem:s6+$0xFFFFFF60];
	[tilespmem:s7+$0xFFFFFF00] =	vst v4;
	s7 =	smov.u32 s6  }
0x244: {  	v4 =	vmul.f32 $8.000000000e+00, v6;
	v6 =	vld [tilespmem:s6+$0xFFFFFF70];
	[tilespmem:s6+$0xF0] =	vst v7  }
0x245: {  	[tilespmem:s6+$0xFFFFFF10] =	vst v1;
	v1 =	vmul.f32 $8.000000000e+00, v2;
	v2 =	vld [tilespmem:s6+$0xFFFFFF80]  }
0x246: {  	[tilespmem:s6+$0xFFFFFF20] =	vst v4;
	v3 =	vmul.f32 $8.000000000e+00, v3;
	v4 =	vld [tilespmem:s6+$0xFFFFFF90]  }
0x247: {  	[tilespmem:s6+$0xFFFFFF30] =	vst v1;
	v0 =	vmul.f32 $8.000000000e+00, v0;
	v1 =	vld [tilespmem:s6+$0xFFFFFFA0]  }
0x248: {  	[tilespmem:s6+$0xFFFFFF40] =	vst v3;
	v3 =	vmul.f32 $8.000000000e+00, v5;
	v5 =	vld [tilespmem:s6+$0xFFFFFFB0]  }
0x249: {  	[tilespmem:s6+$0xFFFFFF50] =	vst v0;
	v0 =	vmul.f32 $8.000000000e+00, v6;
	v6 =	vld [tilespmem:s6+$0xFFFFFFC0]  }
0x24a: {  	[tilespmem:s6+$0xFFFFFF60] =	vst v3;
	v2 =	vmul.f32 $8.000000000e+00, v2;
	v3 =	vld [tilespmem:s6+$0xFFFFFFD0]  }
0x24b: {  	[tilespmem:s6+$0xFFFFFF70] =	vst v0;
	v0 =	vmul.f32 $8.000000000e+00, v4;
	v4 =	vld [tilespmem:s6+$0xFFFFFFE0]  }
0x24c: {  	[tilespmem:s6+$0xFFFFFF80] =	vst v2;
	v1 =	vmul.f32 $8.000000000e+00, v1;
	v2 =	vld [tilespmem:s6+$0xFFFFFFF0]  }
0x24d: {  	[tilespmem:s6+$0xFFFFFF90] =	vst v0;
	v0 =	vmul.f32 $8.000000000e+00, v5;
	v5 =	vld [tilespmem:s6+$0x0]  }
0x24e: {  	[tilespmem:s6+$0xFFFFFFA0] =	vst v1;
	v1 =	vmul.f32 $8.000000000e+00, v6;
	v6 =	vld [tilespmem:s6+$0x10]  }
0x24f: {  	[tilespmem:s6+$0xFFFFFFB0] =	vst v0;
	v0 =	vmul.f32 $8.000000000e+00, v3;
	v3 =	vld [tilespmem:s6+$0x20]  }
0x250: {  	[tilespmem:s6+$0xFFFFFFC0] =	vst v1;
	v1 =	vmul.f32 $8.000000000e+00, v4;
	v4 =	vld [tilespmem:s6+$0x30]  }
0x251: {  	[tilespmem:s6+$0xFFFFFFD0] =	vst v0;
	v0 =	vmul.f32 $8.000000000e+00, v2;
	v2 =	vld [tilespmem:s6+$0x40]  }
0x252: {  	[tilespmem:s6+$0xFFFFFFE0] =	vst v1;
	v1 =	vmul.f32 $8.000000000e+00, v5;
	v5 =	vld [tilespmem:s6+$0x50]  }
0x253: {  	[tilespmem:s6+$0xFFFFFFF0] =	vst v0;
	v0 =	vmul.f32 $8.000000000e+00, v6;
	v6 =	vld [tilespmem:s6+$0x60]  }
0x254: {  	[tilespmem:s6+$0x0] =	vst v1;
	v1 =	vmul.f32 $8.000000000e+00, v3;
	v3 =	vld [tilespmem:s6+$0x70]  }
0x255: {  	[tilespmem:s6+$0x10] =	vst v0;
	v0 =	vmul.f32 $8.000000000e+00, v4;
	v4 =	vld [tilespmem:s6+$0x80]  }
0x256: {  	[tilespmem:s6+$0x20] =	vst v1;
	v1 =	vmul.f32 $8.000000000e+00, v2;
	v7 =	vld [tilespmem:s6+$0x90]  }
0x257: {  	[tilespmem:s6+$0x30] =	vst v0;
	v2 =	vmul.f32 $8.000000000e+00, v5;
	v8 =	vld [tilespmem:s6+$0xA0]  }
.Ltmp7:
0x258: {  	[tilespmem:s6+$0x40] =	vst v1;
	v5 =	vmul.f32 $8.000000000e+00, v6;
	v0 =	vld [tilespmem:s6+$0xB0];
	(pc) =	sbr.rel @p0 .LBB2_16-.Ltmp7, $4  }
0x259: {  	[tilespmem:s6+$0x50] =	vst v2;
	v3 =	vmul.f32 $8.000000000e+00, v3;
	v1 =	vld [tilespmem:s6+$0xC0]  }
0x25a: {  	[tilespmem:s6+$0x60] =	vst v5;
	v6 =	vmul.f32 $8.000000000e+00, v4;
	v2 =	vld [tilespmem:s6+$0xD0]  }
0x25b: {  	[tilespmem:s6+$0x70] =	vst v3;
	v5 =	vmul.f32 $8.000000000e+00, v7;
	v3 =	vld [tilespmem:s6+$0xE0]  }
0x25c: {  	s6 =	sadd.s32 $0x200, s6;
	v4 =	vld [tilespmem:s7+$0xFFFFFF00];
	[tilespmem:s7+$0x80] =	vst v6;
	v6 =	vmul.f32 $8.000000000e+00, v8  }
0x25d: {  	[tilespmem:s7+$0x90] =	vst v5;
	v0 =	vmul.f32 $8.000000000e+00, v0  }
0x25e: {  	[tilespmem:s7+$0xA0] =	vst v6;
	v1 =	vmul.f32 $8.000000000e+00, v1  }
0x25f: {  	[tilespmem:s7+$0xB0] =	vst v0;
	v0 =	vmul.f32 $8.000000000e+00, v2  }
0x260: {  	[tilespmem:s7+$0xC0] =	vst v1;
	v1 =	vmul.f32 $8.000000000e+00, v3  }
0x261: {  	v2 =	vmul.f32 $8.000000000e+00, v4;
	[tilespmem:s7+$0xD0] =	vst v0  }
0x262: {  	[tilespmem:s7+$0xE0] =	vst v1  }
0x263: {  	[tilespmem:s7+$0xFFFFFF00] =	vst v2  }
0x264: {  	s6 =	rddreg [dreg:$0x6]  }
0x265: {  	[hbm4b:s6+s3] =	stream.linear.scatter [tilespmem:s24], [sflag:$0x7], $0x4000, $0x38;
	[tilespmem:$0x16400] =	vst v63  }
0x266: {  	_ =	swait.ge [sflag:s25], $0x2000  }
0x267: {  	[sflag:s25] =	ssyncset.done $0x0  }
0x268: {  	[sflag:s25] =	ssyncadd.s32 $0xFFFFE000  }
0x269: {  	_ =	swait.ge [sflag:s25], $0x2000  }
0x26a: {  	[sflag:s25] =	ssyncset.done $0x0  }
0x26b: {  	s7 =	simm.s32 $0x12500;
	[sflag:s25] =	ssyncadd.s32 $0xFFFFE000  }
0x26c: {  	v0 =	vld [tilespmem:s7+$0xF0]  }
0x26d: {  	v1 =	vld [tilespmem:s7+$0xFFFFFF10]  }
0x26e: {  	v2 =	vld [tilespmem:s7+$0xFFFFFF20]  }
0x26f: {  	v3 =	vld [tilespmem:s7+$0xFFFFFF30]  }
0x270: {  	v4 =	vld [tilespmem:s7+$0xFFFFFF40]  }
0x271: {  	v5 =	vld [tilespmem:s7+$0xFFFFFF50];
	v0 =	vmul.f32 $8.000000000e+00, v0  }
0x272: {  	v6 =	vld [tilespmem:s7+$0xFFFFFF60];
	v1 =	vmul.f32 $8.000000000e+00, v1  }
0x273: {  	v7 =	vld [tilespmem:s7+$0xFFFFFF70];
	v2 =	vmul.f32 $8.000000000e+00, v2;
	[tilespmem:s7+$0xF0] =	vst v0  }
0x274: {  	[tilespmem:s7+$0xFFFFFF10] =	vst v1;
	v0 =	vmul.f32 $8.000000000e+00, v3;
	v1 =	vld [tilespmem:s7+$0xFFFFFF80]  }
0x275: {  	[tilespmem:s7+$0xFFFFFF20] =	vst v2;
	v2 =	vmul.f32 $8.000000000e+00, v4;
	v3 =	vld [tilespmem:s7+$0xFFFFFF90]  }
0x276: {  	v4 =	vld [tilespmem:s7+$0xFFFFFFA0];
	[tilespmem:s7+$0xFFFFFF30] =	vst v0;
	v0 =	vmul.f32 $8.000000000e+00, v5  }
0x277: {  	[tilespmem:s7+$0xFFFFFF40] =	vst v2;
	v2 =	vmul.f32 $8.000000000e+00, v6;
	v5 =	vld [tilespmem:s7+$0xFFFFFFB0]  }
0x278: {  	v6 =	vld [tilespmem:s7+$0xFFFFFFC0];
	[tilespmem:s7+$0xFFFFFF50] =	vst v0;
	v0 =	vmul.f32 $8.000000000e+00, v7  }
0x279: {  	[tilespmem:s7+$0xFFFFFF60] =	vst v2;
	v2 =	vld [tilespmem:s7+$0xFFFFFFD0];
	v1 =	vmul.f32 $8.000000000e+00, v1  }
0x27a: {  	[tilespmem:s7+$0xFFFFFF70] =	vst v0;
	v0 =	vmul.f32 $8.000000000e+00, v3;
	v3 =	vld [tilespmem:s7+$0xFFFFFFE0]  }
0x27b: {  	[tilespmem:s7+$0xFFFFFF80] =	vst v1;
	v1 =	vmul.f32 $8.000000000e+00, v4;
	v4 =	vld [tilespmem:s7+$0xFFFFFFF0]  }
0x27c: {  	[tilespmem:s7+$0xFFFFFF90] =	vst v0;
	v0 =	vmul.f32 $8.000000000e+00, v5;
	v5 =	vld [tilespmem:s7+$0x0]  }
0x27d: {  	[tilespmem:s7+$0xFFFFFFA0] =	vst v1;
	v1 =	vmul.f32 $8.000000000e+00, v6;
	v6 =	vld [tilespmem:s7+$0x10]  }
0x27e: {  	[tilespmem:s7+$0xFFFFFFB0] =	vst v0;
	v0 =	vmul.f32 $8.000000000e+00, v2;
	v2 =	vld [tilespmem:s7+$0x20]  }
0x27f: {  	[tilespmem:s7+$0xFFFFFFC0] =	vst v1;
	v1 =	vmul.f32 $8.000000000e+00, v3;
	v3 =	vld [tilespmem:s7+$0x30]  }
0x280: {  	[tilespmem:s7+$0xFFFFFFD0] =	vst v0;
	v0 =	vmul.f32 $8.000000000e+00, v4;
	v4 =	vld [tilespmem:s7+$0x40]  }
0x281: {  	[tilespmem:s7+$0xFFFFFFE0] =	vst v1;
	v1 =	vmul.f32 $8.000000000e+00, v5;
	v5 =	vld [tilespmem:s7+$0x50]  }
0x282: {  	[tilespmem:s7+$0xFFFFFFF0] =	vst v0;
	v0 =	vmul.f32 $8.000000000e+00, v6;
	v6 =	vld [tilespmem:s7+$0x60]  }
0x283: {  	[tilespmem:s7+$0x0] =	vst v1;
	v1 =	vmul.f32 $8.000000000e+00, v2;
	v2 =	vld [tilespmem:s7+$0x70]  }
0x284: {  	[tilespmem:s7+$0x10] =	vst v0;
	v0 =	vmul.f32 $8.000000000e+00, v3;
	v3 =	vld [tilespmem:s7+$0x80]  }
0x285: {  	[tilespmem:s7+$0x20] =	vst v1;
	v1 =	vmul.f32 $8.000000000e+00, v4;
	v4 =	vld [tilespmem:s7+$0x90]  }
0x286: {  	v7 =	vld [tilespmem:s7+$0xA0];
	[tilespmem:s7+$0x30] =	vst v0;
	v5 =	vmul.f32 $8.000000000e+00, v5  }
0x287: {  	v0 =	vld [tilespmem:s7+$0xB0];
	[tilespmem:s7+$0x40] =	vst v1;
	v6 =	vmul.f32 $8.000000000e+00, v6  }
0x288: {  	v1 =	vld [tilespmem:s7+$0xC0];
	[tilespmem:s7+$0x50] =	vst v5;
	v5 =	vmul.f32 $8.000000000e+00, v2  }
0x289: {  	v2 =	vld [tilespmem:s7+$0xD0];
	[tilespmem:s7+$0x60] =	vst v6;
	v6 =	vmul.f32 $8.000000000e+00, v3  }
0x28a: {  	v3 =	vld [tilespmem:s7+$0xE0];
	[tilespmem:s7+$0x70] =	vst v5;
	v5 =	vmul.f32 $8.000000000e+00, v4  }
0x28b: {  	s11 =	simm.s32 $0x0;
	s6 =	simm.s32 $0x12700;
	v4 =	vld [tilespmem:s7+$0xFFFFFF00];
	[tilespmem:s7+$0x80] =	vst v6;
	v6 =	vmul.f32 $8.000000000e+00, v7  }
.LBB2_18:
0x28c: {  	v7 =	vld [tilespmem:s6+$0xF0];
	s11 =	sadd.s32 $0x8, s11;
	[tilespmem:s7+$0x90] =	vst v5;
	v0 =	vmul.f32 $8.000000000e+00, v0  }
0x28d: {  	v5 =	vld [tilespmem:s6+$0xFFFFFF10];
	p0 =	slt.u32 s11, $0xF8;
	[tilespmem:s7+$0xA0] =	vst v6;
	v1 =	vmul.f32 $8.000000000e+00, v1  }
0x28e: {  	v6 =	vld [tilespmem:s6+$0xFFFFFF20];
	[tilespmem:s7+$0xB0] =	vst v0;
	v0 =	vmul.f32 $8.000000000e+00, v2  }
0x28f: {  	v2 =	vld [tilespmem:s6+$0xFFFFFF30];
	[tilespmem:s7+$0xC0] =	vst v1;
	v1 =	vmul.f32 $8.000000000e+00, v3  }
0x290: {  	v3 =	vld [tilespmem:s6+$0xFFFFFF40];
	v4 =	vmul.f32 $8.000000000e+00, v4;
	[tilespmem:s7+$0xD0] =	vst v0  }
0x291: {  	v0 =	vld [tilespmem:s6+$0xFFFFFF50];
	v7 =	vmul.f32 $8.000000000e+00, v7;
	[tilespmem:s7+$0xE0] =	vst v1  }
0x292: {  	v1 =	vmul.f32 $8.000000000e+00, v5;
	v5 =	vld [tilespmem:s6+$0xFFFFFF60];
	[tilespmem:s7+$0xFFFFFF00] =	vst v4;
	s7 =	smov.u32 s6  }
0x293: {  	v4 =	vmul.f32 $8.000000000e+00, v6;
	v6 =	vld [tilespmem:s6+$0xFFFFFF70];
	[tilespmem:s6+$0xF0] =	vst v7  }
0x294: {  	[tilespmem:s6+$0xFFFFFF10] =	vst v1;
	v1 =	vmul.f32 $8.000000000e+00, v2;
	v2 =	vld [tilespmem:s6+$0xFFFFFF80]  }
0x295: {  	[tilespmem:s6+$0xFFFFFF20] =	vst v4;
	v3 =	vmul.f32 $8.000000000e+00, v3;
	v4 =	vld [tilespmem:s6+$0xFFFFFF90]  }
0x296: {  	[tilespmem:s6+$0xFFFFFF30] =	vst v1;
	v0 =	vmul.f32 $8.000000000e+00, v0;
	v1 =	vld [tilespmem:s6+$0xFFFFFFA0]  }
0x297: {  	[tilespmem:s6+$0xFFFFFF40] =	vst v3;
	v3 =	vmul.f32 $8.000000000e+00, v5;
	v5 =	vld [tilespmem:s6+$0xFFFFFFB0]  }
0x298: {  	[tilespmem:s6+$0xFFFFFF50] =	vst v0;
	v0 =	vmul.f32 $8.000000000e+00, v6;
	v6 =	vld [tilespmem:s6+$0xFFFFFFC0]  }
0x299: {  	[tilespmem:s6+$0xFFFFFF60] =	vst v3;
	v2 =	vmul.f32 $8.000000000e+00, v2;
	v3 =	vld [tilespmem:s6+$0xFFFFFFD0]  }
0x29a: {  	[tilespmem:s6+$0xFFFFFF70] =	vst v0;
	v0 =	vmul.f32 $8.000000000e+00, v4;
	v4 =	vld [tilespmem:s6+$0xFFFFFFE0]  }
0x29b: {  	[tilespmem:s6+$0xFFFFFF80] =	vst v2;
	v1 =	vmul.f32 $8.000000000e+00, v1;
	v2 =	vld [tilespmem:s6+$0xFFFFFFF0]  }
0x29c: {  	[tilespmem:s6+$0xFFFFFF90] =	vst v0;
	v0 =	vmul.f32 $8.000000000e+00, v5;
	v5 =	vld [tilespmem:s6+$0x0]  }
0x29d: {  	[tilespmem:s6+$0xFFFFFFA0] =	vst v1;
	v1 =	vmul.f32 $8.000000000e+00, v6;
	v6 =	vld [tilespmem:s6+$0x10]  }
0x29e: {  	[tilespmem:s6+$0xFFFFFFB0] =	vst v0;
	v0 =	vmul.f32 $8.000000000e+00, v3;
	v3 =	vld [tilespmem:s6+$0x20]  }
0x29f: {  	[tilespmem:s6+$0xFFFFFFC0] =	vst v1;
	v1 =	vmul.f32 $8.000000000e+00, v4;
	v4 =	vld [tilespmem:s6+$0x30]  }
0x2a0: {  	[tilespmem:s6+$0xFFFFFFD0] =	vst v0;
	v0 =	vmul.f32 $8.000000000e+00, v2;
	v2 =	vld [tilespmem:s6+$0x40]  }
0x2a1: {  	[tilespmem:s6+$0xFFFFFFE0] =	vst v1;
	v1 =	vmul.f32 $8.000000000e+00, v5;
	v5 =	vld [tilespmem:s6+$0x50]  }
0x2a2: {  	[tilespmem:s6+$0xFFFFFFF0] =	vst v0;
	v0 =	vmul.f32 $8.000000000e+00, v6;
	v6 =	vld [tilespmem:s6+$0x60]  }
0x2a3: {  	[tilespmem:s6+$0x0] =	vst v1;
	v1 =	vmul.f32 $8.000000000e+00, v3;
	v3 =	vld [tilespmem:s6+$0x70]  }
0x2a4: {  	[tilespmem:s6+$0x10] =	vst v0;
	v0 =	vmul.f32 $8.000000000e+00, v4;
	v4 =	vld [tilespmem:s6+$0x80]  }
0x2a5: {  	[tilespmem:s6+$0x20] =	vst v1;
	v1 =	vmul.f32 $8.000000000e+00, v2;
	v7 =	vld [tilespmem:s6+$0x90]  }
0x2a6: {  	[tilespmem:s6+$0x30] =	vst v0;
	v2 =	vmul.f32 $8.000000000e+00, v5;
	v8 =	vld [tilespmem:s6+$0xA0]  }
.Ltmp8:
0x2a7: {  	[tilespmem:s6+$0x40] =	vst v1;
	v5 =	vmul.f32 $8.000000000e+00, v6;
	v0 =	vld [tilespmem:s6+$0xB0];
	(pc) =	sbr.rel @p0 .LBB2_18-.Ltmp8, $4  }
0x2a8: {  	[tilespmem:s6+$0x50] =	vst v2;
	v3 =	vmul.f32 $8.000000000e+00, v3;
	v1 =	vld [tilespmem:s6+$0xC0]  }
0x2a9: {  	[tilespmem:s6+$0x60] =	vst v5;
	v6 =	vmul.f32 $8.000000000e+00, v4;
	v2 =	vld [tilespmem:s6+$0xD0]  }
0x2aa: {  	[tilespmem:s6+$0x70] =	vst v3;
	v5 =	vmul.f32 $8.000000000e+00, v7;
	v3 =	vld [tilespmem:s6+$0xE0]  }
0x2ab: {  	s6 =	sadd.s32 $0x200, s6;
	v4 =	vld [tilespmem:s7+$0xFFFFFF00];
	[tilespmem:s7+$0x80] =	vst v6;
	v6 =	vmul.f32 $8.000000000e+00, v8  }
0x2ac: {  	[tilespmem:s7+$0x90] =	vst v5;
	v0 =	vmul.f32 $8.000000000e+00, v0  }
0x2ad: {  	[tilespmem:s7+$0xA0] =	vst v6;
	v1 =	vmul.f32 $8.000000000e+00, v1  }
0x2ae: {  	[tilespmem:s7+$0xB0] =	vst v0;
	v61 =	vmul.f32 $8.000000000e+00, v2  }
0x2af: {  	[tilespmem:s7+$0xC0] =	vst v1;
	v62 =	vmul.f32 $8.000000000e+00, v3  }
0x2b0: {  	v63 =	vmul.f32 $8.000000000e+00, v4;
	[tilespmem:s7+$0xD0] =	vst v61  }
0x2b1: {  	[tilespmem:s7+$0xE0] =	vst v62  }
0x2b2: {  	[tilespmem:s7+$0xFFFFFF00] =	vst v63  }
0x2b3: {  	s6 =	rddreg [dreg:$0x7]  }
0x2b4: {  	[hbm4b:s6+s3] =	stream.linear.scatter [tilespmem:s30], [sflag:$0x8], $0x4000, $0x38;
	[tilespmem:$0x16400] =	vst v63  }
0x2b5: {  	_ =	swait.ge [sflag:s19], $0x4000  }
0x2b6: {  	[sflag:s19] =	ssyncset.done $0x0  }
0x2b7: {  	[sflag:s19] =	ssyncadd.s32 $0xFFFFC000  }
0x2b8: {  	_ =	swait.ge [sflag:s23], $0x4000  }
0x2b9: {  	[sflag:s23] =	ssyncset.done $0x0  }
0x2ba: {  	[sflag:s23] =	ssyncadd.s32 $0xFFFFC000  }
0x2bb: {  	_ =	swait.ge [sflag:s29], $0x4000  }
0x2bc: {  	[sflag:s29] =	ssyncset.done $0x0  }
0x2bd: {  	[sflag:s29] =	ssyncadd.s32 $0xFFFFC000  }
0x2be: {  	_ =	swait.ge [sflag:s31], $0x4000  }
0x2bf: {  	s14 =	rddreg [dreg:$0x9]  }
0x2c0: {  	s15 =	rddreg [dreg:$0x8];
	s7 =	sadd.s32 $0x1, s14  }
0x2c1: {  	p0 =	sne.s32 s7, s15  }
.Ltmp9:
0x2c2: {  	_ = 	snop;
	(pc) =	sbr.rel @p0 .LBB2_1-.Ltmp9, $3  }
0x2c3: {  	_ =	sdelay $0x1  }
0x2c4: {  	[sflag:s31] =	ssyncset.done $0x0  }
0x2c5: {  	[sflag:s31] =	ssyncadd.s32 $0xFFFFC000  }
0x2c6: {  	_ =	sfence.sel $0x180000  }
0x2c7: {  	[bflag:$0x0] =	sbarrier.arrive $0xFFFF  }
0x2c8: {  	_ =	strace $0x90000047  }
0x2c9: {  	s0 =	stileid.u32;
	[bflag:$0x2] =	sbarrier.arrive $0xFFFF  }
0x2ca: {  	p0 =	sne.s32 s0, $0x0;
	s0 =	rddreg [dreg:$0x2]  }
0x2cb: {  	s0 =	sadd.s32 @!p0 $0x100000, s0  }
0x2cc: {  	[sflag:s0] =	ssyncadd.tile.s32 @!p0 $0x1;
	_ =	shalt  }
.Lfunc_end2:
_tile_overlayer_lowered:
.L_overlay_start_2:
0x2cd: {  	(tag) =	ssettag $0x2  }
0x2ce: {  	s0 =	rddreg [dreg:$0x0];
	s2 =	stileid.u32  }
0x2cf: {  	s1 =	rddreg [dreg:$0x1];
	p0 =	sne.s32 s2, $0x0  }
0x2d0: {  	s3 =	rddreg [dreg:$0x2];
	[bflag:$0x3] =	sbarrier.arrive $0xFFFF;
	s2 =	simm.s32 @!p0 $0x1C09  }
0x2d1: {  	[timem:s3], [sflag:s2] =	dma.local @!p0 [hbm:s0], s1  }
0x2d2: {  	s0 =	simm.s32 @!p0 $0x9  }
0x2d3: {  	_ =	swait.ge @!p0 [sflag:s0], s1  }
0x2d4: {  	s1 =	ssub.s32 @!p0 $0x0, s1;
	[sflag:s0] =	ssyncset.done @!p0 $0x0  }
0x2d5: {  	[sflag:s0] =	ssyncadd.s32 @!p0 s1  }
0x2d6: {  	[bflag:$0x3] =	sbarrier.arrive $0xFFFF  }
0x2d7: {  	_ =	shalt  }

// kernel: sparse-core-data-format-call.cloned.1.call-start
scs
called_computation_lowered:
.L_overlay_start_0:
0x0: {  	s2 =	sld [smem:$0x3FD9]  }
0x1: {  	s3 =	sld [smem:$0x3FFE];
	_ =	sdelay $0x1  }
0x2: {  	s1 =	srdreg.scid  }
0x3: {  	s0 =	sand.u32 $0x1, s1  }
0x4: {  	s18 =	sshll.u32 s0, $0xA;
	s2 =	sadd.s32 s3, s2  }
0x5: {  	s2 =	sadd.s32 s2, s18  }
0x6: {  	[smem:$0x3FC6] =	sst s2  }
0x7: {  	_ = 	snop  }
0x8: {  	s2 =	sld [smem:$0x3FD0];
	(tm) =	ssettm $0x1  }
0x9: {  	s19 =	sld [smem:$0x3FFB];
	_ =	sdelay $0x3  }
0xa: {  	_ =	strace s19  }
0xb: {  	s3 =	sld [smem:$0x3FFC];
	_ =	sdelay $0x3  }
0xc: {  	_ =	strace s3  }
0xd: {  	s3 =	sld [smem:$0x3FFD];
	_ =	sdelay $0x3  }
0xe: {  	_ =	strace s3  }
0xf: {  	_ =	strace $0x8FFFFFFF  }
0x10: {  	s20 =	sld [smem:$0x3FDB];
	_ =	sdelay $0x1  }
0x11: {  	s4 =	simm.s32 $_scs_section_size  }
0x12: {  	s5 =	simm.s32 $_size__tile_overlayer_lowered;
	s6 =	simm.s32 $_tile_overlayer_lowered  }
0x13: {  	s23 =	simm.s32 $0x1BFF;
	s22 =	sshll.u32 s6, $0x1;
	s3 =	sadd.s32 s4, s20  }
0x14: {  	s7 =	simm.s32 $0x0;
	s21 =	sshll.u32 s5, $0x1;
	s5 =	sadd.s32 s22, s3  }
0x15: {  	[timem:s7], [sflag:s23] =	dma.local [hbm:s5], s21  }
0x16: {  	_ =	swait.ge [sflag:s23], s21  }
0x17: {  	s4 =	ssub.s32 $0x0, s21;
	[sflag:s23] =	ssyncset.done $0x0  }
0x18: {  	[sflag:s23] =	ssyncadd.s32 s4;
	_ =	sdelay $0x1  }
0x19: {  	s24 =	simm.s32 $0x1B8B  }
0x1a: {  	_ =	swait.ge [sflag:s24], $0x1  }
0x1b: {  	[sflag:s24] =	ssyncset.done $0x0  }
0x1c: {  	s26 =	simm.s32 $0x1B8E;
	s25 =	sld [smem:$0x3FFE];
	[sflag:s24] =	ssyncadd.s32 $0xFFFFFFFF  }
0x1d: {  	s27 =	simm.s32 $execute0_lowered;
	[smem:$0x3FD2] =	sst s26  }
0x1e: {  	s5 =	sshll.u32 s27, $0x1;
	_ =	strace $0x80000049;
	[dreg:$0x1] =	wrdreg $0xFFFFFFFF  }
0x1f: {  	s28 =	simm.s32 $_size_execute0_lowered;
	s3 =	sadd.s32 s3, s5;
	[dreg:$0x0] =	wrdreg $0x0  }
0x20: {  	s5 =	sshll.u32 s28, $0x1;
	[dreg:$0x2] =	wrdreg s3  }
0x21: {  	[dreg:$0x3] =	wrdreg s5  }
0x22: {  	[dreg:$0x4] =	wrdreg $0xC0  }
0x23: {  	_ =	task [dreg:s7], $0x5FFFF  }
0x24: {  	[dreg:$0x1] =	wrdreg $0xFFFFFFFF  }
0x25: {  	[dreg:$0x0] =	wrdreg $0x60  }
0x26: {  	[dreg:$0x2] =	wrdreg s25  }
0x27: {  	[dreg:$0x3] =	wrdreg s2  }
0x28: {  	[dreg:$0x4] =	wrdreg $0x9  }
0x29: {  	_ =	task.clear_ibuf [dreg:s7], $0x5FFFF;
	_ =	strace $0x90000049  }
0x2a: {  	s29 =	simm.s32 $0x9;
	_ =	strace $0x8000004B  }
0x2b: {  	_ =	swait.ge [sflag:s29], $0x1  }
0x2c: {  	[sflag:s29] =	ssyncadd.s32 $0xFFFFFFFF  }
0x2d: {  	_ =	strace $0x9000004B  }
0x2e: {  	_ =	sfence  }
0x2f: {  	s30 =	sld [smem:$0x0];
	_ =	sdelay $0x2  }
0x30: {  	s31 =	sshll.u32 s1, $0xD;
	s1 =	sshrl.u32 s1, $0x2  }
0x31: {  	s3 =	sand.u32 $0x4000, s31;
	s1 =	sadd.s32 s1, s30  }
0x32: {  	s0 =	sor.u32 s3, s0;
	s1 =	sshll.u32 s1, $0x11  }
0x33: {  	s0 =	sor.u32 s1, s0  }
0x34: {  	s0 =	sadd.s32 $0x8F2B, s0  }
0x35: {  	[sflag:s0] =	ssyncadd.remote.s32 $0x1  }
0x36: {  	_ =	sfence.sel $0xFFFF  }
0x37: {  	[dreg:$0x0] =	wrdreg $0xFFFFFFFF;
	(pc) =	sbr.abs _section_cstart, $3  }
0x38: {  	[dreg:$0x1] =	wrdreg $0xFFFFFFFF  }
0x39: {  	_ =	task.clear_ibuf [dreg:s7], $0x2FFFF;
	_ =	strace $0x9FFFFFFF  }
0x3a: {  	(tm) =	ssettm $0x7FFFFFFF  }
0x3b: {  	_ =	shalt  }
tec
execute0_lowered:
.L_overlay_start_1:
0x0: {  	(tag) =	ssettag $0x1  }
0x1: {  	s0 =	srdreg.scid  }
0x2: {  	s1 =	sshll.u32 s0, $0x4  }
0x3: {  	s0 =	stileid.u32;
	s1 =	sand.u32 $0x10, s1  }
0x4: {  	s1 =	sor.u32 s0, s1  }
0x5: {  	s6 =	rddreg [dreg:$0x0];
	s4 =	simm.s32 $0x1;
	s2 =	sshll.u32 s1, $0x7  }
0x6: {  	s7 =	simm.s32 $0x2;
	s12 =	simm.s32 $0x0;
	s1 =	ssub.s32 $0x1000, s2  }
0x7: {  	s8 =	simm.s32 $0x8000;
	s13 =	simm.s32 $0x0;
	s3 =	sand.u32 $0xF80, s1  }
0x8: {  	s9 =	simm.s32 $0x0;
	s5 =	sshrl.u32 s1, $0xC;
	p0 =	sne.s32 s3, $0x0  }
.Ltmp0:
0x9: {  	s1 =	rddreg [dreg:$0x2];
	s4 =	simm.s32 @!p0 $0x0;
	(pc) =	sbr.rel .LBB1_1-.Ltmp0, $4  }
0xa: {  	s11 =	simm.s32 $0x0;
	s3 =	rddreg [dreg:$0x1];
	s5 =	sadd.s32 s4, s5  }
0xb: {  	_ =	strace $0x8000004A;
	s4 =	simm.s32 $0x1;
	s5 =	smul.u32 $0xC8, s5  }
0xc: {  	s6 =	sadd.s32 $0xA00, s6;
	s10 =	smov.u32 s2;
	[sflag:s4] =	ssyncpa.u1 $0x0  }
0xd: {  	p0 =	por $0x0, $0x0;
	[sflag:s7] =	ssyncpa.u1 $0x0;
	s7 =	sor.u32 $0x1, s5  }
.LBB1_4:
0xe: {  	s16 =	sshll.u32 s13, $0x3;
	s17 =	sand.u32 $0x78, s13  }
0xf: {  	s30 =	sand.u32 $0x7E00, s13;
	s12 =	sshll.u32 s12, $0xF;
	s16 =	sand.u32 $0xC00, s16  }
0x10: {  	[tilespmem:s15+$0x810 ss:$0x81] =	vst.msk $0xffff, v2;
	s31 =	sand.u32 $0x7, s13;
	s16 =	sor.u32 s17, s16;
	s17 =	sadd.s32 s3, s30  }
0x11: {  	[tilespmem:s15+$0x1020 ss:$0x81] =	vst.msk $0xffff, v0;
	s13 =	sshll.u32 s31, $0x12;
	s12 =	sadd.s32 s12, s17;
	s16 =	sshrl.u32 s16, $0x3  }
0x12: {  	[tilespmem:s15+$0x0 ss:$0x81] =	vst.msk $0xffff, v1;
	s13 =	sor.u32 $0x400, s13;
	s12 =	sadd.s32 s16, s12  }
0x13: {  	[hbm4b:s12+s13] =	stream.strided.scatter [tilespmem:s14], [sflag:$0x2], $0x2000, s8, s13, $0x20;
	[tilespmem:$0x8080] =	vst v63  }
.LBB1_5:
0x14: {  	s14 =	sadd.s32 $0x1, s9  }
0x15: {  	s12 =	sadd.s32 $0x1000, s10;
	s16 =	smov.u32 s10;
	p2 =	sgt.s32 s14, $0xC7  }
0x16: {  	s16 =	smov.u32 @p2 s12  }
0x17: {  	s14 =	simm.s32 @p2 $0x0;
	p2 =	sgt.s32 s16, $0xFFF  }
0x18: {  	s16 =	smov.u32 @p2 s2;
	p2 =	sne.s32 s11, s7  }
.Ltmp1:
0x19: {  	p1 =	slt.u32 s11, $0x2;
	(pc) =	sbr.rel @!p2 .LBB1_6-.Ltmp1, $4  }
0x1a: {  	s15 =	simm.s32 @!p1 $0x2  }
0x1b: {  	s13 =	smov.u32 s10;
	p0 =	por !p0, !p0;
	_ =	swait.ge @!p1 [sflag:s15], $0x2000  }
0x1c: {  	s12 =	smov.u32 s9;
	[sflag:s15] =	ssyncset.done @!p1 $0x0;
	s9 =	smov.u32 s14  }
0x1d: {  	s11 =	sadd.s32 $0x1, s11;
	[sflag:s15] =	ssyncadd.s32 @!p1 $0xFFFFE000;
	s10 =	smov.u32 s16  }
.LBB1_1:
0x1e: {  	p1 =	sge.u32 s11, s5  }
0x1f: {  	s14 =	sand.u32 @!p1 $0x1FFFFFF, s9  }
0x20: {  	s15 =	smulhi.u32 @!p1 $0x147AE15, s14;
	_ =	sdelay $0x1  }
0x21: {  	s15 =	smul.u32 @!p1 $0xC8, s15  }
0x22: {  	s16 =	sxor.u32 @!p1 $0xFFFFFFFF, s11;
	s17 =	smul.u32 @!p1 $0xC80, s10  }
0x23: {  	s31 =	sadd.s32 $0xFFFFFFFF, s11;
	s16 =	sshll.u32 @!p1 s16, $0xD;
	s14 =	ssub.s32 @!p1 s14, s15  }
0x24: {  	s15 =	sand.u32 @!p1 $0x2000, s16;
	s16 =	sadd.s32 @!p1 s6, s17;
	s14 =	sshll.u32 @!p1 s14, $0x4  }
0x25: {  	s17 =	simm.s32 @!p1 $0x6400;
	s14 =	sadd.s32 @!p1 s14, s16;
	s16 =	simm.s32 @!p1 $0x40  }
0x26: {  	[tilespmem:s15], [sflag:$0x1] =	stream.strided.gather @!p1 [hbm4b:s14+s16], $0x2000, s17, s16, $0x38;
	[tilespmem:$0x8080] =	vst v63  }
0x27: {  	p1 =	sge.u32 s31, s5  }
.Ltmp2:
0x28: {  	_ = 	snop;
	(pc) =	sbr.rel @p1 .LBB1_5-.Ltmp2, $1  }
0x29: {  	_ =	sdelay $0x3  }
0x2a: {  	s14 =	simm.s32 $0x1  }
0x2b: {  	_ =	swait.ge [sflag:s4], $0x2000;
	s14 =	simm.s32 @!p0 $0x0  }
0x2c: {  	[sflag:s4] =	ssyncset.done $0x0;
	s15 =	sshll.u32 s14, $0xD  }
0x2d: {  	[sflag:s4] =	ssyncadd.s32 $0xFFFFE000;
	s18 =	sor.u32 $0x20, s15  }
0x2e: {  	s14 =	smul.u32 $0x8100, s14;
	v3 =	vld [tilespmem:s18+$0x10]  }
0x2f: {  	s30 =	sand.u32 $0x1, s11;
	v2 =	vld [tilespmem:s18+$0xFFFFFFF0]  }
0x30: {  	s15 =	smul.u32 $0x8100, s30;
	s14 =	sshrl.u32 s14, $0x2;
	v0 =	vld [tilespmem:s18+$0x0]  }
0x31: {  	v1 =	vld [tilespmem:s18+$0xFFFFFFE0];
	s16 =	sor.u32 $0x4000, s14  }
0x32: {  	s31 =	sshrl.u32 s15, $0x2;
	s15 =	sadd.s32 $0x0, s16  }
0x33: {  	s17 =	simm.s32 $0x4;
	s18 =	sadd.s32 $0x40, s18;
	s14 =	sor.u32 $0x4000, s31;
	[tilespmem:s15+$0x1830 ss:$0x81] =	vst.msk $0xffff, v3  }
.LBB1_3:
0x34: {  	v3 =	vld [tilespmem:s18+$0x10];
	p1 =	sne.s32 s17, $0x1FC;
	[tilespmem:s15+$0x810 ss:$0x81] =	vst.msk $0xffff, v2;
	s19 =	smov.u32 s17;
	s17 =	sadd.s32 $0x4, s17  }
.Ltmp3:
0x35: {  	v2 =	vld [tilespmem:s18+$0xFFFFFFF0];
	[tilespmem:s15+$0x1020 ss:$0x81] =	vst.msk $0xffff, v0;
	(pc) =	sbr.rel @p1 .LBB1_3-.Ltmp3, $4  }
0x36: {  	v0 =	vld [tilespmem:s18+$0x0];
	[tilespmem:s15+$0x0 ss:$0x81] =	vst.msk $0xffff, v1  }
0x37: {  	s15 =	sshra.s32 s19, $0x2;
	v1 =	vld [tilespmem:s18+$0xFFFFFFE0]  }
0x38: {  	s15 =	sadd.s32 s15, s16  }
0x39: {  	s18 =	sadd.s32 $0x40, s18;
	[tilespmem:s15+$0x1830 ss:$0x81] =	vst.msk $0xffff, v3  }
.Ltmp4:
0x3a: {  	_ = 	snop;
	(pc) =	sbr.rel .LBB1_4-.Ltmp4, $1  }
0x3b: {  	_ =	sdelay $0x3  }
.LBB1_6:
0x3c: {  	_ =	sfence.sel $0x180000  }
0x3d: {  	s2 =	simm.s32 $0x1;
	[bflag:$0x0] =	sbarrier.arrive $0xFFFF  }
0x3e: {  	s31 =	simm.s32 $0x2;
	[sflag:s2] =	ssyncpa.u1 $0x1  }
0x3f: {  	[sflag:s31] =	ssyncpa.u1 $0x1  }
0x40: {  	p0 =	sne.s32 s0, $0x0;
	_ =	strace $0x9000004A  }
0x41: {  	s0 =	sadd.s32 @!p0 $0x100000, s1;
	[bflag:$0x2] =	sbarrier.arrive $0xFFFF  }
0x42: {  	[sflag:s0] =	ssyncadd.tile.s32 @!p0 $0x1;
	_ =	shalt  }
.Lfunc_end1:
_tile_overlayer_lowered:
.L_overlay_start_2:
0x43: {  	(tag) =	ssettag $0x2  }
0x44: {  	s0 =	rddreg [dreg:$0x0];
	s2 =	stileid.u32  }
0x45: {  	s1 =	rddreg [dreg:$0x1];
	p0 =	sne.s32 s2, $0x0  }
0x46: {  	s3 =	rddreg [dreg:$0x2];
	[bflag:$0x3] =	sbarrier.arrive $0xFFFF;
	s2 =	simm.s32 @!p0 $0x1C01  }
0x47: {  	[timem:s3], [sflag:s2] =	dma.local @!p0 [hbm:s0], s1  }
0x48: {  	s0 =	simm.s32 @!p0 $0x1  }
0x49: {  	_ =	swait.ge @!p0 [sflag:s0], s1  }
0x4a: {  	s1 =	ssub.s32 @!p0 $0x0, s1;
	[sflag:s0] =	ssyncset.done @!p0 $0x0  }
0x4b: {  	[sflag:s0] =	ssyncadd.s32 @!p0 s1  }
0x4c: {  	[bflag:$0x3] =	sbarrier.arrive $0xFFFF  }
0x4d: {  	_ =	shalt  }

</sc_bundles>
